<compile_context>
chip_gen: v7x
topology: tpu7x:2x2x1
jax: 0.10.2.dev20260603
libtpu: 0.0.44.dev20260713+nightly
codegen_flags: <defaults>
</compile_context>

<pallas_src>
import functools

import jax
import jax.numpy as jnp
from jax import lax
from jax.experimental import pallas as pl
from jax.experimental.pallas import tpu as pltpu
from jax.experimental.pallas import tpu_sc as plsc

N = 10000
E = 160000
D = 256
G = 64
EPS = 1e-5

NP = 10240
BLK = 2048
NB = NP // BLK
SW = 2 * D + 8

H = 128
EC = 72
TILES = 16
NBUF = 4
NCH = 140
EPT = NCH * EC
EP = EPT * TILES
NR = 10112
ROWS_PT = NR // TILES
CE = 4096
EPD = 163840
NBE = EPD // CE
QN = NP // 128

_HIGH = lax.Precision.DEFAULT


def _onehot_t(b_row):
    gids = lax.broadcasted_iota(jnp.int32, (G, BLK), 0)
    return (gids == b_row).astype(jnp.float32)


def _stats_body(x_ref, b_ref, s_ref):
    i = pl.program_id(0)
    x = x_ref[...]
    oh = _onehot_t(b_ref[0])
    xx = jnp.concatenate([x, x * x, jnp.ones((BLK, 8), jnp.float32)], axis=1)
    part = lax.dot_general(oh, xx, (((1,), (0,)), ((), ())),
                           preferred_element_type=jnp.float32, precision=_HIGH)

    @pl.when(i == 0)
    def _():
        s_ref[...] = part

    @pl.when(i > 0)
    def _():
        s_ref[...] = s_ref[...] + part


def _norm_terms(s_all, msc, w):
    sx = s_all[:, :D]
    sxx = s_all[:, D:2 * D]
    cnt = jnp.maximum(s_all[:, 2 * D:2 * D + 1], 1.0)
    m = sx / cnt
    ms = m * msc
    var = sxx / cnt - 2.0 * ms * m + ms * ms
    inv = lax.rsqrt(var + EPS)
    return ms, w * inv


def _sel(oh, a):
    return lax.dot_general(oh, a, (((0,), (0,)), ((), ())),
                           preferred_element_type=jnp.float32, precision=_HIGH)


def _apply1_body(x_ref, b_ref, s_ref, msc_ref, w_ref, bias_ref, wr_ref,
                 ha_ref, hb_ref, hr_ref):
    x = x_ref[...]
    oh = _onehot_t(b_ref[0])
    ms, wi = _norm_terms(s_ref[...], msc_ref[...], w_ref[...])
    h = (x - _sel(oh, ms)) * _sel(oh, wi) + bias_ref[...]
    hr_ref[...] = lax.dot_general(h, wr_ref[...], (((1,), (1,)), ((), ())),
                                  preferred_element_type=jnp.float32,
                                  precision=_HIGH)
    ha_ref[...] = h[:, :128]
    hb_ref[...] = h[:, 128:]


def _deg_body(d_ref, o_ref):
    i = pl.program_id(0)
    d = d_ref[0]
    q = d // 128
    r = d - q * 128
    ohq = (lax.broadcasted_iota(jnp.int32, (CE, QN), 1) == q).astype(jnp.bfloat16)
    ohr = (lax.broadcasted_iota(jnp.int32, (CE, 128), 1) == r).astype(jnp.bfloat16)
    part = lax.dot_general(ohq, ohr, (((0,), (0,)), ((), ())),
                           preferred_element_type=jnp.float32)

    @pl.when(i == 0)
    def _():
        o_ref[...] = part

    @pl.when(i > 0)
    def _():
        o_ref[...] = o_ref[...] + part


def _combine_body(x_ref, b_ref, aa_ref, ab_ref, deg_ref, hr_ref, wl_ref,
                  bl_ref, y_ref, s_ref):
    i = pl.program_id(0)
    agg = jnp.concatenate([aa_ref[...], ab_ref[...]], axis=1)
    agg = agg / jnp.maximum(deg_ref[...], 1.0)
    z = lax.dot_general(agg, wl_ref[...], (((1,), (1,)), ((), ())),
                        preferred_element_type=jnp.float32, precision=_HIGH)
    y = jnp.maximum(x_ref[...] + z + bl_ref[...] + hr_ref[...], 0.0)
    y_ref[...] = y
    oh = _onehot_t(b_ref[0])
    yy = jnp.concatenate([y, y * y, jnp.ones((BLK, 8), jnp.float32)], axis=1)
    part = lax.dot_general(oh, yy, (((1,), (0,)), ((), ())),
                           preferred_element_type=jnp.float32, precision=_HIGH)

    @pl.when(i == 0)
    def _():
        s_ref[...] = part

    @pl.when(i > 0)
    def _():
        s_ref[...] = s_ref[...] + part


def _apply2_body(y_ref, b_ref, s_ref, msc_ref, w_ref, bias_ref, o_ref):
    y = y_ref[...]
    oh = _onehot_t(b_ref[0])
    ms, wi = _norm_terms(s_ref[...], msc_ref[...], w_ref[...])
    o_ref[...] = (y - _sel(oh, ms)) * _sel(oh, wi) + bias_ref[...]


_xspec = pl.BlockSpec((BLK, D), lambda i: (i, 0))
_bspec = pl.BlockSpec((1, 1, BLK), lambda i: (i, 0, 0))
_sspec = pl.BlockSpec((G, SW), lambda i: (0, 0))
_pspec = pl.BlockSpec((1, D), lambda i: (0, 0))
_wspec = pl.BlockSpec((D, D), lambda i: (0, 0))
_aspec = pl.BlockSpec((BLK, H), lambda i: (i, 0))
_cparams = pltpu.CompilerParams(dimension_semantics=("arbitrary",))

_stats_call = pl.pallas_call(
    _stats_body, grid=(NB,),
    in_specs=[_xspec, _bspec],
    out_specs=_sspec,
    out_shape=jax.ShapeDtypeStruct((G, SW), jnp.float32),
    compiler_params=_cparams)

_apply1_call = pl.pallas_call(
    _apply1_body, grid=(NB,),
    in_specs=[_xspec, _bspec, _sspec, _pspec, _pspec, _pspec, _wspec],
    out_specs=[_aspec, _aspec, _xspec],
    out_shape=[jax.ShapeDtypeStruct((NP, H), jnp.float32),
               jax.ShapeDtypeStruct((NP, H), jnp.float32),
               jax.ShapeDtypeStruct((NP, D), jnp.float32)],
    compiler_params=_cparams)

_dspec = pl.BlockSpec((BLK, 1), lambda i: (i, 0))

_combine_call = pl.pallas_call(
    _combine_body, grid=(NB,),
    in_specs=[_xspec, _bspec, _aspec, _aspec, _dspec, _xspec, _wspec, _pspec],
    out_specs=[_xspec, _sspec],
    out_shape=[jax.ShapeDtypeStruct((NP, D), jnp.float32),
               jax.ShapeDtypeStruct((G, SW), jnp.float32)],
    compiler_params=_cparams)

_deg_call = pl.pallas_call(
    _deg_body, grid=(NBE,),
    in_specs=[pl.BlockSpec((1, CE, 1), lambda i: (i, 0, 0))],
    out_specs=pl.BlockSpec((QN, 128), lambda i: (0, 0)),
    out_shape=jax.ShapeDtypeStruct((QN, 128), jnp.float32),
    compiler_params=_cparams)

_apply2_call = pl.pallas_call(
    _apply2_body, grid=(NB,),
    in_specs=[_xspec, _bspec, _sspec, _pspec, _pspec, _pspec],
    out_specs=_xspec,
    out_shape=jax.ShapeDtypeStruct((NP, D), jnp.float32),
    compiler_params=_cparams)


def _sc_agg_body(ha, hb, srcp1, dstp2, outa, outb,
                 idxs_all, idxd_buf, staged, acc, *sems):
    cid = lax.axis_index("c")
    sid = lax.axis_index("s")
    gsem = sems[:NBUF]
    ssem = sems[NBUF:2 * NBUF]
    dsem = sems[2 * NBUF:3 * NBUF]

    def run(h_hbm, out_hbm):
        def zero_row(i, carry):
            for c in range(H // 16):
                staged[0, i, pl.ds(c * 16, 16)] = jnp.zeros((16,), jnp.float32)
            return carry

        lax.fori_loop(0, EC, zero_row, 0)
        r0 = sid * ROWS_PT
        nfull = ROWS_PT // EC
        for j in range(nfull):
            pltpu.sync_copy(staged.at[0], acc.at[pl.ds(r0 + j * EC, EC)])
        rem = ROWS_PT - nfull * EC
        if rem:
            pltpu.sync_copy(staged.at[0, pl.ds(0, rem)],
                            acc.at[pl.ds(r0 + nfull * EC, rem)])

        @pl.when(sid == 0)
        def _():
            pltpu.sync_copy(staged.at[0], out_hbm.at[pl.ds(NR, EC)])
            pltpu.sync_copy(staged.at[0, pl.ds(0, NP - NR - EC)],
                            out_hbm.at[pl.ds(NR + EC, NP - NR - EC)])

        plsc.subcore_barrier()

        row0 = sid * NCH
        pltpu.sync_copy(srcp1.at[pl.ds(sid * EPT, EPT)], idxs_all)

        def fetch(k, b):
            pltpu.async_copy(dstp2.at[row0 + k], idxd_buf.at[b], dsem[b])
            off = pl.multiple_of(k * EC, EC)
            pltpu.async_copy(h_hbm.at[idxs_all.at[pl.ds(off, EC)]],
                             staged.at[b], gsem[b])

        def fwait(b):
            pltpu.make_async_copy(dstp2.at[0], idxd_buf.at[b], dsem[b]).wait()
            pltpu.make_async_copy(h_hbm.at[idxs_all.at[pl.ds(0, EC)]],
                                  staged.at[b], gsem[b]).wait()

        def swait(b):
            pltpu.make_async_copy(staged.at[b], acc.at[idxd_buf.at[0]],
                                  ssem[b]).wait()

        for b in range(NBUF):
            fetch(b, b)

        def group(g, carry):
            for b in range(NBUF):
                k = g * NBUF + b
                fwait(b)
                pltpu.async_copy(staged.at[b], acc.at[idxd_buf.at[b]],
                                 ssem[b], add=True)

                @pl.when(k + NBUF < NCH)
                def _():
                    swait(b)
                    fetch(k + NBUF, b)

            return carry

        lax.fori_loop(0, NCH // NBUF, group, 0)
        for b in range(NBUF):
            swait(b)
        plsc.subcore_barrier()
        pltpu.sync_copy(acc.at[pl.ds(r0, ROWS_PT)],
                        out_hbm.at[pl.ds(r0, ROWS_PT)])

    @pl.when(cid == 0)
    def _():
        run(ha, outa)

    @pl.when(cid == 1)
    def _():
        run(hb, outb)


@functools.cache
def _make_sc_agg():
    mesh = plsc.VectorSubcoreMesh(core_axis_name="c", subcore_axis_name="s",
                                  num_cores=2, num_subcores=16)
    return pl.kernel(
        _sc_agg_body,
        out_type=(jax.ShapeDtypeStruct((NP, H), jnp.float32),
                  jax.ShapeDtypeStruct((NP, H), jnp.float32)),
        mesh=mesh,
        scratch_types=[
            pltpu.VMEM((EPT,), jnp.int32),
            pltpu.VMEM((NBUF, EC), jnp.int32),
            pltpu.VMEM((NBUF, EC, H), jnp.float32),
            pltpu.VMEM_SHARED((NR, H), jnp.float32),
        ] + [pltpu.SemaphoreType.DMA] * (3 * NBUF))


def _sc_agg(ha, hb, srcp, dstp):
    return _make_sc_agg()(ha, hb, srcp, dstp)


def kernel(x, lin_l_W, lin_l_b, lin_r_W, norm1_weight, norm1_bias,
           norm1_mean_scale, norm2_weight, norm2_bias, norm2_mean_scale,
           edge_index, batch):
    xp = jnp.pad(x, ((0, NP - N), (0, 0)))
    bp = jnp.pad(batch.astype(jnp.int32), (0, NP - N), constant_values=G)
    b3 = bp.reshape(NB, 1, BLK)
    src = edge_index[0].astype(jnp.int32)
    dst = edge_index[1].astype(jnp.int32)
    lpad = max(EP, EPD)
    srcp = jnp.pad(src, (0, lpad - E))
    dstp = jnp.pad(dst, (0, lpad - E), constant_values=N)

    s1m = norm1_mean_scale.reshape(1, D)
    s1w = norm1_weight.reshape(1, D)
    s1b = norm1_bias.reshape(1, D)
    s2m = norm2_mean_scale.reshape(1, D)
    s2w = norm2_weight.reshape(1, D)
    s2b = norm2_bias.reshape(1, D)
    blb = lin_l_b.reshape(1, D)

    stats1 = _stats_call(xp, b3)
    ha, hb, hr = _apply1_call(xp, b3, stats1, s1m, s1w, s1b, lin_r_W)
    agga, aggb = _sc_agg(ha, hb, srcp[:EP],
                         dstp[:EP].reshape(EP // EC, EC))
    deg = _deg_call(dstp[:EPD].reshape(NBE, CE, 1)).reshape(NP, 1)
    y, stats2 = _combine_call(xp, b3, agga, aggb, deg, hr, lin_l_W, blb)
    out = _apply2_call(y, b3, stats2, s2m, s2w, s2b)
    return out[:N]

# --- scband reference (transcript-rebuilt; emitter-appended) ---
"""Pipeline reference for scband-residual-block-5299989643692 (READ-ONLY COPY).

The authoritative reference and input builder live on the scoring server;
editing this copy changes nothing except your own understanding.
"""

import jax, jax.numpy as jnp
import numpy as np

N_NODES = 10000
N_EDGES = 160000
DIM = 256
NUM_GRAPHS = 64
EPS = 1e-5


def graph_norm(x, batch, weight, bias, mean_scale):
    ones = jnp.ones((x.shape[0],), dtype=x.dtype)
    cnt = jax.ops.segment_sum(ones, batch, num_segments=NUM_GRAPHS)
    cnt = jnp.clip(cnt, 1.0)
    mean = jax.ops.segment_sum(x, batch, num_segments=NUM_GRAPHS) / cnt[:, None]
    out = x - mean[batch] * mean_scale
    var = jax.ops.segment_sum(out * out, batch, num_segments=NUM_GRAPHS) / cnt[:, None]
    std = jnp.sqrt(var + EPS)[batch]
    return weight * out / std + bias


def sage_conv_mean(h, edge_index, lin_l_W, lin_l_b, lin_r_W):
    src = edge_index[0]
    dst = edge_index[1]
    msg = h[src]
    agg = jax.ops.segment_sum(msg, dst, num_segments=N_NODES)
    deg = jax.ops.segment_sum(jnp.ones((src.shape[0],), dtype=h.dtype), dst, num_segments=N_NODES)
    agg = agg / jnp.clip(deg, 1.0)[:, None]
    return agg @ lin_l_W.T + lin_l_b + h @ lin_r_W.T


def setup_inputs(seed: int = 0) -> dict:
    key = jax.random.key(seed)
    k = jax.random.split(key, 8)
    x = jax.random.normal(k[0], (N_NODES, DIM), dtype=jnp.float32)
    edge_index = jax.random.randint(k[1], (2, N_EDGES), 0, N_NODES, dtype=jnp.int64 if jax.config.jax_enable_x64 else jnp.int32)
    batch = jnp.sort(jax.random.randint(k[2], (N_NODES,), 0, NUM_GRAPHS, dtype=jnp.int64 if jax.config.jax_enable_x64 else jnp.int32))
    # SAGEConv params (lin_l has bias, lin_r has no bias, PyG default)
    s = 1.0 / np.sqrt(DIM)
    lin_l_W = jax.random.uniform(k[3], (DIM, DIM), dtype=jnp.float32, minval=-s, maxval=s)
    lin_l_b = jax.random.uniform(k[4], (DIM,), dtype=jnp.float32, minval=-s, maxval=s)
    lin_r_W = jax.random.uniform(k[5], (DIM, DIM), dtype=jnp.float32, minval=-s, maxval=s)
    # GraphNorm params: weight=1, bias=0, mean_scale=1 (PyG init)
    norm1_weight = jnp.ones((DIM,), dtype=jnp.float32)
    norm1_bias = jnp.zeros((DIM,), dtype=jnp.float32)
    norm1_mean_scale = jnp.ones((DIM,), dtype=jnp.float32)
    norm2_weight = jnp.ones((DIM,), dtype=jnp.float32)
    norm2_bias = jnp.zeros((DIM,), dtype=jnp.float32)
    norm2_mean_scale = jnp.ones((DIM,), dtype=jnp.float32)
    return {
        "x": x,
        "lin_l_W": lin_l_W,
        "lin_l_b": lin_l_b,
        "lin_r_W": lin_r_W,
        "norm1_weight": norm1_weight,
        "norm1_bias": norm1_bias,
        "norm1_mean_scale": norm1_mean_scale,
        "norm2_weight": norm2_weight,
        "norm2_bias": norm2_bias,
        "norm2_mean_scale": norm2_mean_scale,
        "edge_index": edge_index,
        "batch": batch,
    }


def reference(x, lin_l_W, lin_l_b, lin_r_W, norm1_weight, norm1_bias, norm1_mean_scale, norm2_weight, norm2_bias, norm2_mean_scale, edge_index, batch):
    h = graph_norm(x, batch, norm1_weight, norm1_bias, norm1_mean_scale)
    h = sage_conv_mean(h, edge_index, lin_l_W, lin_l_b, lin_r_W)
    h = x + h
    h = jax.nn.relu(h)
    # dropout is identity in eval/reference mode
    h = graph_norm(h, batch, norm2_weight, norm2_bias, norm2_mean_scale)
    return h

if __name__ == "__main__":
    import jax
    _d = setup_inputs()
    print(jax.jit(kernel)(*tuple(_d.values())))

</pallas_src>

<mosaic_0001>
#map = affine_map<(d0, d1) -> (0, 0)>
#map1 = affine_map<(d0, d1) -> (0)>
module attributes {stable_mosaic.version = 14 : i64} {
  func.func @_sc_agg_body(%arg0: i32, %arg1: i32, %arg2: memref<10240x128xf32, #tpu.memory_space<hbm>>, %arg3: memref<10240x128xf32, #tpu.memory_space<hbm>>, %arg4: memref<161280xi32, #tpu.memory_space<hbm>>, %arg5: memref<2240x72xi32, #tpu.memory_space<hbm>>, %arg6: memref<10240x128xf32, #tpu.memory_space<hbm>>, %arg7: memref<10240x128xf32, #tpu.memory_space<hbm>>, %arg8: memref<10080xi32, #tpu.memory_space<vmem>>, %arg9: memref<4x72xi32, #tpu.memory_space<vmem>>, %arg10: memref<4x72x128xf32, #tpu.memory_space<vmem>>, %arg11: memref<10112x128xf32, #tpu.memory_space<vmem_shared>>, %arg12: memref<!tpu.dma_semaphore, #tpu.memory_space<semaphore_mem>>, %arg13: memref<!tpu.dma_semaphore, #tpu.memory_space<semaphore_mem>>, %arg14: memref<!tpu.dma_semaphore, #tpu.memory_space<semaphore_mem>>, %arg15: memref<!tpu.dma_semaphore, #tpu.memory_space<semaphore_mem>>, %arg16: memref<!tpu.dma_semaphore, #tpu.memory_space<semaphore_mem>>, %arg17: memref<!tpu.dma_semaphore, #tpu.memory_space<semaphore_mem>>, %arg18: memref<!tpu.dma_semaphore, #tpu.memory_space<semaphore_mem>>, %arg19: memref<!tpu.dma_semaphore, #tpu.memory_space<semaphore_mem>>, %arg20: memref<!tpu.dma_semaphore, #tpu.memory_space<semaphore_mem>>, %arg21: memref<!tpu.dma_semaphore, #tpu.memory_space<semaphore_mem>>, %arg22: memref<!tpu.dma_semaphore, #tpu.memory_space<semaphore_mem>>, %arg23: memref<!tpu.dma_semaphore, #tpu.memory_space<semaphore_mem>>) attributes {dimension_semantics = [#tpu.dimension_semantics<core_parallel>, #tpu.dimension_semantics<subcore_parallel>], iteration_bounds = array<i64: 2, 16>, scalar_prefetch = 0 : i64, scratch_operands = 16 : i64, tpu.core_type = #tpu.core_type<sc_vector_subcore>, window_params = [{transform_indices = #map}, {transform_indices = #map}, {transform_indices = #map1}, {transform_indices = #map}, {transform_indices = #map}, {transform_indices = #map}]} {
    %eq3A = arith.constant 0 : i32
    %eq3A_0 = arith.cmpi eq, %arg0, %eq3A : i32
    %convert_element_type3A = arith.extui %eq3A_0 : i1 to i32
    %cond3A = arith.constant 0 : i32
    %cond3A_1 = arith.cmpi ne, %convert_element_type3A, %cond3A : i32
    scf.if %cond3A_1 {
      %scan3A = arith.constant 0 : i32
      %scan3A_7 = arith.constant 0 : i32
      %scan3A_8 = arith.constant 72 : i32
      %scan3A_9 = arith.addi %scan3A_7, %scan3A_8 : i32
      %scan3A_10 = arith.constant 1 : i32
      scf.for %scan3A_203 = %scan3A_7 to %scan3A_9 step %scan3A_10  : i32 {
        %broadcast_in_dim3A = arith.constant 0.000000e+00 : f32
        %broadcast_in_dim3A_204 = vector.broadcast %broadcast_in_dim3A : f32 to vector<16xf32>
        %swap3A = arith.constant 0 : i32
        %swap3A_205 = arith.index_cast %swap3A : i32 to index
        %swap3A_206 = arith.index_cast %scan3A_203 : i32 to index
        %swap3A_207 = arith.constant 0 : index
        %swap3A_208 = tpu.vector_load %arg10[%swap3A_205, %swap3A_206, %swap3A_207] {strides = array<i32>} : memref<4x72x128xf32, #tpu.memory_space<vmem>>, vector<1x1x16xf32>,
        %swap3A_209 = vector.shape_cast %swap3A_208 : vector<1x1x16xf32> to vector<16xf32>
        %swap3A_210 = vector.shape_cast %broadcast_in_dim3A_204 : vector<16xf32> to vector<1x1x16xf32>
        tpu.vector_store %arg10[%swap3A_205, %swap3A_206, %swap3A_207], %swap3A_210 {strides = array<i32>} : memref<4x72x128xf32, #tpu.memory_space<vmem>>, vector<1x1x16xf32>,
        %broadcast_in_dim3A_211 = arith.constant 0.000000e+00 : f32
        %broadcast_in_dim3A_212 = vector.broadcast %broadcast_in_dim3A_211 : f32 to vector<16xf32>
        %swap3A_213 = arith.constant 0 : i32
        %swap3A_214 = arith.index_cast %swap3A_213 : i32 to index
        %swap3A_215 = arith.index_cast %scan3A_203 : i32 to index
        %swap3A_216 = arith.constant 16 : index
        %swap3A_217 = tpu.vector_load %arg10[%swap3A_214, %swap3A_215, %swap3A_216] {strides = array<i32>} : memref<4x72x128xf32, #tpu.memory_space<vmem>>, vector<1x1x16xf32>,
        %swap3A_218 = vector.shape_cast %swap3A_217 : vector<1x1x16xf32> to vector<16xf32>
        %swap3A_219 = vector.shape_cast %broadcast_in_dim3A_212 : vector<16xf32> to vector<1x1x16xf32>
        tpu.vector_store %arg10[%swap3A_214, %swap3A_215, %swap3A_216], %swap3A_219 {strides = array<i32>} : memref<4x72x128xf32, #tpu.memory_space<vmem>>, vector<1x1x16xf32>,
        %broadcast_in_dim3A_220 = arith.constant 0.000000e+00 : f32
        %broadcast_in_dim3A_221 = vector.broadcast %broadcast_in_dim3A_220 : f32 to vector<16xf32>
        %swap3A_222 = arith.constant 0 : i32
        %swap3A_223 = arith.index_cast %swap3A_222 : i32 to index
        %swap3A_224 = arith.index_cast %scan3A_203 : i32 to index
        %swap3A_225 = arith.constant 32 : index
        %swap3A_226 = tpu.vector_load %arg10[%swap3A_223, %swap3A_224, %swap3A_225] {strides = array<i32>} : memref<4x72x128xf32, #tpu.memory_space<vmem>>, vector<1x1x16xf32>,
        %swap3A_227 = vector.shape_cast %swap3A_226 : vector<1x1x16xf32> to vector<16xf32>
        %swap3A_228 = vector.shape_cast %broadcast_in_dim3A_221 : vector<16xf32> to vector<1x1x16xf32>
        tpu.vector_store %arg10[%swap3A_223, %swap3A_224, %swap3A_225], %swap3A_228 {strides = array<i32>} : memref<4x72x128xf32, #tpu.memory_space<vmem>>, vector<1x1x16xf32>,
        %broadcast_in_dim3A_229 = arith.constant 0.000000e+00 : f32
        %broadcast_in_dim3A_230 = vector.broadcast %broadcast_in_dim3A_229 : f32 to vector<16xf32>
        %swap3A_231 = arith.constant 0 : i32
        %swap3A_232 = arith.index_cast %swap3A_231 : i32 to index
        %swap3A_233 = arith.index_cast %scan3A_203 : i32 to index
        %swap3A_234 = arith.constant 48 : index
        %swap3A_235 = tpu.vector_load %arg10[%swap3A_232, %swap3A_233, %swap3A_234] {strides = array<i32>} : memref<4x72x128xf32, #tpu.memory_space<vmem>>, vector<1x1x16xf32>,
        %swap3A_236 = vector.shape_cast %swap3A_235 : vector<1x1x16xf32> to vector<16xf32>
        %swap3A_237 = vector.shape_cast %broadcast_in_dim3A_230 : vector<16xf32> to vector<1x1x16xf32>
        tpu.vector_store %arg10[%swap3A_232, %swap3A_233, %swap3A_234], %swap3A_237 {strides = array<i32>} : memref<4x72x128xf32, #tpu.memory_space<vmem>>, vector<1x1x16xf32>,
        %broadcast_in_dim3A_238 = arith.constant 0.000000e+00 : f32
        %broadcast_in_dim3A_239 = vector.broadcast %broadcast_in_dim3A_238 : f32 to vector<16xf32>
        %swap3A_240 = arith.constant 0 : i32
        %swap3A_241 = arith.index_cast %swap3A_240 : i32 to index
        %swap3A_242 = arith.index_cast %scan3A_203 : i32 to index
        %swap3A_243 = arith.constant 64 : index
        %swap3A_244 = tpu.vector_load %arg10[%swap3A_241, %swap3A_242, %swap3A_243] {strides = array<i32>} : memref<4x72x128xf32, #tpu.memory_space<vmem>>, vector<1x1x16xf32>,
        %swap3A_245 = vector.shape_cast %swap3A_244 : vector<1x1x16xf32> to vector<16xf32>
        %swap3A_246 = vector.shape_cast %broadcast_in_dim3A_239 : vector<16xf32> to vector<1x1x16xf32>
        tpu.vector_store %arg10[%swap3A_241, %swap3A_242, %swap3A_243], %swap3A_246 {strides = array<i32>} : memref<4x72x128xf32, #tpu.memory_space<vmem>>, vector<1x1x16xf32>,
        %broadcast_in_dim3A_247 = arith.constant 0.000000e+00 : f32
        %broadcast_in_dim3A_248 = vector.broadcast %broadcast_in_dim3A_247 : f32 to vector<16xf32>
        %swap3A_249 = arith.constant 0 : i32
        %swap3A_250 = arith.index_cast %swap3A_249 : i32 to index
        %swap3A_251 = arith.index_cast %scan3A_203 : i32 to index
        %swap3A_252 = arith.constant 80 : index
        %swap3A_253 = tpu.vector_load %arg10[%swap3A_250, %swap3A_251, %swap3A_252] {strides = array<i32>} : memref<4x72x128xf32, #tpu.memory_space<vmem>>, vector<1x1x16xf32>,
        %swap3A_254 = vector.shape_cast %swap3A_253 : vector<1x1x16xf32> to vector<16xf32>
        %swap3A_255 = vector.shape_cast %broadcast_in_dim3A_248 : vector<16xf32> to vector<1x1x16xf32>
        tpu.vector_store %arg10[%swap3A_250, %swap3A_251, %swap3A_252], %swap3A_255 {strides = array<i32>} : memref<4x72x128xf32, #tpu.memory_space<vmem>>, vector<1x1x16xf32>,
        %broadcast_in_dim3A_256 = arith.constant 0.000000e+00 : f32
        %broadcast_in_dim3A_257 = vector.broadcast %broadcast_in_dim3A_256 : f32 to vector<16xf32>
        %swap3A_258 = arith.constant 0 : i32
        %swap3A_259 = arith.index_cast %swap3A_258 : i32 to index
        %swap3A_260 = arith.index_cast %scan3A_203 : i32 to index
        %swap3A_261 = arith.constant 96 : index
        %swap3A_262 = tpu.vector_load %arg10[%swap3A_259, %swap3A_260, %swap3A_261] {strides = array<i32>} : memref<4x72x128xf32, #tpu.memory_space<vmem>>, vector<1x1x16xf32>,
        %swap3A_263 = vector.shape_cast %swap3A_262 : vector<1x1x16xf32> to vector<16xf32>
        %swap3A_264 = vector.shape_cast %broadcast_in_dim3A_257 : vector<16xf32> to vector<1x1x16xf32>
        tpu.vector_store %arg10[%swap3A_259, %swap3A_260, %swap3A_261], %swap3A_264 {strides = array<i32>} : memref<4x72x128xf32, #tpu.memory_space<vmem>>, vector<1x1x16xf32>,
        %broadcast_in_dim3A_265 = arith.constant 0.000000e+00 : f32
        %broadcast_in_dim3A_266 = vector.broadcast %broadcast_in_dim3A_265 : f32 to vector<16xf32>
        %swap3A_267 = arith.constant 0 : i32
        %swap3A_268 = arith.index_cast %swap3A_267 : i32 to index
        %swap3A_269 = arith.index_cast %scan3A_203 : i32 to index
        %swap3A_270 = arith.constant 112 : index
        %swap3A_271 = tpu.vector_load %arg10[%swap3A_268, %swap3A_269, %swap3A_270] {strides = array<i32>} : memref<4x72x128xf32, #tpu.memory_space<vmem>>, vector<1x1x16xf32>,
        %swap3A_272 = vector.shape_cast %swap3A_271 : vector<1x1x16xf32> to vector<16xf32>
        %swap3A_273 = vector.shape_cast %broadcast_in_dim3A_266 : vector<16xf32> to vector<1x1x16xf32>
        tpu.vector_store %arg10[%swap3A_268, %swap3A_269, %swap3A_270], %swap3A_273 {strides = array<i32>} : memref<4x72x128xf32, #tpu.memory_space<vmem>>, vector<1x1x16xf32>,
      }
      %scan3A_11 = arith.constant 72 : i32
      %mul3A = arith.constant 632 : i32
      %mul3A_12 = arith.muli %arg1, %mul3A : i32
      %add3A = arith.constant 0 : i32
      %add3A_13 = arith.addi %mul3A_12, %add3A : i32
      %run_scoped3A = arith.constant 0 : i32
      "tpu.region"() ({
        %run_scoped3A_203 = tpu.sem_alloc : memref<!tpu.dma_semaphore, #tpu.memory_space<semaphore_mem>>
        %dma_start3A_204 = arith.constant 0 : i32
        %dma_start3A_205 = arith.constant 0 : i32
        %dma_start3A_206 = tpu.memref_slice %arg10[%run_scoped3A, %dma_start3A_204, %dma_start3A_205] : memref<4x72x128xf32, #tpu.memory_space<vmem>> -> memref<1x72x128xf32, #tpu.memory_space<vmem>>
        %dma_start3A_207 = tpu.memref_squeeze %dma_start3A_206 : memref<1x72x128xf32, #tpu.memory_space<vmem>> -> memref<72x128xf32, #tpu.memory_space<vmem>>
        %dma_start3A_208 = arith.constant 0 : i32
        %dma_start3A_209 = tpu.memref_slice %arg11[%add3A_13, %dma_start3A_208] : memref<10112x128xf32, #tpu.memory_space<vmem_shared>> -> memref<72x128xf32, #tpu.memory_space<vmem_shared>>
        %dma_start3A_210 = arith.constant 0 : i32
        %dma_start3A_211 = tpu.memref_slice %arg11[%add3A_13, %dma_start3A_210] : memref<10112x128xf32, #tpu.memory_space<vmem_shared>> -> memref<72x128xf32, #tpu.memory_space<vmem_shared>>
        %dma_start3A_212 = arith.constant 0 : i32
        %dma_start3A_213 = arith.constant 0 : i32
        %dma_start3A_214 = tpu.memref_slice %arg10[%run_scoped3A, %dma_start3A_212, %dma_start3A_213] : memref<4x72x128xf32, #tpu.memory_space<vmem>> -> memref<1x72x128xf32, #tpu.memory_space<vmem>>
        %dma_start3A_215 = tpu.memref_squeeze %dma_start3A_214 : memref<1x72x128xf32, #tpu.memory_space<vmem>> -> memref<72x128xf32, #tpu.memory_space<vmem>>
        tpu.enqueue_dma source(%dma_start3A_215 : memref<72x128xf32, #tpu.memory_space<vmem>>) target(%dma_start3A_211 : memref<72x128xf32, #tpu.memory_space<vmem_shared>>) target_semaphore(%run_scoped3A_203 : memref<!tpu.dma_semaphore, #tpu.memory_space<semaphore_mem>>)
        %dma_wait3A_216 = arith.constant 0 : i32
        %dma_wait3A_217 = arith.constant 0 : i32
        %dma_wait3A_218 = tpu.memref_slice %arg10[%run_scoped3A, %dma_wait3A_216, %dma_wait3A_217] : memref<4x72x128xf32, #tpu.memory_space<vmem>> -> memref<1x72x128xf32, #tpu.memory_space<vmem>>
        %dma_wait3A_219 = tpu.memref_squeeze %dma_wait3A_218 : memref<1x72x128xf32, #tpu.memory_space<vmem>> -> memref<72x128xf32, #tpu.memory_space<vmem>>
        %dma_wait3A_220 = arith.constant 0 : i32
        %dma_wait3A_221 = tpu.memref_slice %arg11[%add3A_13, %dma_wait3A_220] : memref<10112x128xf32, #tpu.memory_space<vmem_shared>> -> memref<72x128xf32, #tpu.memory_space<vmem_shared>>
        %dma_wait3A_222 = arith.constant 0 : i32
        %dma_wait3A_223 = tpu.memref_slice %arg11[%add3A_13, %dma_wait3A_222] : memref<10112x128xf32, #tpu.memory_space<vmem_shared>> -> memref<72x128xf32, #tpu.memory_space<vmem_shared>>
        %dma_wait3A_224 = arith.constant 0 : i32
        %dma_wait3A_225 = arith.constant 0 : i32
        %dma_wait3A_226 = tpu.memref_slice %arg10[%run_scoped3A, %dma_wait3A_224, %dma_wait3A_225] : memref<4x72x128xf32, #tpu.memory_space<vmem>> -> memref<1x72x128xf32, #tpu.memory_space<vmem>>
        %dma_wait3A_227 = tpu.memref_squeeze %dma_wait3A_226 : memref<1x72x128xf32, #tpu.memory_space<vmem>> -> memref<72x128xf32, #tpu.memory_space<vmem>>
        tpu.wait_dma2 semaphore(%run_scoped3A_203 : memref<!tpu.dma_semaphore, #tpu.memory_space<semaphore_mem>>) src(%dma_wait3A_227 : memref<72x128xf32, #tpu.memory_space<vmem>>) dst(%dma_wait3A_223 : memref<72x128xf32, #tpu.memory_space<vmem_shared>>)
        tpu.yield
      }) : () -> ()
      %add3A_14 = arith.constant 72 : i32
      %add3A_15 = arith.addi %mul3A_12, %add3A_14 : i32
      %run_scoped3A_16 = arith.constant 0 : i32
      "tpu.region"() ({
        %run_scoped3A_203 = tpu.sem_alloc : memref<!tpu.dma_semaphore, #tpu.memory_space<semaphore_mem>>
        %dma_start3A_204 = arith.constant 0 : i32
        %dma_start3A_205 = arith.constant 0 : i32
        %dma_start3A_206 = tpu.memref_slice %arg10[%run_scoped3A_16, %dma_start3A_204, %dma_start3A_205] : memref<4x72x128xf32, #tpu.memory_space<vmem>> -> memref<1x72x128xf32, #tpu.memory_space<vmem>>
        %dma_start3A_207 = tpu.memref_squeeze %dma_start3A_206 : memref<1x72x128xf32, #tpu.memory_space<vmem>> -> memref<72x128xf32, #tpu.memory_space<vmem>>
        %dma_start3A_208 = arith.constant 0 : i32
        %dma_start3A_209 = tpu.memref_slice %arg11[%add3A_15, %dma_start3A_208] : memref<10112x128xf32, #tpu.memory_space<vmem_shared>> -> memref<72x128xf32, #tpu.memory_space<vmem_shared>>
        %dma_start3A_210 = arith.constant 0 : i32
        %dma_start3A_211 = tpu.memref_slice %arg11[%add3A_15, %dma_start3A_210] : memref<10112x128xf32, #tpu.memory_space<vmem_shared>> -> memref<72x128xf32, #tpu.memory_space<vmem_shared>>
        %dma_start3A_212 = arith.constant 0 : i32
        %dma_start3A_213 = arith.constant 0 : i32
        %dma_start3A_214 = tpu.memref_slice %arg10[%run_scoped3A_16, %dma_start3A_212, %dma_start3A_213] : memref<4x72x128xf32, #tpu.memory_space<vmem>> -> memref<1x72x128xf32, #tpu.memory_space<vmem>>
        %dma_start3A_215 = tpu.memref_squeeze %dma_start3A_214 : memref<1x72x128xf32, #tpu.memory_space<vmem>> -> memref<72x128xf32, #tpu.memory_space<vmem>>
        tpu.enqueue_dma source(%dma_start3A_215 : memref<72x128xf32, #tpu.memory_space<vmem>>) target(%dma_start3A_211 : memref<72x128xf32, #tpu.memory_space<vmem_shared>>) target_semaphore(%run_scoped3A_203 : memref<!tpu.dma_semaphore, #tpu.memory_space<semaphore_mem>>)
        %dma_wait3A_216 = arith.constant 0 : i32
        %dma_wait3A_217 = arith.constant 0 : i32
        %dma_wait3A_218 = tpu.memref_slice %arg10[%run_scoped3A_16, %dma_wait3A_216, %dma_wait3A_217] : memref<4x72x128xf32, #tpu.memory_space<vmem>> -> memref<1x72x128xf32, #tpu.memory_space<vmem>>
        %dma_wait3A_219 = tpu.memref_squeeze %dma_wait3A_218 : memref<1x72x128xf32, #tpu.memory_space<vmem>> -> memref<72x128xf32, #tpu.memory_space<vmem>>
        %dma_wait3A_220 = arith.constant 0 : i32
        %dma_wait3A_221 = tpu.memref_slice %arg11[%add3A_15, %dma_wait3A_220] : memref<10112x128xf32, #tpu.memory_space<vmem_shared>> -> memref<72x128xf32, #tpu.memory_space<vmem_shared>>
        %dma_wait3A_222 = arith.constant 0 : i32
        %dma_wait3A_223 = tpu.memref_slice %arg11[%add3A_15, %dma_wait3A_222] : memref<10112x128xf32, #tpu.memory_space<vmem_shared>> -> memref<72x128xf32, #tpu.memory_space<vmem_shared>>
        %dma_wait3A_224 = arith.constant 0 : i32
        %dma_wait3A_225 = arith.constant 0 : i32
        %dma_wait3A_226 = tpu.memref_slice %arg10[%run_scoped3A_16, %dma_wait3A_224, %dma_wait3A_225] : memref<4x72x128xf32, #tpu.memory_space<vmem>> -> memref<1x72x128xf32, #tpu.memory_space<vmem>>
        %dma_wait3A_227 = tpu.memref_squeeze %dma_wait3A_226 : memref<1x72x128xf32, #tpu.memory_space<vmem>> -> memref<72x128xf32, #tpu.memory_space<vmem>>
        tpu.wait_dma2 semaphore(%run_scoped3A_203 : memref<!tpu.dma_semaphore, #tpu.memory_space<semaphore_mem>>) src(%dma_wait3A_227 : memref<72x128xf32, #tpu.memory_space<vmem>>) dst(%dma_wait3A_223 : memref<72x128xf32, #tpu.memory_space<vmem_shared>>)
        tpu.yield
      }) : () -> ()
      %add3A_17 = arith.constant 144 : i32
      %add3A_18 = arith.addi %mul3A_12, %add3A_17 : i32
      %run_scoped3A_19 = arith.constant 0 : i32
      "tpu.region"() ({
        %run_scoped3A_203 = tpu.sem_alloc : memref<!tpu.dma_semaphore, #tpu.memory_space<semaphore_mem>>
        %dma_start3A_204 = arith.constant 0 : i32
        %dma_start3A_205 = arith.constant 0 : i32
        %dma_start3A_206 = tpu.memref_slice %arg10[%run_scoped3A_19, %dma_start3A_204, %dma_start3A_205] : memref<4x72x128xf32, #tpu.memory_space<vmem>> -> memref<1x72x128xf32, #tpu.memory_space<vmem>>
        %dma_start3A_207 = tpu.memref_squeeze %dma_start3A_206 : memref<1x72x128xf32, #tpu.memory_space<vmem>> -> memref<72x128xf32, #tpu.memory_space<vmem>>
        %dma_start3A_208 = arith.constant 0 : i32
        %dma_start3A_209 = tpu.memref_slice %arg11[%add3A_18, %dma_start3A_208] : memref<10112x128xf32, #tpu.memory_space<vmem_shared>> -> memref<72x128xf32, #tpu.memory_space<vmem_shared>>
        %dma_start3A_210 = arith.constant 0 : i32
        %dma_start3A_211 = tpu.memref_slice %arg11[%add3A_18, %dma_start3A_210] : memref<10112x128xf32, #tpu.memory_space<vmem_shared>> -> memref<72x128xf32, #tpu.memory_space<vmem_shared>>
        %dma_start3A_212 = arith.constant 0 : i32
        %dma_start3A_213 = arith.constant 0 : i32
        %dma_start3A_214 = tpu.memref_slice %arg10[%run_scoped3A_19, %dma_start3A_212, %dma_start3A_213] : memref<4x72x128xf32, #tpu.memory_space<vmem>> -> memref<1x72x128xf32, #tpu.memory_space<vmem>>
        %dma_start3A_215 = tpu.memref_squeeze %dma_start3A_214 : memref<1x72x128xf32, #tpu.memory_space<vmem>> -> memref<72x128xf32, #tpu.memory_space<vmem>>
        tpu.enqueue_dma source(%dma_start3A_215 : memref<72x128xf32, #tpu.memory_space<vmem>>) target(%dma_start3A_211 : memref<72x128xf32, #tpu.memory_space<vmem_shared>>) target_semaphore(%run_scoped3A_203 : memref<!tpu.dma_semaphore, #tpu.memory_space<semaphore_mem>>)
        %dma_wait3A_216 = arith.constant 0 : i32
        %dma_wait3A_217 = arith.constant 0 : i32
        %dma_wait3A_218 = tpu.memref_slice %arg10[%run_scoped3A_19, %dma_wait3A_216, %dma_wait3A_217] : memref<4x72x128xf32, #tpu.memory_space<vmem>> -> memref<1x72x128xf32, #tpu.memory_space<vmem>>
        %dma_wait3A_219 = tpu.memref_squeeze %dma_wait3A_218 : memref<1x72x128xf32, #tpu.memory_space<vmem>> -> memref<72x128xf32, #tpu.memory_space<vmem>>
        %dma_wait3A_220 = arith.constant 0 : i32
        %dma_wait3A_221 = tpu.memref_slice %arg11[%add3A_18, %dma_wait3A_220] : memref<10112x128xf32, #tpu.memory_space<vmem_shared>> -> memref<72x128xf32, #tpu.memory_space<vmem_shared>>
        %dma_wait3A_222 = arith.constant 0 : i32
        %dma_wait3A_223 = tpu.memref_slice %arg11[%add3A_18, %dma_wait3A_222] : memref<10112x128xf32, #tpu.memory_space<vmem_shared>> -> memref<72x128xf32, #tpu.memory_space<vmem_shared>>
        %dma_wait3A_224 = arith.constant 0 : i32
        %dma_wait3A_225 = arith.constant 0 : i32
        %dma_wait3A_226 = tpu.memref_slice %arg10[%run_scoped3A_19, %dma_wait3A_224, %dma_wait3A_225] : memref<4x72x128xf32, #tpu.memory_space<vmem>> -> memref<1x72x128xf32, #tpu.memory_space<vmem>>
        %dma_wait3A_227 = tpu.memref_squeeze %dma_wait3A_226 : memref<1x72x128xf32, #tpu.memory_space<vmem>> -> memref<72x128xf32, #tpu.memory_space<vmem>>
        tpu.wait_dma2 semaphore(%run_scoped3A_203 : memref<!tpu.dma_semaphore, #tpu.memory_space<semaphore_mem>>) src(%dma_wait3A_227 : memref<72x128xf32, #tpu.memory_space<vmem>>) dst(%dma_wait3A_223 : memref<72x128xf32, #tpu.memory_space<vmem_shared>>)
        tpu.yield
      }) : () -> ()
      %add3A_20 = arith.constant 216 : i32
      %add3A_21 = arith.addi %mul3A_12, %add3A_20 : i32
      %run_scoped3A_22 = arith.constant 0 : i32
      "tpu.region"() ({
        %run_scoped3A_203 = tpu.sem_alloc : memref<!tpu.dma_semaphore, #tpu.memory_space<semaphore_mem>>
        %dma_start3A_204 = arith.constant 0 : i32
        %dma_start3A_205 = arith.constant 0 : i32
        %dma_start3A_206 = tpu.memref_slice %arg10[%run_scoped3A_22, %dma_start3A_204, %dma_start3A_205] : memref<4x72x128xf32, #tpu.memory_space<vmem>> -> memref<1x72x128xf32, #tpu.memory_space<vmem>>
        %dma_start3A_207 = tpu.memref_squeeze %dma_start3A_206 : memref<1x72x128xf32, #tpu.memory_space<vmem>> -> memref<72x128xf32, #tpu.memory_space<vmem>>
        %dma_start3A_208 = arith.constant 0 : i32
        %dma_start3A_209 = tpu.memref_slice %arg11[%add3A_21, %dma_start3A_208] : memref<10112x128xf32, #tpu.memory_space<vmem_shared>> -> memref<72x128xf32, #tpu.memory_space<vmem_shared>>
        %dma_start3A_210 = arith.constant 0 : i32
        %dma_start3A_211 = tpu.memref_slice %arg11[%add3A_21, %dma_start3A_210] : memref<10112x128xf32, #tpu.memory_space<vmem_shared>> -> memref<72x128xf32, #tpu.memory_space<vmem_shared>>
        %dma_start3A_212 = arith.constant 0 : i32
        %dma_start3A_213 = arith.constant 0 : i32
        %dma_start3A_214 = tpu.memref_slice %arg10[%run_scoped3A_22, %dma_start3A_212, %dma_start3A_213] : memref<4x72x128xf32, #tpu.memory_space<vmem>> -> memref<1x72x128xf32, #tpu.memory_space<vmem>>
        %dma_start3A_215 = tpu.memref_squeeze %dma_start3A_214 : memref<1x72x128xf32, #tpu.memory_space<vmem>> -> memref<72x128xf32, #tpu.memory_space<vmem>>
        tpu.enqueue_dma source(%dma_start3A_215 : memref<72x128xf32, #tpu.memory_space<vmem>>) target(%dma_start3A_211 : memref<72x128xf32, #tpu.memory_space<vmem_shared>>) target_semaphore(%run_scoped3A_203 : memref<!tpu.dma_semaphore, #tpu.memory_space<semaphore_mem>>)
        %dma_wait3A_216 = arith.constant 0 : i32
        %dma_wait3A_217 = arith.constant 0 : i32
        %dma_wait3A_218 = tpu.memref_slice %arg10[%run_scoped3A_22, %dma_wait3A_216, %dma_wait3A_217] : memref<4x72x128xf32, #tpu.memory_space<vmem>> -> memref<1x72x128xf32, #tpu.memory_space<vmem>>
        %dma_wait3A_219 = tpu.memref_squeeze %dma_wait3A_218 : memref<1x72x128xf32, #tpu.memory_space<vmem>> -> memref<72x128xf32, #tpu.memory_space<vmem>>
        %dma_wait3A_220 = arith.constant 0 : i32
        %dma_wait3A_221 = tpu.memref_slice %arg11[%add3A_21, %dma_wait3A_220] : memref<10112x128xf32, #tpu.memory_space<vmem_shared>> -> memref<72x128xf32, #tpu.memory_space<vmem_shared>>
        %dma_wait3A_222 = arith.constant 0 : i32
        %dma_wait3A_223 = tpu.memref_slice %arg11[%add3A_21, %dma_wait3A_222] : memref<10112x128xf32, #tpu.memory_space<vmem_shared>> -> memref<72x128xf32, #tpu.memory_space<vmem_shared>>
        %dma_wait3A_224 = arith.constant 0 : i32
        %dma_wait3A_225 = arith.constant 0 : i32
        %dma_wait3A_226 = tpu.memref_slice %arg10[%run_scoped3A_22, %dma_wait3A_224, %dma_wait3A_225] : memref<4x72x128xf32, #tpu.memory_space<vmem>> -> memref<1x72x128xf32, #tpu.memory_space<vmem>>
        %dma_wait3A_227 = tpu.memref_squeeze %dma_wait3A_226 : memref<1x72x128xf32, #tpu.memory_space<vmem>> -> memref<72x128xf32, #tpu.memory_space<vmem>>
        tpu.wait_dma2 semaphore(%run_scoped3A_203 : memref<!tpu.dma_semaphore, #tpu.memory_space<semaphore_mem>>) src(%dma_wait3A_227 : memref<72x128xf32, #tpu.memory_space<vmem>>) dst(%dma_wait3A_223 : memref<72x128xf32, #tpu.memory_space<vmem_shared>>)
        tpu.yield
      }) : () -> ()
      %add3A_23 = arith.constant 288 : i32
      %add3A_24 = arith.addi %mul3A_12, %add3A_23 : i32
      %run_scoped3A_25 = arith.constant 0 : i32
      "tpu.region"() ({
        %run_scoped3A_203 = tpu.sem_alloc : memref<!tpu.dma_semaphore, #tpu.memory_space<semaphore_mem>>
        %dma_start3A_204 = arith.constant 0 : i32
        %dma_start3A_205 = arith.constant 0 : i32
        %dma_start3A_206 = tpu.memref_slice %arg10[%run_scoped3A_25, %dma_start3A_204, %dma_start3A_205] : memref<4x72x128xf32, #tpu.memory_space<vmem>> -> memref<1x72x128xf32, #tpu.memory_space<vmem>>
        %dma_start3A_207 = tpu.memref_squeeze %dma_start3A_206 : memref<1x72x128xf32, #tpu.memory_space<vmem>> -> memref<72x128xf32, #tpu.memory_space<vmem>>
        %dma_start3A_208 = arith.constant 0 : i32
        %dma_start3A_209 = tpu.memref_slice %arg11[%add3A_24, %dma_start3A_208] : memref<10112x128xf32, #tpu.memory_space<vmem_shared>> -> memref<72x128xf32, #tpu.memory_space<vmem_shared>>
        %dma_start3A_210 = arith.constant 0 : i32
        %dma_start3A_211 = tpu.memref_slice %arg11[%add3A_24, %dma_start3A_210] : memref<10112x128xf32, #tpu.memory_space<vmem_shared>> -> memref<72x128xf32, #tpu.memory_space<vmem_shared>>
        %dma_start3A_212 = arith.constant 0 : i32
        %dma_start3A_213 = arith.constant 0 : i32
        %dma_start3A_214 = tpu.memref_slice %arg10[%run_scoped3A_25, %dma_start3A_212, %dma_start3A_213] : memref<4x72x128xf32, #tpu.memory_space<vmem>> -> memref<1x72x128xf32, #tpu.memory_space<vmem>>
        %dma_start3A_215 = tpu.memref_squeeze %dma_start3A_214 : memref<1x72x128xf32, #tpu.memory_space<vmem>> -> memref<72x128xf32, #tpu.memory_space<vmem>>
        tpu.enqueue_dma source(%dma_start3A_215 : memref<72x128xf32, #tpu.memory_space<vmem>>) target(%dma_start3A_211 : memref<72x128xf32, #tpu.memory_space<vmem_shared>>) target_semaphore(%run_scoped3A_203 : memref<!tpu.dma_semaphore, #tpu.memory_space<semaphore_mem>>)
        %dma_wait3A_216 = arith.constant 0 : i32
        %dma_wait3A_217 = arith.constant 0 : i32
        %dma_wait3A_218 = tpu.memref_slice %arg10[%run_scoped3A_25, %dma_wait3A_216, %dma_wait3A_217] : memref<4x72x128xf32, #tpu.memory_space<vmem>> -> memref<1x72x128xf32, #tpu.memory_space<vmem>>
        %dma_wait3A_219 = tpu.memref_squeeze %dma_wait3A_218 : memref<1x72x128xf32, #tpu.memory_space<vmem>> -> memref<72x128xf32, #tpu.memory_space<vmem>>
        %dma_wait3A_220 = arith.constant 0 : i32
        %dma_wait3A_221 = tpu.memref_slice %arg11[%add3A_24, %dma_wait3A_220] : memref<10112x128xf32, #tpu.memory_space<vmem_shared>> -> memref<72x128xf32, #tpu.memory_space<vmem_shared>>
        %dma_wait3A_222 = arith.constant 0 : i32
        %dma_wait3A_223 = tpu.memref_slice %arg11[%add3A_24, %dma_wait3A_222] : memref<10112x128xf32, #tpu.memory_space<vmem_shared>> -> memref<72x128xf32, #tpu.memory_space<vmem_shared>>
        %dma_wait3A_224 = arith.constant 0 : i32
        %dma_wait3A_225 = arith.constant 0 : i32
        %dma_wait3A_226 = tpu.memref_slice %arg10[%run_scoped3A_25, %dma_wait3A_224, %dma_wait3A_225] : memref<4x72x128xf32, #tpu.memory_space<vmem>> -> memref<1x72x128xf32, #tpu.memory_space<vmem>>
        %dma_wait3A_227 = tpu.memref_squeeze %dma_wait3A_226 : memref<1x72x128xf32, #tpu.memory_space<vmem>> -> memref<72x128xf32, #tpu.memory_space<vmem>>
        tpu.wait_dma2 semaphore(%run_scoped3A_203 : memref<!tpu.dma_semaphore, #tpu.memory_space<semaphore_mem>>) src(%dma_wait3A_227 : memref<72x128xf32, #tpu.memory_space<vmem>>) dst(%dma_wait3A_223 : memref<72x128xf32, #tpu.memory_space<vmem_shared>>)
        tpu.yield
      }) : () -> ()
      %add3A_26 = arith.constant 360 : i32
      %add3A_27 = arith.addi %mul3A_12, %add3A_26 : i32
      %run_scoped3A_28 = arith.constant 0 : i32
      "tpu.region"() ({
        %run_scoped3A_203 = tpu.sem_alloc : memref<!tpu.dma_semaphore, #tpu.memory_space<semaphore_mem>>
        %dma_start3A_204 = arith.constant 0 : i32
        %dma_start3A_205 = arith.constant 0 : i32
        %dma_start3A_206 = tpu.memref_slice %arg10[%run_scoped3A_28, %dma_start3A_204, %dma_start3A_205] : memref<4x72x128xf32, #tpu.memory_space<vmem>> -> memref<1x72x128xf32, #tpu.memory_space<vmem>>
        %dma_start3A_207 = tpu.memref_squeeze %dma_start3A_206 : memref<1x72x128xf32, #tpu.memory_space<vmem>> -> memref<72x128xf32, #tpu.memory_space<vmem>>
        %dma_start3A_208 = arith.constant 0 : i32
        %dma_start3A_209 = tpu.memref_slice %arg11[%add3A_27, %dma_start3A_208] : memref<10112x128xf32, #tpu.memory_space<vmem_shared>> -> memref<72x128xf32, #tpu.memory_space<vmem_shared>>
        %dma_start3A_210 = arith.constant 0 : i32
        %dma_start3A_211 = tpu.memref_slice %arg11[%add3A_27, %dma_start3A_210] : memref<10112x128xf32, #tpu.memory_space<vmem_shared>> -> memref<72x128xf32, #tpu.memory_space<vmem_shared>>
        %dma_start3A_212 = arith.constant 0 : i32
        %dma_start3A_213 = arith.constant 0 : i32
        %dma_start3A_214 = tpu.memref_slice %arg10[%run_scoped3A_28, %dma_start3A_212, %dma_start3A_213] : memref<4x72x128xf32, #tpu.memory_space<vmem>> -> memref<1x72x128xf32, #tpu.memory_space<vmem>>
        %dma_start3A_215 = tpu.memref_squeeze %dma_start3A_214 : memref<1x72x128xf32, #tpu.memory_space<vmem>> -> memref<72x128xf32, #tpu.memory_space<vmem>>
        tpu.enqueue_dma source(%dma_start3A_215 : memref<72x128xf32, #tpu.memory_space<vmem>>) target(%dma_start3A_211 : memref<72x128xf32, #tpu.memory_space<vmem_shared>>) target_semaphore(%run_scoped3A_203 : memref<!tpu.dma_semaphore, #tpu.memory_space<semaphore_mem>>)
        %dma_wait3A_216 = arith.constant 0 : i32
        %dma_wait3A_217 = arith.constant 0 : i32
        %dma_wait3A_218 = tpu.memref_slice %arg10[%run_scoped3A_28, %dma_wait3A_216, %dma_wait3A_217] : memref<4x72x128xf32, #tpu.memory_space<vmem>> -> memref<1x72x128xf32, #tpu.memory_space<vmem>>
        %dma_wait3A_219 = tpu.memref_squeeze %dma_wait3A_218 : memref<1x72x128xf32, #tpu.memory_space<vmem>> -> memref<72x128xf32, #tpu.memory_space<vmem>>
        %dma_wait3A_220 = arith.constant 0 : i32
        %dma_wait3A_221 = tpu.memref_slice %arg11[%add3A_27, %dma_wait3A_220] : memref<10112x128xf32, #tpu.memory_space<vmem_shared>> -> memref<72x128xf32, #tpu.memory_space<vmem_shared>>
        %dma_wait3A_222 = arith.constant 0 : i32
        %dma_wait3A_223 = tpu.memref_slice %arg11[%add3A_27, %dma_wait3A_222] : memref<10112x128xf32, #tpu.memory_space<vmem_shared>> -> memref<72x128xf32, #tpu.memory_space<vmem_shared>>
        %dma_wait3A_224 = arith.constant 0 : i32
        %dma_wait3A_225 = arith.constant 0 : i32
        %dma_wait3A_226 = tpu.memref_slice %arg10[%run_scoped3A_28, %dma_wait3A_224, %dma_wait3A_225] : memref<4x72x128xf32, #tpu.memory_space<vmem>> -> memref<1x72x128xf32, #tpu.memory_space<vmem>>
        %dma_wait3A_227 = tpu.memref_squeeze %dma_wait3A_226 : memref<1x72x128xf32, #tpu.memory_space<vmem>> -> memref<72x128xf32, #tpu.memory_space<vmem>>
        tpu.wait_dma2 semaphore(%run_scoped3A_203 : memref<!tpu.dma_semaphore, #tpu.memory_space<semaphore_mem>>) src(%dma_wait3A_227 : memref<72x128xf32, #tpu.memory_space<vmem>>) dst(%dma_wait3A_223 : memref<72x128xf32, #tpu.memory_space<vmem_shared>>)
        tpu.yield
      }) : () -> ()
      %add3A_29 = arith.constant 432 : i32
      %add3A_30 = arith.addi %mul3A_12, %add3A_29 : i32
      %run_scoped3A_31 = arith.constant 0 : i32
      "tpu.region"() ({
        %run_scoped3A_203 = tpu.sem_alloc : memref<!tpu.dma_semaphore, #tpu.memory_space<semaphore_mem>>
        %dma_start3A_204 = arith.constant 0 : i32
        %dma_start3A_205 = arith.constant 0 : i32
        %dma_start3A_206 = tpu.memref_slice %arg10[%run_scoped3A_31, %dma_start3A_204, %dma_start3A_205] : memref<4x72x128xf32, #tpu.memory_space<vmem>> -> memref<1x72x128xf32, #tpu.memory_space<vmem>>
        %dma_start3A_207 = tpu.memref_squeeze %dma_start3A_206 : memref<1x72x128xf32, #tpu.memory_space<vmem>> -> memref<72x128xf32, #tpu.memory_space<vmem>>
        %dma_start3A_208 = arith.constant 0 : i32
        %dma_start3A_209 = tpu.memref_slice %arg11[%add3A_30, %dma_start3A_208] : memref<10112x128xf32, #tpu.memory_space<vmem_shared>> -> memref<72x128xf32, #tpu.memory_space<vmem_shared>>
        %dma_start3A_210 = arith.constant 0 : i32
        %dma_start3A_211 = tpu.memref_slice %arg11[%add3A_30, %dma_start3A_210] : memref<10112x128xf32, #tpu.memory_space<vmem_shared>> -> memref<72x128xf32, #tpu.memory_space<vmem_shared>>
        %dma_start3A_212 = arith.constant 0 : i32
        %dma_start3A_213 = arith.constant 0 : i32
        %dma_start3A_214 = tpu.memref_slice %arg10[%run_scoped3A_31, %dma_start3A_212, %dma_start3A_213] : memref<4x72x128xf32, #tpu.memory_space<vmem>> -> memref<1x72x128xf32, #tpu.memory_space<vmem>>
        %dma_start3A_215 = tpu.memref_squeeze %dma_start3A_214 : memref<1x72x128xf32, #tpu.memory_space<vmem>> -> memref<72x128xf32, #tpu.memory_space<vmem>>
        tpu.enqueue_dma source(%dma_start3A_215 : memref<72x128xf32, #tpu.memory_space<vmem>>) target(%dma_start3A_211 : memref<72x128xf32, #tpu.memory_space<vmem_shared>>) target_semaphore(%run_scoped3A_203 : memref<!tpu.dma_semaphore, #tpu.memory_space<semaphore_mem>>)
        %dma_wait3A_216 = arith.constant 0 : i32
        %dma_wait3A_217 = arith.constant 0 : i32
        %dma_wait3A_218 = tpu.memref_slice %arg10[%run_scoped3A_31, %dma_wait3A_216, %dma_wait3A_217] : memref<4x72x128xf32, #tpu.memory_space<vmem>> -> memref<1x72x128xf32, #tpu.memory_space<vmem>>
        %dma_wait3A_219 = tpu.memref_squeeze %dma_wait3A_218 : memref<1x72x128xf32, #tpu.memory_space<vmem>> -> memref<72x128xf32, #tpu.memory_space<vmem>>
        %dma_wait3A_220 = arith.constant 0 : i32
        %dma_wait3A_221 = tpu.memref_slice %arg11[%add3A_30, %dma_wait3A_220] : memref<10112x128xf32, #tpu.memory_space<vmem_shared>> -> memref<72x128xf32, #tpu.memory_space<vmem_shared>>
        %dma_wait3A_222 = arith.constant 0 : i32
        %dma_wait3A_223 = tpu.memref_slice %arg11[%add3A_30, %dma_wait3A_222] : memref<10112x128xf32, #tpu.memory_space<vmem_shared>> -> memref<72x128xf32, #tpu.memory_space<vmem_shared>>
        %dma_wait3A_224 = arith.constant 0 : i32
        %dma_wait3A_225 = arith.constant 0 : i32
        %dma_wait3A_226 = tpu.memref_slice %arg10[%run_scoped3A_31, %dma_wait3A_224, %dma_wait3A_225] : memref<4x72x128xf32, #tpu.memory_space<vmem>> -> memref<1x72x128xf32, #tpu.memory_space<vmem>>
        %dma_wait3A_227 = tpu.memref_squeeze %dma_wait3A_226 : memref<1x72x128xf32, #tpu.memory_space<vmem>> -> memref<72x128xf32, #tpu.memory_space<vmem>>
        tpu.wait_dma2 semaphore(%run_scoped3A_203 : memref<!tpu.dma_semaphore, #tpu.memory_space<semaphore_mem>>) src(%dma_wait3A_227 : memref<72x128xf32, #tpu.memory_space<vmem>>) dst(%dma_wait3A_223 : memref<72x128xf32, #tpu.memory_space<vmem_shared>>)
        tpu.yield
      }) : () -> ()
      %add3A_32 = arith.constant 504 : i32
      %add3A_33 = arith.addi %mul3A_12, %add3A_32 : i32
      %run_scoped3A_34 = arith.constant 0 : i32
      "tpu.region"() ({
        %run_scoped3A_203 = tpu.sem_alloc : memref<!tpu.dma_semaphore, #tpu.memory_space<semaphore_mem>>
        %dma_start3A_204 = arith.constant 0 : i32
        %dma_start3A_205 = arith.constant 0 : i32
        %dma_start3A_206 = tpu.memref_slice %arg10[%run_scoped3A_34, %dma_start3A_204, %dma_start3A_205] : memref<4x72x128xf32, #tpu.memory_space<vmem>> -> memref<1x72x128xf32, #tpu.memory_space<vmem>>
        %dma_start3A_207 = tpu.memref_squeeze %dma_start3A_206 : memref<1x72x128xf32, #tpu.memory_space<vmem>> -> memref<72x128xf32, #tpu.memory_space<vmem>>
        %dma_start3A_208 = arith.constant 0 : i32
        %dma_start3A_209 = tpu.memref_slice %arg11[%add3A_33, %dma_start3A_208] : memref<10112x128xf32, #tpu.memory_space<vmem_shared>> -> memref<72x128xf32, #tpu.memory_space<vmem_shared>>
        %dma_start3A_210 = arith.constant 0 : i32
        %dma_start3A_211 = tpu.memref_slice %arg11[%add3A_33, %dma_start3A_210] : memref<10112x128xf32, #tpu.memory_space<vmem_shared>> -> memref<72x128xf32, #tpu.memory_space<vmem_shared>>
        %dma_start3A_212 = arith.constant 0 : i32
        %dma_start3A_213 = arith.constant 0 : i32
        %dma_start3A_214 = tpu.memref_slice %arg10[%run_scoped3A_34, %dma_start3A_212, %dma_start3A_213] : memref<4x72x128xf32, #tpu.memory_space<vmem>> -> memref<1x72x128xf32, #tpu.memory_space<vmem>>
        %dma_start3A_215 = tpu.memref_squeeze %dma_start3A_214 : memref<1x72x128xf32, #tpu.memory_space<vmem>> -> memref<72x128xf32, #tpu.memory_space<vmem>>
        tpu.enqueue_dma source(%dma_start3A_215 : memref<72x128xf32, #tpu.memory_space<vmem>>) target(%dma_start3A_211 : memref<72x128xf32, #tpu.memory_space<vmem_shared>>) target_semaphore(%run_scoped3A_203 : memref<!tpu.dma_semaphore, #tpu.memory_space<semaphore_mem>>)
        %dma_wait3A_216 = arith.constant 0 : i32
        %dma_wait3A_217 = arith.constant 0 : i32
        %dma_wait3A_218 = tpu.memref_slice %arg10[%run_scoped3A_34, %dma_wait3A_216, %dma_wait3A_217] : memref<4x72x128xf32, #tpu.memory_space<vmem>> -> memref<1x72x128xf32, #tpu.memory_space<vmem>>
        %dma_wait3A_219 = tpu.memref_squeeze %dma_wait3A_218 : memref<1x72x128xf32, #tpu.memory_space<vmem>> -> memref<72x128xf32, #tpu.memory_space<vmem>>
        %dma_wait3A_220 = arith.constant 0 : i32
        %dma_wait3A_221 = tpu.memref_slice %arg11[%add3A_33, %dma_wait3A_220] : memref<10112x128xf32, #tpu.memory_space<vmem_shared>> -> memref<72x128xf32, #tpu.memory_space<vmem_shared>>
        %dma_wait3A_222 = arith.constant 0 : i32
        %dma_wait3A_223 = tpu.memref_slice %arg11[%add3A_33, %dma_wait3A_222] : memref<10112x128xf32, #tpu.memory_space<vmem_shared>> -> memref<72x128xf32, #tpu.memory_space<vmem_shared>>
        %dma_wait3A_224 = arith.constant 0 : i32
        %dma_wait3A_225 = arith.constant 0 : i32
        %dma_wait3A_226 = tpu.memref_slice %arg10[%run_scoped3A_34, %dma_wait3A_224, %dma_wait3A_225] : memref<4x72x128xf32, #tpu.memory_space<vmem>> -> memref<1x72x128xf32, #tpu.memory_space<vmem>>
        %dma_wait3A_227 = tpu.memref_squeeze %dma_wait3A_226 : memref<1x72x128xf32, #tpu.memory_space<vmem>> -> memref<72x128xf32, #tpu.memory_space<vmem>>
        tpu.wait_dma2 semaphore(%run_scoped3A_203 : memref<!tpu.dma_semaphore, #tpu.memory_space<semaphore_mem>>) src(%dma_wait3A_227 : memref<72x128xf32, #tpu.memory_space<vmem>>) dst(%dma_wait3A_223 : memref<72x128xf32, #tpu.memory_space<vmem_shared>>)
        tpu.yield
      }) : () -> ()
      %add3A_35 = arith.constant 576 : i32
      %add3A_36 = arith.addi %mul3A_12, %add3A_35 : i32
      %run_scoped3A_37 = arith.constant 0 : i32
      "tpu.region"() ({
        %run_scoped3A_203 = tpu.sem_alloc : memref<!tpu.dma_semaphore, #tpu.memory_space<semaphore_mem>>
        %dma_start3A_204 = arith.constant 0 : i32
        %dma_start3A_205 = arith.constant 0 : i32
        %dma_start3A_206 = tpu.memref_slice %arg10[%run_scoped3A_37, %dma_start3A_204, %dma_start3A_205] : memref<4x72x128xf32, #tpu.memory_space<vmem>> -> memref<1x56x128xf32, #tpu.memory_space<vmem>>
        %dma_start3A_207 = tpu.memref_squeeze %dma_start3A_206 : memref<1x56x128xf32, #tpu.memory_space<vmem>> -> memref<56x128xf32, #tpu.memory_space<vmem>>
        %dma_start3A_208 = arith.constant 0 : i32
        %dma_start3A_209 = tpu.memref_slice %arg11[%add3A_36, %dma_start3A_208] : memref<10112x128xf32, #tpu.memory_space<vmem_shared>> -> memref<56x128xf32, #tpu.memory_space<vmem_shared>>
        %dma_start3A_210 = arith.constant 0 : i32
        %dma_start3A_211 = tpu.memref_slice %arg11[%add3A_36, %dma_start3A_210] : memref<10112x128xf32, #tpu.memory_space<vmem_shared>> -> memref<56x128xf32, #tpu.memory_space<vmem_shared>>
        %dma_start3A_212 = arith.constant 0 : i32
        %dma_start3A_213 = arith.constant 0 : i32
        %dma_start3A_214 = tpu.memref_slice %arg10[%run_scoped3A_37, %dma_start3A_212, %dma_start3A_213] : memref<4x72x128xf32, #tpu.memory_space<vmem>> -> memref<1x56x128xf32, #tpu.memory_space<vmem>>
        %dma_start3A_215 = tpu.memref_squeeze %dma_start3A_214 : memref<1x56x128xf32, #tpu.memory_space<vmem>> -> memref<56x128xf32, #tpu.memory_space<vmem>>
        tpu.enqueue_dma source(%dma_start3A_215 : memref<56x128xf32, #tpu.memory_space<vmem>>) target(%dma_start3A_211 : memref<56x128xf32, #tpu.memory_space<vmem_shared>>) target_semaphore(%run_scoped3A_203 : memref<!tpu.dma_semaphore, #tpu.memory_space<semaphore_mem>>)
        %dma_wait3A_216 = arith.constant 0 : i32
        %dma_wait3A_217 = arith.constant 0 : i32
        %dma_wait3A_218 = tpu.memref_slice %arg10[%run_scoped3A_37, %dma_wait3A_216, %dma_wait3A_217] : memref<4x72x128xf32, #tpu.memory_space<vmem>> -> memref<1x56x128xf32, #tpu.memory_space<vmem>>
        %dma_wait3A_219 = tpu.memref_squeeze %dma_wait3A_218 : memref<1x56x128xf32, #tpu.memory_space<vmem>> -> memref<56x128xf32, #tpu.memory_space<vmem>>
        %dma_wait3A_220 = arith.constant 0 : i32
        %dma_wait3A_221 = tpu.memref_slice %arg11[%add3A_36, %dma_wait3A_220] : memref<10112x128xf32, #tpu.memory_space<vmem_shared>> -> memref<56x128xf32, #tpu.memory_space<vmem_shared>>
        %dma_wait3A_222 = arith.constant 0 : i32
        %dma_wait3A_223 = tpu.memref_slice %arg11[%add3A_36, %dma_wait3A_222] : memref<10112x128xf32, #tpu.memory_space<vmem_shared>> -> memref<56x128xf32, #tpu.memory_space<vmem_shared>>
        %dma_wait3A_224 = arith.constant 0 : i32
        %dma_wait3A_225 = arith.constant 0 : i32
        %dma_wait3A_226 = tpu.memref_slice %arg10[%run_scoped3A_37, %dma_wait3A_224, %dma_wait3A_225] : memref<4x72x128xf32, #tpu.memory_space<vmem>> -> memref<1x56x128xf32, #tpu.memory_space<vmem>>
        %dma_wait3A_227 = tpu.memref_squeeze %dma_wait3A_226 : memref<1x56x128xf32, #tpu.memory_space<vmem>> -> memref<56x128xf32, #tpu.memory_space<vmem>>
        tpu.wait_dma2 semaphore(%run_scoped3A_203 : memref<!tpu.dma_semaphore, #tpu.memory_space<semaphore_mem>>) src(%dma_wait3A_227 : memref<56x128xf32, #tpu.memory_space<vmem>>) dst(%dma_wait3A_223 : memref<56x128xf32, #tpu.memory_space<vmem_shared>>)
        tpu.yield
      }) : () -> ()
      %eq3A_38 = arith.constant 0 : i32
      %eq3A_39 = arith.cmpi eq, %arg1, %eq3A_38 : i32
      %convert_element_type3A_40 = arith.extui %eq3A_39 : i1 to i32
      %cond3A_41 = arith.constant 0 : i32
      %cond3A_42 = arith.cmpi ne, %convert_element_type3A_40, %cond3A_41 : i32
      scf.if %cond3A_42 {
        %run_scoped3A_203 = arith.constant 0 : i32
        "tpu.region"() ({
          %run_scoped3A_205 = tpu.sem_alloc : memref<!tpu.dma_semaphore, #tpu.memory_space<semaphore_mem>>
          %dma_start3A_206 = arith.constant 0 : i32
          %dma_start3A_207 = arith.constant 0 : i32
          %dma_start3A_208 = tpu.memref_slice %arg10[%run_scoped3A_203, %dma_start3A_206, %dma_start3A_207] : memref<4x72x128xf32, #tpu.memory_space<vmem>> -> memref<1x72x128xf32, #tpu.memory_space<vmem>>
          %dma_start3A_209 = tpu.memref_squeeze %dma_start3A_208 : memref<1x72x128xf32, #tpu.memory_space<vmem>> -> memref<72x128xf32, #tpu.memory_space<vmem>>
          %dma_start3A_210 = arith.constant 10112 : i32
          %dma_start3A_211 = arith.constant 0 : i32
          %dma_start3A_212 = tpu.memref_slice %arg6[%dma_start3A_210, %dma_start3A_211] : memref<10240x128xf32, #tpu.memory_space<hbm>> -> memref<72x128xf32, #tpu.memory_space<hbm>>
          %dma_start3A_213 = arith.constant 10112 : i32
          %dma_start3A_214 = arith.constant 0 : i32
          %dma_start3A_215 = tpu.memref_slice %arg6[%dma_start3A_213, %dma_start3A_214] : memref<10240x128xf32, #tpu.memory_space<hbm>> -> memref<72x128xf32, #tpu.memory_space<hbm>>
          %dma_start3A_216 = arith.constant 0 : i32
          %dma_start3A_217 = arith.constant 0 : i32
          %dma_start3A_218 = tpu.memref_slice %arg10[%run_scoped3A_203, %dma_start3A_216, %dma_start3A_217] : memref<4x72x128xf32, #tpu.memory_space<vmem>> -> memref<1x72x128xf32, #tpu.memory_space<vmem>>
          %dma_start3A_219 = tpu.memref_squeeze %dma_start3A_218 : memref<1x72x128xf32, #tpu.memory_space<vmem>> -> memref<72x128xf32, #tpu.memory_space<vmem>>
          tpu.enqueue_dma source(%dma_start3A_219 : memref<72x128xf32, #tpu.memory_space<vmem>>) target(%dma_start3A_215 : memref<72x128xf32, #tpu.memory_space<hbm>>) target_semaphore(%run_scoped3A_205 : memref<!tpu.dma_semaphore, #tpu.memory_space<semaphore_mem>>)
          %dma_wait3A_220 = arith.constant 0 : i32
          %dma_wait3A_221 = arith.constant 0 : i32
          %dma_wait3A_222 = tpu.memref_slice %arg10[%run_scoped3A_203, %dma_wait3A_220, %dma_wait3A_221] : memref<4x72x128xf32, #tpu.memory_space<vmem>> -> memref<1x72x128xf32, #tpu.memory_space<vmem>>
          %dma_wait3A_223 = tpu.memref_squeeze %dma_wait3A_222 : memref<1x72x128xf32, #tpu.memory_space<vmem>> -> memref<72x128xf32, #tpu.memory_space<vmem>>
          %dma_wait3A_224 = arith.constant 10112 : i32
          %dma_wait3A_225 = arith.constant 0 : i32
          %dma_wait3A_226 = tpu.memref_slice %arg6[%dma_wait3A_224, %dma_wait3A_225] : memref<10240x128xf32, #tpu.memory_space<hbm>> -> memref<72x128xf32, #tpu.memory_space<hbm>>
          %dma_wait3A_227 = arith.constant 10112 : i32
          %dma_wait3A_228 = arith.constant 0 : i32
          %dma_wait3A_229 = tpu.memref_slice %arg6[%dma_wait3A_227, %dma_wait3A_228] : memref<10240x128xf32, #tpu.memory_space<hbm>> -> memref<72x128xf32, #tpu.memory_space<hbm>>
          %dma_wait3A_230 = arith.constant 0 : i32
          %dma_wait3A_231 = arith.constant 0 : i32
          %dma_wait3A_232 = tpu.memref_slice %arg10[%run_scoped3A_203, %dma_wait3A_230, %dma_wait3A_231] : memref<4x72x128xf32, #tpu.memory_space<vmem>> -> memref<1x72x128xf32, #tpu.memory_space<vmem>>
          %dma_wait3A_233 = tpu.memref_squeeze %dma_wait3A_232 : memref<1x72x128xf32, #tpu.memory_space<vmem>> -> memref<72x128xf32, #tpu.memory_space<vmem>>
          tpu.wait_dma2 semaphore(%run_scoped3A_205 : memref<!tpu.dma_semaphore, #tpu.memory_space<semaphore_mem>>) src(%dma_wait3A_233 : memref<72x128xf32, #tpu.memory_space<vmem>>) dst(%dma_wait3A_229 : memref<72x128xf32, #tpu.memory_space<hbm>>)
          tpu.yield
        }) : () -> ()
        %run_scoped3A_204 = arith.constant 0 : i32
        "tpu.region"() ({
          %run_scoped3A_205 = tpu.sem_alloc : memref<!tpu.dma_semaphore, #tpu.memory_space<semaphore_mem>>
          %dma_start3A_206 = arith.constant 0 : i32
          %dma_start3A_207 = arith.constant 0 : i32
          %dma_start3A_208 = tpu.memref_slice %arg10[%run_scoped3A_204, %dma_start3A_206, %dma_start3A_207] : memref<4x72x128xf32, #tpu.memory_space<vmem>> -> memref<1x56x128xf32, #tpu.memory_space<vmem>>
          %dma_start3A_209 = tpu.memref_squeeze %dma_start3A_208 : memref<1x56x128xf32, #tpu.memory_space<vmem>> -> memref<56x128xf32, #tpu.memory_space<vmem>>
          %dma_start3A_210 = arith.constant 10184 : i32
          %dma_start3A_211 = arith.constant 0 : i32
          %dma_start3A_212 = tpu.memref_slice %arg6[%dma_start3A_210, %dma_start3A_211] : memref<10240x128xf32, #tpu.memory_space<hbm>> -> memref<56x128xf32, #tpu.memory_space<hbm>>
          %dma_start3A_213 = arith.constant 10184 : i32
          %dma_start3A_214 = arith.constant 0 : i32
          %dma_start3A_215 = tpu.memref_slice %arg6[%dma_start3A_213, %dma_start3A_214] : memref<10240x128xf32, #tpu.memory_space<hbm>> -> memref<56x128xf32, #tpu.memory_space<hbm>>
          %dma_start3A_216 = arith.constant 0 : i32
          %dma_start3A_217 = arith.constant 0 : i32
          %dma_start3A_218 = tpu.memref_slice %arg10[%run_scoped3A_204, %dma_start3A_216, %dma_start3A_217] : memref<4x72x128xf32, #tpu.memory_space<vmem>> -> memref<1x56x128xf32, #tpu.memory_space<vmem>>
          %dma_start3A_219 = tpu.memref_squeeze %dma_start3A_218 : memref<1x56x128xf32, #tpu.memory_space<vmem>> -> memref<56x128xf32, #tpu.memory_space<vmem>>
          tpu.enqueue_dma source(%dma_start3A_219 : memref<56x128xf32, #tpu.memory_space<vmem>>) target(%dma_start3A_215 : memref<56x128xf32, #tpu.memory_space<hbm>>) target_semaphore(%run_scoped3A_205 : memref<!tpu.dma_semaphore, #tpu.memory_space<semaphore_mem>>)
          %dma_wait3A_220 = arith.constant 0 : i32
          %dma_wait3A_221 = arith.constant 0 : i32
          %dma_wait3A_222 = tpu.memref_slice %arg10[%run_scoped3A_204, %dma_wait3A_220, %dma_wait3A_221] : memref<4x72x128xf32, #tpu.memory_space<vmem>> -> memref<1x56x128xf32, #tpu.memory_space<vmem>>
          %dma_wait3A_223 = tpu.memref_squeeze %dma_wait3A_222 : memref<1x56x128xf32, #tpu.memory_space<vmem>> -> memref<56x128xf32, #tpu.memory_space<vmem>>
          %dma_wait3A_224 = arith.constant 10184 : i32
          %dma_wait3A_225 = arith.constant 0 : i32
          %dma_wait3A_226 = tpu.memref_slice %arg6[%dma_wait3A_224, %dma_wait3A_225] : memref<10240x128xf32, #tpu.memory_space<hbm>> -> memref<56x128xf32, #tpu.memory_space<hbm>>
          %dma_wait3A_227 = arith.constant 10184 : i32
          %dma_wait3A_228 = arith.constant 0 : i32
          %dma_wait3A_229 = tpu.memref_slice %arg6[%dma_wait3A_227, %dma_wait3A_228] : memref<10240x128xf32, #tpu.memory_space<hbm>> -> memref<56x128xf32, #tpu.memory_space<hbm>>
          %dma_wait3A_230 = arith.constant 0 : i32
          %dma_wait3A_231 = arith.constant 0 : i32
          %dma_wait3A_232 = tpu.memref_slice %arg10[%run_scoped3A_204, %dma_wait3A_230, %dma_wait3A_231] : memref<4x72x128xf32, #tpu.memory_space<vmem>> -> memref<1x56x128xf32, #tpu.memory_space<vmem>>
          %dma_wait3A_233 = tpu.memref_squeeze %dma_wait3A_232 : memref<1x56x128xf32, #tpu.memory_space<vmem>> -> memref<56x128xf32, #tpu.memory_space<vmem>>
          tpu.wait_dma2 semaphore(%run_scoped3A_205 : memref<!tpu.dma_semaphore, #tpu.memory_space<semaphore_mem>>) src(%dma_wait3A_233 : memref<56x128xf32, #tpu.memory_space<vmem>>) dst(%dma_wait3A_229 : memref<56x128xf32, #tpu.memory_space<hbm>>)
          tpu.yield
        }) : () -> ()
      } else {
      }
      %barrier3A = arith.constant 0 : index
      tpu.barrier barrier_id(%barrier3A)
      %mul3A_43 = arith.constant 140 : i32
      %mul3A_44 = arith.muli %arg1, %mul3A_43 : i32
      %mul3A_45 = arith.constant 10080 : i32
      %mul3A_46 = arith.muli %arg1, %mul3A_45 : i32
      "tpu.region"() ({
        %run_scoped3A_203 = tpu.sem_alloc : memref<!tpu.dma_semaphore, #tpu.memory_space<semaphore_mem>>
        %dma_start3A_204 = tpu.memref_slice %arg4[%mul3A_46] : memref<161280xi32, #tpu.memory_space<hbm>> -> memref<10080xi32, #tpu.memory_space<hbm>>
        %dma_start3A_205 = tpu.memref_slice %arg4[%mul3A_46] : memref<161280xi32, #tpu.memory_space<hbm>> -> memref<10080xi32, #tpu.memory_space<hbm>>
        tpu.enqueue_dma source(%dma_start3A_205 : memref<10080xi32, #tpu.memory_space<hbm>>) target(%arg8 : memref<10080xi32, #tpu.memory_space<vmem>>) target_semaphore(%run_scoped3A_203 : memref<!tpu.dma_semaphore, #tpu.memory_space<semaphore_mem>>)
        %dma_wait3A_206 = tpu.memref_slice %arg4[%mul3A_46] : memref<161280xi32, #tpu.memory_space<hbm>> -> memref<10080xi32, #tpu.memory_space<hbm>>
        %dma_wait3A_207 = tpu.memref_slice %arg4[%mul3A_46] : memref<161280xi32, #tpu.memory_space<hbm>> -> memref<10080xi32, #tpu.memory_space<hbm>>
        tpu.wait_dma2 semaphore(%run_scoped3A_203 : memref<!tpu.dma_semaphore, #tpu.memory_space<semaphore_mem>>) src(%dma_wait3A_207 : memref<10080xi32, #tpu.memory_space<hbm>>) dst(%arg8 : memref<10080xi32, #tpu.memory_space<vmem>>)
        tpu.yield
      }) : () -> ()
      %add3A_47 = arith.constant 0 : i32
      %add3A_48 = arith.addi %mul3A_44, %add3A_47 : i32
      %dma_start3A = arith.constant 0 : i32
      %dma_start3A_49 = arith.constant 0 : i32
      %dma_start3A_50 = tpu.memref_slice %arg9[%dma_start3A, %dma_start3A_49] : memref<4x72xi32, #tpu.memory_space<vmem>> -> memref<1x72xi32, #tpu.memory_space<vmem>>
      %dma_start3A_51 = tpu.memref_squeeze %dma_start3A_50 : memref<1x72xi32, #tpu.memory_space<vmem>> -> memref<72xi32, #tpu.memory_space<vmem>>
      %dma_start3A_52 = arith.constant 0 : i32
      %dma_start3A_53 = tpu.memref_slice %arg5[%add3A_48, %dma_start3A_52] : memref<2240x72xi32, #tpu.memory_space<hbm>> -> memref<1x72xi32, #tpu.memory_space<hbm>>
      %dma_start3A_54 = tpu.memref_squeeze %dma_start3A_53 : memref<1x72xi32, #tpu.memory_space<hbm>> -> memref<72xi32, #tpu.memory_space<hbm>>
      %dma_start3A_55 = arith.constant 0 : i32
      %dma_start3A_56 = tpu.memref_slice %arg9[%dma_start3A, %dma_start3A_55] : memref<4x72xi32, #tpu.memory_space<vmem>> -> memref<1x72xi32, #tpu.memory_space<vmem>>
      %dma_start3A_57 = tpu.memref_squeeze %dma_start3A_56 : memref<1x72xi32, #tpu.memory_space<vmem>> -> memref<72xi32, #tpu.memory_space<vmem>>
      %dma_start3A_58 = arith.constant 0 : i32
      %dma_start3A_59 = tpu.memref_slice %arg5[%add3A_48, %dma_start3A_58] : memref<2240x72xi32, #tpu.memory_space<hbm>> -> memref<1x72xi32, #tpu.memory_space<hbm>>
      %dma_start3A_60 = tpu.memref_squeeze %dma_start3A_59 : memref<1x72xi32, #tpu.memory_space<hbm>> -> memref<72xi32, #tpu.memory_space<hbm>>
      tpu.enqueue_dma source(%dma_start3A_60 : memref<72xi32, #tpu.memory_space<hbm>>) target(%dma_start3A_57 : memref<72xi32, #tpu.memory_space<vmem>>) target_semaphore(%arg20 : memref<!tpu.dma_semaphore, #tpu.memory_space<semaphore_mem>>)
      %multiple_of3A = arith.constant 0 : i32
      %multiple_of3A_61 = tpu.assume_multiple %multiple_of3A, 72 : i32
      %dma_start3A_62 = arith.constant 0 : i32
      %dma_start3A_63 = arith.constant 0 : i32
      %dma_start3A_64 = arith.constant 0 : i32
      %dma_start3A_65 = tpu.memref_slice %arg10[%dma_start3A_62, %dma_start3A_63, %dma_start3A_64] : memref<4x72x128xf32, #tpu.memory_space<vmem>> -> memref<1x72x128xf32, #tpu.memory_space<vmem>>
      %dma_start3A_66 = tpu.memref_squeeze %dma_start3A_65 : memref<1x72x128xf32, #tpu.memory_space<vmem>> -> memref<72x128xf32, #tpu.memory_space<vmem>>
      %dma_start3A_67 = tpu.memref_slice %arg8[%multiple_of3A_61] : memref<10080xi32, #tpu.memory_space<vmem>> -> memref<72xi32, #tpu.memory_space<vmem>>
      %dma_start3A_68 = arith.constant 0 : i32
      %dma_start3A_69 = arith.constant 0 : i32
      %dma_start3A_70 = tpu.memref_slice %arg2[%dma_start3A_68, %dma_start3A_69] : memref<10240x128xf32, #tpu.memory_space<hbm>> -> memref<10240x128xf32, #tpu.memory_space<hbm>>
      tpu.enqueue_indirect_dma source(%dma_start3A_70 : memref<10240x128xf32, #tpu.memory_space<hbm>>) target(%dma_start3A_66 : memref<72x128xf32, #tpu.memory_space<vmem>>) offsets(%dma_start3A_67 : memref<72xi32, #tpu.memory_space<vmem>>) semaphore(%arg12 : memref<!tpu.dma_semaphore, #tpu.memory_space<semaphore_mem>>)
      %add3A_71 = arith.constant 1 : i32
      %add3A_72 = arith.addi %mul3A_44, %add3A_71 : i32
      %dma_start3A_73 = arith.constant 1 : i32
      %dma_start3A_74 = arith.constant 0 : i32
      %dma_start3A_75 = tpu.memref_slice %arg9[%dma_start3A_73, %dma_start3A_74] : memref<4x72xi32, #tpu.memory_space<vmem>> -> memref<1x72xi32, #tpu.memory_space<vmem>>
      %dma_start3A_76 = tpu.memref_squeeze %dma_start3A_75 : memref<1x72xi32, #tpu.memory_space<vmem>> -> memref<72xi32, #tpu.memory_space<vmem>>
      %dma_start3A_77 = arith.constant 0 : i32
      %dma_start3A_78 = tpu.memref_slice %arg5[%add3A_72, %dma_start3A_77] : memref<2240x72xi32, #tpu.memory_space<hbm>> -> memref<1x72xi32, #tpu.memory_space<hbm>>
      %dma_start3A_79 = tpu.memref_squeeze %dma_start3A_78 : memref<1x72xi32, #tpu.memory_space<hbm>> -> memref<72xi32, #tpu.memory_space<hbm>>
      %dma_start3A_80 = arith.constant 0 : i32
      %dma_start3A_81 = tpu.memref_slice %arg9[%dma_start3A_73, %dma_start3A_80] : memref<4x72xi32, #tpu.memory_space<vmem>> -> memref<1x72xi32, #tpu.memory_space<vmem>>
      %dma_start3A_82 = tpu.memref_squeeze %dma_start3A_81 : memref<1x72xi32, #tpu.memory_space<vmem>> -> memref<72xi32, #tpu.memory_space<vmem>>
      %dma_start3A_83 = arith.constant 0 : i32
      %dma_start3A_84 = tpu.memref_slice %arg5[%add3A_72, %dma_start3A_83] : memref<2240x72xi32, #tpu.memory_space<hbm>> -> memref<1x72xi32, #tpu.memory_space<hbm>>
      %dma_start3A_85 = tpu.memref_squeeze %dma_start3A_84 : memref<1x72xi32, #tpu.memory_space<hbm>> -> memref<72xi32, #tpu.memory_space<hbm>>
      tpu.enqueue_dma source(%dma_start3A_85 : memref<72xi32, #tpu.memory_space<hbm>>) target(%dma_start3A_82 : memref<72xi32, #tpu.memory_space<vmem>>) target_semaphore(%arg21 : memref<!tpu.dma_semaphore, #tpu.memory_space<semaphore_mem>>)
      %multiple_of3A_86 = arith.constant 72 : i32
      %multiple_of3A_87 = tpu.assume_multiple %multiple_of3A_86, 72 : i32
      %dma_start3A_88 = arith.constant 1 : i32
      %dma_start3A_89 = arith.constant 0 : i32
      %dma_start3A_90 = arith.constant 0 : i32
      %dma_start3A_91 = tpu.memref_slice %arg10[%dma_start3A_88, %dma_start3A_89, %dma_start3A_90] : memref<4x72x128xf32, #tpu.memory_space<vmem>> -> memref<1x72x128xf32, #tpu.memory_space<vmem>>
      %dma_start3A_92 = tpu.memref_squeeze %dma_start3A_91 : memref<1x72x128xf32, #tpu.memory_space<vmem>> -> memref<72x128xf32, #tpu.memory_space<vmem>>
      %dma_start3A_93 = tpu.memref_slice %arg8[%multiple_of3A_87] : memref<10080xi32, #tpu.memory_space<vmem>> -> memref<72xi32, #tpu.memory_space<vmem>>
      %dma_start3A_94 = arith.constant 0 : i32
      %dma_start3A_95 = arith.constant 0 : i32
      %dma_start3A_96 = tpu.memref_slice %arg2[%dma_start3A_94, %dma_start3A_95] : memref<10240x128xf32, #tpu.memory_space<hbm>> -> memref<10240x128xf32, #tpu.memory_space<hbm>>
      tpu.enqueue_indirect_dma source(%dma_start3A_96 : memref<10240x128xf32, #tpu.memory_space<hbm>>) target(%dma_start3A_92 : memref<72x128xf32, #tpu.memory_space<vmem>>) offsets(%dma_start3A_93 : memref<72xi32, #tpu.memory_space<vmem>>) semaphore(%arg13 : memref<!tpu.dma_semaphore, #tpu.memory_space<semaphore_mem>>)
      %add3A_97 = arith.constant 2 : i32
      %add3A_98 = arith.addi %mul3A_44, %add3A_97 : i32
      %dma_start3A_99 = arith.constant 2 : i32
      %dma_start3A_100 = arith.constant 0 : i32
      %dma_start3A_101 = tpu.memref_slice %arg9[%dma_start3A_99, %dma_start3A_100] : memref<4x72xi32, #tpu.memory_space<vmem>> -> memref<1x72xi32, #tpu.memory_space<vmem>>
      %dma_start3A_102 = tpu.memref_squeeze %dma_start3A_101 : memref<1x72xi32, #tpu.memory_space<vmem>> -> memref<72xi32, #tpu.memory_space<vmem>>
      %dma_start3A_103 = arith.constant 0 : i32
      %dma_start3A_104 = tpu.memref_slice %arg5[%add3A_98, %dma_start3A_103] : memref<2240x72xi32, #tpu.memory_space<hbm>> -> memref<1x72xi32, #tpu.memory_space<hbm>>
      %dma_start3A_105 = tpu.memref_squeeze %dma_start3A_104 : memref<1x72xi32, #tpu.memory_space<hbm>> -> memref<72xi32, #tpu.memory_space<hbm>>
      %dma_start3A_106 = arith.constant 0 : i32
      %dma_start3A_107 = tpu.memref_slice %arg9[%dma_start3A_99, %dma_start3A_106] : memref<4x72xi32, #tpu.memory_space<vmem>> -> memref<1x72xi32, #tpu.memory_space<vmem>>
      %dma_start3A_108 = tpu.memref_squeeze %dma_start3A_107 : memref<1x72xi32, #tpu.memory_space<vmem>> -> memref<72xi32, #tpu.memory_space<vmem>>
      %dma_start3A_109 = arith.constant 0 : i32
      %dma_start3A_110 = tpu.memref_slice %arg5[%add3A_98, %dma_start3A_109] : memref<2240x72xi32, #tpu.memory_space<hbm>> -> memref<1x72xi32, #tpu.memory_space<hbm>>
      %dma_start3A_111 = tpu.memref_squeeze %dma_start3A_110 : memref<1x72xi32, #tpu.memory_space<hbm>> -> memref<72xi32, #tpu.memory_space<hbm>>
      tpu.enqueue_dma source(%dma_start3A_111 : memref<72xi32, #tpu.memory_space<hbm>>) target(%dma_start3A_108 : memref<72xi32, #tpu.memory_space<vmem>>) target_semaphore(%arg22 : memref<!tpu.dma_semaphore, #tpu.memory_space<semaphore_mem>>)
      %multiple_of3A_112 = arith.constant 144 : i32
      %multiple_of3A_113 = tpu.assume_multiple %multiple_of3A_112, 72 : i32
      %dma_start3A_114 = arith.constant 2 : i32
      %dma_start3A_115 = arith.constant 0 : i32
      %dma_start3A_116 = arith.constant 0 : i32
      %dma_start3A_117 = tpu.memref_slice %arg10[%dma_start3A_114, %dma_start3A_115, %dma_start3A_116] : memref<4x72x128xf32, #tpu.memory_space<vmem>> -> memref<1x72x128xf32, #tpu.memory_space<vmem>>
      %dma_start3A_118 = tpu.memref_squeeze %dma_start3A_117 : memref<1x72x128xf32, #tpu.memory_space<vmem>> -> memref<72x128xf32, #tpu.memory_space<vmem>>
      %dma_start3A_119 = tpu.memref_slice %arg8[%multiple_of3A_113] : memref<10080xi32, #tpu.memory_space<vmem>> -> memref<72xi32, #tpu.memory_space<vmem>>
      %dma_start3A_120 = arith.constant 0 : i32
      %dma_start3A_121 = arith.constant 0 : i32
      %dma_start3A_122 = tpu.memref_slice %arg2[%dma_start3A_120, %dma_start3A_121] : memref<10240x128xf32, #tpu.memory_space<hbm>> -> memref<10240x128xf32, #tpu.memory_space<hbm>>
      tpu.enqueue_indirect_dma source(%dma_start3A_122 : memref<10240x128xf32, #tpu.memory_space<hbm>>) target(%dma_start3A_118 : memref<72x128xf32, #tpu.memory_space<vmem>>) offsets(%dma_start3A_119 : memref<72xi32, #tpu.memory_space<vmem>>) semaphore(%arg14 : memref<!tpu.dma_semaphore, #tpu.memory_space<semaphore_mem>>)
      %add3A_123 = arith.constant 3 : i32
      %add3A_124 = arith.addi %mul3A_44, %add3A_123 : i32
      %dma_start3A_125 = arith.constant 3 : i32
      %dma_start3A_126 = arith.constant 0 : i32
      %dma_start3A_127 = tpu.memref_slice %arg9[%dma_start3A_125, %dma_start3A_126] : memref<4x72xi32, #tpu.memory_space<vmem>> -> memref<1x72xi32, #tpu.memory_space<vmem>>
      %dma_start3A_128 = tpu.memref_squeeze %dma_start3A_127 : memref<1x72xi32, #tpu.memory_space<vmem>> -> memref<72xi32, #tpu.memory_space<vmem>>
      %dma_start3A_129 = arith.constant 0 : i32
      %dma_start3A_130 = tpu.memref_slice %arg5[%add3A_124, %dma_start3A_129] : memref<2240x72xi32, #tpu.memory_space<hbm>> -> memref<1x72xi32, #tpu.memory_space<hbm>>
      %dma_start3A_131 = tpu.memref_squeeze %dma_start3A_130 : memref<1x72xi32, #tpu.memory_space<hbm>> -> memref<72xi32, #tpu.memory_space<hbm>>
      %dma_start3A_132 = arith.constant 0 : i32
      %dma_start3A_133 = tpu.memref_slice %arg9[%dma_start3A_125, %dma_start3A_132] : memref<4x72xi32, #tpu.memory_space<vmem>> -> memref<1x72xi32, #tpu.memory_space<vmem>>
      %dma_start3A_134 = tpu.memref_squeeze %dma_start3A_133 : memref<1x72xi32, #tpu.memory_space<vmem>> -> memref<72xi32, #tpu.memory_space<vmem>>
      %dma_start3A_135 = arith.constant 0 : i32
      %dma_start3A_136 = tpu.memref_slice %arg5[%add3A_124, %dma_start3A_135] : memref<2240x72xi32, #tpu.memory_space<hbm>> -> memref<1x72xi32, #tpu.memory_space<hbm>>
      %dma_start3A_137 = tpu.memref_squeeze %dma_start3A_136 : memref<1x72xi32, #tpu.memory_space<hbm>> -> memref<72xi32, #tpu.memory_space<hbm>>
      tpu.enqueue_dma source(%dma_start3A_137 : memref<72xi32, #tpu.memory_space<hbm>>) target(%dma_start3A_134 : memref<72xi32, #tpu.memory_space<vmem>>) target_semaphore(%arg23 : memref<!tpu.dma_semaphore, #tpu.memory_space<semaphore_mem>>)
      %multiple_of3A_138 = arith.constant 216 : i32
      %multiple_of3A_139 = tpu.assume_multiple %multiple_of3A_138, 72 : i32
      %dma_start3A_140 = arith.constant 3 : i32
      %dma_start3A_141 = arith.constant 0 : i32
      %dma_start3A_142 = arith.constant 0 : i32
      %dma_start3A_143 = tpu.memref_slice %arg10[%dma_start3A_140, %dma_start3A_141, %dma_start3A_142] : memref<4x72x128xf32, #tpu.memory_space<vmem>> -> memref<1x72x128xf32, #tpu.memory_space<vmem>>
      %dma_start3A_144 = tpu.memref_squeeze %dma_start3A_143 : memref<1x72x128xf32, #tpu.memory_space<vmem>> -> memref<72x128xf32, #tpu.memory_space<vmem>>
      %dma_start3A_145 = tpu.memref_slice %arg8[%multiple_of3A_139] : memref<10080xi32, #tpu.memory_space<vmem>> -> memref<72xi32, #tpu.memory_space<vmem>>
      %dma_start3A_146 = arith.constant 0 : i32
      %dma_start3A_147 = arith.constant 0 : i32
      %dma_start3A_148 = tpu.memref_slice %arg2[%dma_start3A_146, %dma_start3A_147] : memref<10240x128xf32, #tpu.memory_space<hbm>> -> memref<10240x128xf32, #tpu.memory_space<hbm>>
      tpu.enqueue_indirect_dma source(%dma_start3A_148 : memref<10240x128xf32, #tpu.memory_space<hbm>>) target(%dma_start3A_144 : memref<72x128xf32, #tpu.memory_space<vmem>>) offsets(%dma_start3A_145 : memref<72xi32, #tpu.memory_space<vmem>>) semaphore(%arg15 : memref<!tpu.dma_semaphore, #tpu.memory_space<semaphore_mem>>)
      %scan3A_149 = arith.constant 0 : i32
      %scan3A_150 = arith.constant 0 : i32
      %scan3A_151 = arith.constant 35 : i32
      %scan3A_152 = arith.addi %scan3A_150, %scan3A_151 : i32
      %scan3A_153 = arith.constant 1 : i32
      scf.for %scan3A_203 = %scan3A_150 to %scan3A_152 step %scan3A_153  : i32 {
        %mul3A_204 = arith.constant 4 : i32
        %mul3A_205 = arith.muli %scan3A_203, %mul3A_204 : i32
        %add3A_206 = arith.constant 0 : i32
        %add3A_207 = arith.addi %mul3A_205, %add3A_206 : i32
        %dma_wait3A_208 = arith.constant 0 : i32
        %dma_wait3A_209 = arith.constant 0 : i32
        %dma_wait3A_210 = arith.constant 0 : i32
        %dma_wait3A_211 = tpu.memref_slice %arg9[%dma_wait3A_209, %dma_wait3A_210] : memref<4x72xi32, #tpu.memory_space<vmem>> -> memref<1x72xi32, #tpu.memory_space<vmem>>
        %dma_wait3A_212 = tpu.memref_squeeze %dma_wait3A_211 : memref<1x72xi32, #tpu.memory_space<vmem>> -> memref<72xi32, #tpu.memory_space<vmem>>
        %dma_wait3A_213 = arith.constant 0 : i32
        %dma_wait3A_214 = tpu.memref_slice %arg5[%dma_wait3A_208, %dma_wait3A_213] : memref<2240x72xi32, #tpu.memory_space<hbm>> -> memref<1x72xi32, #tpu.memory_space<hbm>>
        %dma_wait3A_215 = tpu.memref_squeeze %dma_wait3A_214 : memref<1x72xi32, #tpu.memory_space<hbm>> -> memref<72xi32, #tpu.memory_space<hbm>>
        %dma_wait3A_216 = arith.constant 0 : i32
        %dma_wait3A_217 = tpu.memref_slice %arg9[%dma_wait3A_209, %dma_wait3A_216] : memref<4x72xi32, #tpu.memory_space<vmem>> -> memref<1x72xi32, #tpu.memory_space<vmem>>
        %dma_wait3A_218 = tpu.memref_squeeze %dma_wait3A_217 : memref<1x72xi32, #tpu.memory_space<vmem>> -> memref<72xi32, #tpu.memory_space<vmem>>
        %dma_wait3A_219 = arith.constant 0 : i32
        %dma_wait3A_220 = tpu.memref_slice %arg5[%dma_wait3A_208, %dma_wait3A_219] : memref<2240x72xi32, #tpu.memory_space<hbm>> -> memref<1x72xi32, #tpu.memory_space<hbm>>
        %dma_wait3A_221 = tpu.memref_squeeze %dma_wait3A_220 : memref<1x72xi32, #tpu.memory_space<hbm>> -> memref<72xi32, #tpu.memory_space<hbm>>
        tpu.wait_dma2 semaphore(%arg20 : memref<!tpu.dma_semaphore, #tpu.memory_space<semaphore_mem>>) src(%dma_wait3A_221 : memref<72xi32, #tpu.memory_space<hbm>>) dst(%dma_wait3A_218 : memref<72xi32, #tpu.memory_space<vmem>>)
        %dma_wait3A_222 = arith.constant 0 : i32
        %dma_wait3A_223 = arith.constant 0 : i32
        %dma_wait3A_224 = arith.constant 0 : i32
        %dma_wait3A_225 = tpu.memref_slice %arg10[%dma_wait3A_222, %dma_wait3A_223, %dma_wait3A_224] : memref<4x72x128xf32, #tpu.memory_space<vmem>> -> memref<1x72x128xf32, #tpu.memory_space<vmem>>
        %dma_wait3A_226 = tpu.memref_squeeze %dma_wait3A_225 : memref<1x72x128xf32, #tpu.memory_space<vmem>> -> memref<72x128xf32, #tpu.memory_space<vmem>>
        %dma_wait3A_227 = arith.constant 0 : i32
        %dma_wait3A_228 = tpu.memref_slice %arg8[%dma_wait3A_227] : memref<10080xi32, #tpu.memory_space<vmem>> -> memref<72xi32, #tpu.memory_space<vmem>>
        %dma_wait3A_229 = arith.constant 0 : i32
        %dma_wait3A_230 = arith.constant 0 : i32
        %dma_wait3A_231 = tpu.memref_slice %arg2[%dma_wait3A_229, %dma_wait3A_230] : memref<10240x128xf32, #tpu.memory_space<hbm>> -> memref<10240x128xf32, #tpu.memory_space<hbm>>
        tpu.wait_indirect_dma semaphore(%arg12 : memref<!tpu.dma_semaphore, #tpu.memory_space<semaphore_mem>>) src(%dma_wait3A_231 : memref<10240x128xf32, #tpu.memory_space<hbm>>) dst(%dma_wait3A_226 : memref<72x128xf32, #tpu.memory_space<vmem>>)
        %dma_start3A_232 = arith.constant 0 : i32
        %dma_start3A_233 = arith.constant 0 : i32
        %dma_start3A_234 = arith.constant 0 : i32
        %dma_start3A_235 = arith.constant 0 : i32
        %dma_start3A_236 = tpu.memref_slice %arg10[%dma_start3A_232, %dma_start3A_234, %dma_start3A_235] : memref<4x72x128xf32, #tpu.memory_space<vmem>> -> memref<1x72x128xf32, #tpu.memory_space<vmem>>
        %dma_start3A_237 = tpu.memref_squeeze %dma_start3A_236 : memref<1x72x128xf32, #tpu.memory_space<vmem>> -> memref<72x128xf32, #tpu.memory_space<vmem>>
        %dma_start3A_238 = arith.constant 0 : i32
        %dma_start3A_239 = tpu.memref_slice %arg9[%dma_start3A_233, %dma_start3A_238] : memref<4x72xi32, #tpu.memory_space<vmem>> -> memref<1x72xi32, #tpu.memory_space<vmem>>
        %dma_start3A_240 = tpu.memref_squeeze %dma_start3A_239 : memref<1x72xi32, #tpu.memory_space<vmem>> -> memref<72xi32, #tpu.memory_space<vmem>>
        %dma_start3A_241 = arith.constant 0 : i32
        %dma_start3A_242 = arith.constant 0 : i32
        %dma_start3A_243 = tpu.memref_slice %arg11[%dma_start3A_241, %dma_start3A_242] : memref<10112x128xf32, #tpu.memory_space<vmem_shared>> -> memref<10112x128xf32, #tpu.memory_space<vmem_shared>>
        tpu.enqueue_indirect_dma source(%dma_start3A_237 : memref<72x128xf32, #tpu.memory_space<vmem>>) target(%dma_start3A_243 : memref<10112x128xf32, #tpu.memory_space<vmem_shared>>) offsets(%dma_start3A_240 : memref<72xi32, #tpu.memory_space<vmem>>) semaphore(%arg16 : memref<!tpu.dma_semaphore, #tpu.memory_space<semaphore_mem>>) {add = true}
        %add3A_244 = arith.constant 4 : i32
        %add3A_245 = arith.addi %add3A_207, %add3A_244 : i32
        %lt3A = arith.constant 140 : i32
        %lt3A_246 = arith.cmpi slt, %add3A_245, %lt3A : i32
        %convert_element_type3A_247 = arith.extui %lt3A_246 : i1 to i32
        %cond3A_248 = arith.constant 0 : i32
        %cond3A_249 = arith.cmpi ne, %convert_element_type3A_247, %cond3A_248 : i32
        scf.if %cond3A_249 {
          %dma_wait3A_391 = arith.constant 0 : i32
          %dma_wait3A_392 = arith.constant 0 : i32
          %dma_wait3A_393 = arith.constant 0 : i32
          %dma_wait3A_394 = arith.constant 0 : i32
          %dma_wait3A_395 = tpu.memref_slice %arg10[%dma_wait3A_391, %dma_wait3A_393, %dma_wait3A_394] : memref<4x72x128xf32, #tpu.memory_space<vmem>> -> memref<1x72x128xf32, #tpu.memory_space<vmem>>
          %dma_wait3A_396 = tpu.memref_squeeze %dma_wait3A_395 : memref<1x72x128xf32, #tpu.memory_space<vmem>> -> memref<72x128xf32, #tpu.memory_space<vmem>>
          %dma_wait3A_397 = arith.constant 0 : i32
          %dma_wait3A_398 = tpu.memref_slice %arg9[%dma_wait3A_392, %dma_wait3A_397] : memref<4x72xi32, #tpu.memory_space<vmem>> -> memref<1x72xi32, #tpu.memory_space<vmem>>
          %dma_wait3A_399 = tpu.memref_squeeze %dma_wait3A_398 : memref<1x72xi32, #tpu.memory_space<vmem>> -> memref<72xi32, #tpu.memory_space<vmem>>
          %dma_wait3A_400 = arith.constant 0 : i32
          %dma_wait3A_401 = arith.constant 0 : i32
          %dma_wait3A_402 = tpu.memref_slice %arg11[%dma_wait3A_400, %dma_wait3A_401] : memref<10112x128xf32, #tpu.memory_space<vmem_shared>> -> memref<10112x128xf32, #tpu.memory_space<vmem_shared>>
          tpu.wait_indirect_dma semaphore(%arg16 : memref<!tpu.dma_semaphore, #tpu.memory_space<semaphore_mem>>) src(%dma_wait3A_396 : memref<72x128xf32, #tpu.memory_space<vmem>>) dst(%dma_wait3A_402 : memref<10112x128xf32, #tpu.memory_space<vmem_shared>>)
          %add3A_403 = arith.constant 4 : i32
          %add3A_404 = arith.addi %add3A_207, %add3A_403 : i32
          %add3A_405 = arith.addi %mul3A_44, %add3A_404 : i32
          %dma_start3A_406 = arith.constant 0 : i32
          %dma_start3A_407 = arith.constant 0 : i32
          %dma_start3A_408 = tpu.memref_slice %arg9[%dma_start3A_406, %dma_start3A_407] : memref<4x72xi32, #tpu.memory_space<vmem>> -> memref<1x72xi32, #tpu.memory_space<vmem>>
          %dma_start3A_409 = tpu.memref_squeeze %dma_start3A_408 : memref<1x72xi32, #tpu.memory_space<vmem>> -> memref<72xi32, #tpu.memory_space<vmem>>
          %dma_start3A_410 = arith.constant 0 : i32
          %dma_start3A_411 = tpu.memref_slice %arg5[%add3A_405, %dma_start3A_410] : memref<2240x72xi32, #tpu.memory_space<hbm>> -> memref<1x72xi32, #tpu.memory_space<hbm>>
          %dma_start3A_412 = tpu.memref_squeeze %dma_start3A_411 : memref<1x72xi32, #tpu.memory_space<hbm>> -> memref<72xi32, #tpu.memory_space<hbm>>
          %dma_start3A_413 = arith.constant 0 : i32
          %dma_start3A_414 = tpu.memref_slice %arg9[%dma_start3A_406, %dma_start3A_413] : memref<4x72xi32, #tpu.memory_space<vmem>> -> memref<1x72xi32, #tpu.memory_space<vmem>>
          %dma_start3A_415 = tpu.memref_squeeze %dma_start3A_414 : memref<1x72xi32, #tpu.memory_space<vmem>> -> memref<72xi32, #tpu.memory_space<vmem>>
          %dma_start3A_416 = arith.constant 0 : i32
          %dma_start3A_417 = tpu.memref_slice %arg5[%add3A_405, %dma_start3A_416] : memref<2240x72xi32, #tpu.memory_space<hbm>> -> memref<1x72xi32, #tpu.memory_space<hbm>>
          %dma_start3A_418 = tpu.memref_squeeze %dma_start3A_417 : memref<1x72xi32, #tpu.memory_space<hbm>> -> memref<72xi32, #tpu.memory_space<hbm>>
          tpu.enqueue_dma source(%dma_start3A_418 : memref<72xi32, #tpu.memory_space<hbm>>) target(%dma_start3A_415 : memref<72xi32, #tpu.memory_space<vmem>>) target_semaphore(%arg20 : memref<!tpu.dma_semaphore, #tpu.memory_space<semaphore_mem>>)
          %mul3A_419 = arith.constant 72 : i32
          %mul3A_420 = arith.muli %add3A_404, %mul3A_419 : i32
          %multiple_of3A_421 = tpu.assume_multiple %mul3A_420, 72 : i32
          %dma_start3A_422 = arith.constant 0 : i32
          %dma_start3A_423 = arith.constant 0 : i32
          %dma_start3A_424 = arith.constant 0 : i32
          %dma_start3A_425 = tpu.memref_slice %arg10[%dma_start3A_422, %dma_start3A_423, %dma_start3A_424] : memref<4x72x128xf32, #tpu.memory_space<vmem>> -> memref<1x72x128xf32, #tpu.memory_space<vmem>>
          %dma_start3A_426 = tpu.memref_squeeze %dma_start3A_425 : memref<1x72x128xf32, #tpu.memory_space<vmem>> -> memref<72x128xf32, #tpu.memory_space<vmem>>
          %dma_start3A_427 = tpu.memref_slice %arg8[%multiple_of3A_421] : memref<10080xi32, #tpu.memory_space<vmem>> -> memref<72xi32, #tpu.memory_space<vmem>>
          %dma_start3A_428 = arith.constant 0 : i32
          %dma_start3A_429 = arith.constant 0 : i32
          %dma_start3A_430 = tpu.memref_slice %arg2[%dma_start3A_428, %dma_start3A_429] : memref<10240x128xf32, #tpu.memory_space<hbm>> -> memref<10240x128xf32, #tpu.memory_space<hbm>>
          tpu.enqueue_indirect_dma source(%dma_start3A_430 : memref<10240x128xf32, #tpu.memory_space<hbm>>) target(%dma_start3A_426 : memref<72x128xf32, #tpu.memory_space<vmem>>) offsets(%dma_start3A_427 : memref<72xi32, #tpu.memory_space<vmem>>) semaphore(%arg12 : memref<!tpu.dma_semaphore, #tpu.memory_space<semaphore_mem>>)
        } else {
        }
        %mul3A_250 = arith.constant 4 : i32
        %mul3A_251 = arith.muli %scan3A_203, %mul3A_250 : i32
        %add3A_252 = arith.constant 1 : i32
        %add3A_253 = arith.addi %mul3A_251, %add3A_252 : i32
        %dma_wait3A_254 = arith.constant 0 : i32
        %dma_wait3A_255 = arith.constant 1 : i32
        %dma_wait3A_256 = arith.constant 0 : i32
        %dma_wait3A_257 = tpu.memref_slice %arg9[%dma_wait3A_255, %dma_wait3A_256] : memref<4x72xi32, #tpu.memory_space<vmem>> -> memref<1x72xi32, #tpu.memory_space<vmem>>
        %dma_wait3A_258 = tpu.memref_squeeze %dma_wait3A_257 : memref<1x72xi32, #tpu.memory_space<vmem>> -> memref<72xi32, #tpu.memory_space<vmem>>
        %dma_wait3A_259 = arith.constant 0 : i32
        %dma_wait3A_260 = tpu.memref_slice %arg5[%dma_wait3A_254, %dma_wait3A_259] : memref<2240x72xi32, #tpu.memory_space<hbm>> -> memref<1x72xi32, #tpu.memory_space<hbm>>
        %dma_wait3A_261 = tpu.memref_squeeze %dma_wait3A_260 : memref<1x72xi32, #tpu.memory_space<hbm>> -> memref<72xi32, #tpu.memory_space<hbm>>
        %dma_wait3A_262 = arith.constant 0 : i32
        %dma_wait3A_263 = tpu.memref_slice %arg9[%dma_wait3A_255, %dma_wait3A_262] : memref<4x72xi32, #tpu.memory_space<vmem>> -> memref<1x72xi32, #tpu.memory_space<vmem>>
        %dma_wait3A_264 = tpu.memref_squeeze %dma_wait3A_263 : memref<1x72xi32, #tpu.memory_space<vmem>> -> memref<72xi32, #tpu.memory_space<vmem>>
        %dma_wait3A_265 = arith.constant 0 : i32
        %dma_wait3A_266 = tpu.memref_slice %arg5[%dma_wait3A_254, %dma_wait3A_265] : memref<2240x72xi32, #tpu.memory_space<hbm>> -> memref<1x72xi32, #tpu.memory_space<hbm>>
        %dma_wait3A_267 = tpu.memref_squeeze %dma_wait3A_266 : memref<1x72xi32, #tpu.memory_space<hbm>> -> memref<72xi32, #tpu.memory_space<hbm>>
        tpu.wait_dma2 semaphore(%arg21 : memref<!tpu.dma_semaphore, #tpu.memory_space<semaphore_mem>>) src(%dma_wait3A_267 : memref<72xi32, #tpu.memory_space<hbm>>) dst(%dma_wait3A_264 : memref<72xi32, #tpu.memory_space<vmem>>)
        %dma_wait3A_268 = arith.constant 1 : i32
        %dma_wait3A_269 = arith.constant 0 : i32
        %dma_wait3A_270 = arith.constant 0 : i32
        %dma_wait3A_271 = tpu.memref_slice %arg10[%dma_wait3A_268, %dma_wait3A_269, %dma_wait3A_270] : memref<4x72x128xf32, #tpu.memory_space<vmem>> -> memref<1x72x128xf32, #tpu.memory_space<vmem>>
        %dma_wait3A_272 = tpu.memref_squeeze %dma_wait3A_271 : memref<1x72x128xf32, #tpu.memory_space<vmem>> -> memref<72x128xf32, #tpu.memory_space<vmem>>
        %dma_wait3A_273 = arith.constant 0 : i32
        %dma_wait3A_274 = tpu.memref_slice %arg8[%dma_wait3A_273] : memref<10080xi32, #tpu.memory_space<vmem>> -> memref<72xi32, #tpu.memory_space<vmem>>
        %dma_wait3A_275 = arith.constant 0 : i32
        %dma_wait3A_276 = arith.constant 0 : i32
        %dma_wait3A_277 = tpu.memref_slice %arg2[%dma_wait3A_275, %dma_wait3A_276] : memref<10240x128xf32, #tpu.memory_space<hbm>> -> memref<10240x128xf32, #tpu.memory_space<hbm>>
        tpu.wait_indirect_dma semaphore(%arg13 : memref<!tpu.dma_semaphore, #tpu.memory_space<semaphore_mem>>) src(%dma_wait3A_277 : memref<10240x128xf32, #tpu.memory_space<hbm>>) dst(%dma_wait3A_272 : memref<72x128xf32, #tpu.memory_space<vmem>>)
        %dma_start3A_278 = arith.constant 1 : i32
        %dma_start3A_279 = arith.constant 1 : i32
        %dma_start3A_280 = arith.constant 0 : i32
        %dma_start3A_281 = arith.constant 0 : i32
        %dma_start3A_282 = tpu.memref_slice %arg10[%dma_start3A_278, %dma_start3A_280, %dma_start3A_281] : memref<4x72x128xf32, #tpu.memory_space<vmem>> -> memref<1x72x128xf32, #tpu.memory_space<vmem>>
        %dma_start3A_283 = tpu.memref_squeeze %dma_start3A_282 : memref<1x72x128xf32, #tpu.memory_space<vmem>> -> memref<72x128xf32, #tpu.memory_space<vmem>>
        %dma_start3A_284 = arith.constant 0 : i32
        %dma_start3A_285 = tpu.memref_slice %arg9[%dma_start3A_279, %dma_start3A_284] : memref<4x72xi32, #tpu.memory_space<vmem>> -> memref<1x72xi32, #tpu.memory_space<vmem>>
        %dma_start3A_286 = tpu.memref_squeeze %dma_start3A_285 : memref<1x72xi32, #tpu.memory_space<vmem>> -> memref<72xi32, #tpu.memory_space<vmem>>
        %dma_start3A_287 = arith.constant 0 : i32
        %dma_start3A_288 = arith.constant 0 : i32
        %dma_start3A_289 = tpu.memref_slice %arg11[%dma_start3A_287, %dma_start3A_288] : memref<10112x128xf32, #tpu.memory_space<vmem_shared>> -> memref<10112x128xf32, #tpu.memory_space<vmem_shared>>
        tpu.enqueue_indirect_dma source(%dma_start3A_283 : memref<72x128xf32, #tpu.memory_space<vmem>>) target(%dma_start3A_289 : memref<10112x128xf32, #tpu.memory_space<vmem_shared>>) offsets(%dma_start3A_286 : memref<72xi32, #tpu.memory_space<vmem>>) semaphore(%arg17 : memref<!tpu.dma_semaphore, #tpu.memory_space<semaphore_mem>>) {add = true}
        %add3A_290 = arith.constant 4 : i32
        %add3A_291 = arith.addi %add3A_253, %add3A_290 : i32
        %lt3A_292 = arith.constant 140 : i32
        %lt3A_293 = arith.cmpi slt, %add3A_291, %lt3A_292 : i32
        %convert_element_type3A_294 = arith.extui %lt3A_293 : i1 to i32
        %cond3A_295 = arith.constant 0 : i32
        %cond3A_296 = arith.cmpi ne, %convert_element_type3A_294, %cond3A_295 : i32
        scf.if %cond3A_296 {
          %dma_wait3A_391 = arith.constant 1 : i32
          %dma_wait3A_392 = arith.constant 0 : i32
          %dma_wait3A_393 = arith.constant 0 : i32
          %dma_wait3A_394 = arith.constant 0 : i32
          %dma_wait3A_395 = tpu.memref_slice %arg10[%dma_wait3A_391, %dma_wait3A_393, %dma_wait3A_394] : memref<4x72x128xf32, #tpu.memory_space<vmem>> -> memref<1x72x128xf32, #tpu.memory_space<vmem>>
          %dma_wait3A_396 = tpu.memref_squeeze %dma_wait3A_395 : memref<1x72x128xf32, #tpu.memory_space<vmem>> -> memref<72x128xf32, #tpu.memory_space<vmem>>
          %dma_wait3A_397 = arith.constant 0 : i32
          %dma_wait3A_398 = tpu.memref_slice %arg9[%dma_wait3A_392, %dma_wait3A_397] : memref<4x72xi32, #tpu.memory_space<vmem>> -> memref<1x72xi32, #tpu.memory_space<vmem>>
          %dma_wait3A_399 = tpu.memref_squeeze %dma_wait3A_398 : memref<1x72xi32, #tpu.memory_space<vmem>> -> memref<72xi32, #tpu.memory_space<vmem>>
          %dma_wait3A_400 = arith.constant 0 : i32
          %dma_wait3A_401 = arith.constant 0 : i32
          %dma_wait3A_402 = tpu.memref_slice %arg11[%dma_wait3A_400, %dma_wait3A_401] : memref<10112x128xf32, #tpu.memory_space<vmem_shared>> -> memref<10112x128xf32, #tpu.memory_space<vmem_shared>>
          tpu.wait_indirect_dma semaphore(%arg17 : memref<!tpu.dma_semaphore, #tpu.memory_space<semaphore_mem>>) src(%dma_wait3A_396 : memref<72x128xf32, #tpu.memory_space<vmem>>) dst(%dma_wait3A_402 : memref<10112x128xf32, #tpu.memory_space<vmem_shared>>)
          %add3A_403 = arith.constant 4 : i32
          %add3A_404 = arith.addi %add3A_253, %add3A_403 : i32
          %add3A_405 = arith.addi %mul3A_44, %add3A_404 : i32
          %dma_start3A_406 = arith.constant 1 : i32
          %dma_start3A_407 = arith.constant 0 : i32
          %dma_start3A_408 = tpu.memref_slice %arg9[%dma_start3A_406, %dma_start3A_407] : memref<4x72xi32, #tpu.memory_space<vmem>> -> memref<1x72xi32, #tpu.memory_space<vmem>>
          %dma_start3A_409 = tpu.memref_squeeze %dma_start3A_408 : memref<1x72xi32, #tpu.memory_space<vmem>> -> memref<72xi32, #tpu.memory_space<vmem>>
          %dma_start3A_410 = arith.constant 0 : i32
          %dma_start3A_411 = tpu.memref_slice %arg5[%add3A_405, %dma_start3A_410] : memref<2240x72xi32, #tpu.memory_space<hbm>> -> memref<1x72xi32, #tpu.memory_space<hbm>>
          %dma_start3A_412 = tpu.memref_squeeze %dma_start3A_411 : memref<1x72xi32, #tpu.memory_space<hbm>> -> memref<72xi32, #tpu.memory_space<hbm>>
          %dma_start3A_413 = arith.constant 0 : i32
          %dma_start3A_414 = tpu.memref_slice %arg9[%dma_start3A_406, %dma_start3A_413] : memref<4x72xi32, #tpu.memory_space<vmem>> -> memref<1x72xi32, #tpu.memory_space<vmem>>
          %dma_start3A_415 = tpu.memref_squeeze %dma_start3A_414 : memref<1x72xi32, #tpu.memory_space<vmem>> -> memref<72xi32, #tpu.memory_space<vmem>>
          %dma_start3A_416 = arith.constant 0 : i32
          %dma_start3A_417 = tpu.memref_slice %arg5[%add3A_405, %dma_start3A_416] : memref<2240x72xi32, #tpu.memory_space<hbm>> -> memref<1x72xi32, #tpu.memory_space<hbm>>
          %dma_start3A_418 = tpu.memref_squeeze %dma_start3A_417 : memref<1x72xi32, #tpu.memory_space<hbm>> -> memref<72xi32, #tpu.memory_space<hbm>>
          tpu.enqueue_dma source(%dma_start3A_418 : memref<72xi32, #tpu.memory_space<hbm>>) target(%dma_start3A_415 : memref<72xi32, #tpu.memory_space<vmem>>) target_semaphore(%arg21 : memref<!tpu.dma_semaphore, #tpu.memory_space<semaphore_mem>>)
          %mul3A_419 = arith.constant 72 : i32
          %mul3A_420 = arith.muli %add3A_404, %mul3A_419 : i32
          %multiple_of3A_421 = tpu.assume_multiple %mul3A_420, 72 : i32
          %dma_start3A_422 = arith.constant 1 : i32
          %dma_start3A_423 = arith.constant 0 : i32
          %dma_start3A_424 = arith.constant 0 : i32
          %dma_start3A_425 = tpu.memref_slice %arg10[%dma_start3A_422, %dma_start3A_423, %dma_start3A_424] : memref<4x72x128xf32, #tpu.memory_space<vmem>> -> memref<1x72x128xf32, #tpu.memory_space<vmem>>
          %dma_start3A_426 = tpu.memref_squeeze %dma_start3A_425 : memref<1x72x128xf32, #tpu.memory_space<vmem>> -> memref<72x128xf32, #tpu.memory_space<vmem>>
          %dma_start3A_427 = tpu.memref_slice %arg8[%multiple_of3A_421] : memref<10080xi32, #tpu.memory_space<vmem>> -> memref<72xi32, #tpu.memory_space<vmem>>
          %dma_start3A_428 = arith.constant 0 : i32
          %dma_start3A_429 = arith.constant 0 : i32
          %dma_start3A_430 = tpu.memref_slice %arg2[%dma_start3A_428, %dma_start3A_429] : memref<10240x128xf32, #tpu.memory_space<hbm>> -> memref<10240x128xf32, #tpu.memory_space<hbm>>
          tpu.enqueue_indirect_dma source(%dma_start3A_430 : memref<10240x128xf32, #tpu.memory_space<hbm>>) target(%dma_start3A_426 : memref<72x128xf32, #tpu.memory_space<vmem>>) offsets(%dma_start3A_427 : memref<72xi32, #tpu.memory_space<vmem>>) semaphore(%arg13 : memref<!tpu.dma_semaphore, #tpu.memory_space<semaphore_mem>>)
        } else {
        }
        %mul3A_297 = arith.constant 4 : i32
        %mul3A_298 = arith.muli %scan3A_203, %mul3A_297 : i32
        %add3A_299 = arith.constant 2 : i32
        %add3A_300 = arith.addi %mul3A_298, %add3A_299 : i32
        %dma_wait3A_301 = arith.constant 0 : i32
        %dma_wait3A_302 = arith.constant 2 : i32
        %dma_wait3A_303 = arith.constant 0 : i32
        %dma_wait3A_304 = tpu.memref_slice %arg9[%dma_wait3A_302, %dma_wait3A_303] : memref<4x72xi32, #tpu.memory_space<vmem>> -> memref<1x72xi32, #tpu.memory_space<vmem>>
        %dma_wait3A_305 = tpu.memref_squeeze %dma_wait3A_304 : memref<1x72xi32, #tpu.memory_space<vmem>> -> memref<72xi32, #tpu.memory_space<vmem>>
        %dma_wait3A_306 = arith.constant 0 : i32
        %dma_wait3A_307 = tpu.memref_slice %arg5[%dma_wait3A_301, %dma_wait3A_306] : memref<2240x72xi32, #tpu.memory_space<hbm>> -> memref<1x72xi32, #tpu.memory_space<hbm>>
        %dma_wait3A_308 = tpu.memref_squeeze %dma_wait3A_307 : memref<1x72xi32, #tpu.memory_space<hbm>> -> memref<72xi32, #tpu.memory_space<hbm>>
        %dma_wait3A_309 = arith.constant 0 : i32
        %dma_wait3A_310 = tpu.memref_slice %arg9[%dma_wait3A_302, %dma_wait3A_309] : memref<4x72xi32, #tpu.memory_space<vmem>> -> memref<1x72xi32, #tpu.memory_space<vmem>>
        %dma_wait3A_311 = tpu.memref_squeeze %dma_wait3A_310 : memref<1x72xi32, #tpu.memory_space<vmem>> -> memref<72xi32, #tpu.memory_space<vmem>>
        %dma_wait3A_312 = arith.constant 0 : i32
        %dma_wait3A_313 = tpu.memref_slice %arg5[%dma_wait3A_301, %dma_wait3A_312] : memref<2240x72xi32, #tpu.memory_space<hbm>> -> memref<1x72xi32, #tpu.memory_space<hbm>>
        %dma_wait3A_314 = tpu.memref_squeeze %dma_wait3A_313 : memref<1x72xi32, #tpu.memory_space<hbm>> -> memref<72xi32, #tpu.memory_space<hbm>>
        tpu.wait_dma2 semaphore(%arg22 : memref<!tpu.dma_semaphore, #tpu.memory_space<semaphore_mem>>) src(%dma_wait3A_314 : memref<72xi32, #tpu.memory_space<hbm>>) dst(%dma_wait3A_311 : memref<72xi32, #tpu.memory_space<vmem>>)
        %dma_wait3A_315 = arith.constant 2 : i32
        %dma_wait3A_316 = arith.constant 0 : i32
        %dma_wait3A_317 = arith.constant 0 : i32
        %dma_wait3A_318 = tpu.memref_slice %arg10[%dma_wait3A_315, %dma_wait3A_316, %dma_wait3A_317] : memref<4x72x128xf32, #tpu.memory_space<vmem>> -> memref<1x72x128xf32, #tpu.memory_space<vmem>>
        %dma_wait3A_319 = tpu.memref_squeeze %dma_wait3A_318 : memref<1x72x128xf32, #tpu.memory_space<vmem>> -> memref<72x128xf32, #tpu.memory_space<vmem>>
        %dma_wait3A_320 = arith.constant 0 : i32
        %dma_wait3A_321 = tpu.memref_slice %arg8[%dma_wait3A_320] : memref<10080xi32, #tpu.memory_space<vmem>> -> memref<72xi32, #tpu.memory_space<vmem>>
        %dma_wait3A_322 = arith.constant 0 : i32
        %dma_wait3A_323 = arith.constant 0 : i32
        %dma_wait3A_324 = tpu.memref_slice %arg2[%dma_wait3A_322, %dma_wait3A_323] : memref<10240x128xf32, #tpu.memory_space<hbm>> -> memref<10240x128xf32, #tpu.memory_space<hbm>>
        tpu.wait_indirect_dma semaphore(%arg14 : memref<!tpu.dma_semaphore, #tpu.memory_space<semaphore_mem>>) src(%dma_wait3A_324 : memref<10240x128xf32, #tpu.memory_space<hbm>>) dst(%dma_wait3A_319 : memref<72x128xf32, #tpu.memory_space<vmem>>)
        %dma_start3A_325 = arith.constant 2 : i32
        %dma_start3A_326 = arith.constant 2 : i32
        %dma_start3A_327 = arith.constant 0 : i32
        %dma_start3A_328 = arith.constant 0 : i32
        %dma_start3A_329 = tpu.memref_slice %arg10[%dma_start3A_325, %dma_start3A_327, %dma_start3A_328] : memref<4x72x128xf32, #tpu.memory_space<vmem>> -> memref<1x72x128xf32, #tpu.memory_space<vmem>>
        %dma_start3A_330 = tpu.memref_squeeze %dma_start3A_329 : memref<1x72x128xf32, #tpu.memory_space<vmem>> -> memref<72x128xf32, #tpu.memory_space<vmem>>
        %dma_start3A_331 = arith.constant 0 : i32
        %dma_start3A_332 = tpu.memref_slice %arg9[%dma_start3A_326, %dma_start3A_331] : memref<4x72xi32, #tpu.memory_space<vmem>> -> memref<1x72xi32, #tpu.memory_space<vmem>>
        %dma_start3A_333 = tpu.memref_squeeze %dma_start3A_332 : memref<1x72xi32, #tpu.memory_space<vmem>> -> memref<72xi32, #tpu.memory_space<vmem>>
        %dma_start3A_334 = arith.constant 0 : i32
        %dma_start3A_335 = arith.constant 0 : i32
        %dma_start3A_336 = tpu.memref_slice %arg11[%dma_start3A_334, %dma_start3A_335] : memref<10112x128xf32, #tpu.memory_space<vmem_shared>> -> memref<10112x128xf32, #tpu.memory_space<vmem_shared>>
        tpu.enqueue_indirect_dma source(%dma_start3A_330 : memref<72x128xf32, #tpu.memory_space<vmem>>) target(%dma_start3A_336 : memref<10112x128xf32, #tpu.memory_space<vmem_shared>>) offsets(%dma_start3A_333 : memref<72xi32, #tpu.memory_space<vmem>>) semaphore(%arg18 : memref<!tpu.dma_semaphore, #tpu.memory_space<semaphore_mem>>) {add = true}
        %add3A_337 = arith.constant 4 : i32
        %add3A_338 = arith.addi %add3A_300, %add3A_337 : i32
        %lt3A_339 = arith.constant 140 : i32
        %lt3A_340 = arith.cmpi slt, %add3A_338, %lt3A_339 : i32
        %convert_element_type3A_341 = arith.extui %lt3A_340 : i1 to i32
        %cond3A_342 = arith.constant 0 : i32
        %cond3A_343 = arith.cmpi ne, %convert_element_type3A_341, %cond3A_342 : i32
        scf.if %cond3A_343 {
          %dma_wait3A_391 = arith.constant 2 : i32
          %dma_wait3A_392 = arith.constant 0 : i32
          %dma_wait3A_393 = arith.constant 0 : i32
          %dma_wait3A_394 = arith.constant 0 : i32
          %dma_wait3A_395 = tpu.memref_slice %arg10[%dma_wait3A_391, %dma_wait3A_393, %dma_wait3A_394] : memref<4x72x128xf32, #tpu.memory_space<vmem>> -> memref<1x72x128xf32, #tpu.memory_space<vmem>>
          %dma_wait3A_396 = tpu.memref_squeeze %dma_wait3A_395 : memref<1x72x128xf32, #tpu.memory_space<vmem>> -> memref<72x128xf32, #tpu.memory_space<vmem>>
          %dma_wait3A_397 = arith.constant 0 : i32
          %dma_wait3A_398 = tpu.memref_slice %arg9[%dma_wait3A_392, %dma_wait3A_397] : memref<4x72xi32, #tpu.memory_space<vmem>> -> memref<1x72xi32, #tpu.memory_space<vmem>>
          %dma_wait3A_399 = tpu.memref_squeeze %dma_wait3A_398 : memref<1x72xi32, #tpu.memory_space<vmem>> -> memref<72xi32, #tpu.memory_space<vmem>>
          %dma_wait3A_400 = arith.constant 0 : i32
          %dma_wait3A_401 = arith.constant 0 : i32
          %dma_wait3A_402 = tpu.memref_slice %arg11[%dma_wait3A_400, %dma_wait3A_401] : memref<10112x128xf32, #tpu.memory_space<vmem_shared>> -> memref<10112x128xf32, #tpu.memory_space<vmem_shared>>
          tpu.wait_indirect_dma semaphore(%arg18 : memref<!tpu.dma_semaphore, #tpu.memory_space<semaphore_mem>>) src(%dma_wait3A_396 : memref<72x128xf32, #tpu.memory_space<vmem>>) dst(%dma_wait3A_402 : memref<10112x128xf32, #tpu.memory_space<vmem_shared>>)
          %add3A_403 = arith.constant 4 : i32
          %add3A_404 = arith.addi %add3A_300, %add3A_403 : i32
          %add3A_405 = arith.addi %mul3A_44, %add3A_404 : i32
          %dma_start3A_406 = arith.constant 2 : i32
          %dma_start3A_407 = arith.constant 0 : i32
          %dma_start3A_408 = tpu.memref_slice %arg9[%dma_start3A_406, %dma_start3A_407] : memref<4x72xi32, #tpu.memory_space<vmem>> -> memref<1x72xi32, #tpu.memory_space<vmem>>
          %dma_start3A_409 = tpu.memref_squeeze %dma_start3A_408 : memref<1x72xi32, #tpu.memory_space<vmem>> -> memref<72xi32, #tpu.memory_space<vmem>>
          %dma_start3A_410 = arith.constant 0 : i32
          %dma_start3A_411 = tpu.memref_slice %arg5[%add3A_405, %dma_start3A_410] : memref<2240x72xi32, #tpu.memory_space<hbm>> -> memref<1x72xi32, #tpu.memory_space<hbm>>
          %dma_start3A_412 = tpu.memref_squeeze %dma_start3A_411 : memref<1x72xi32, #tpu.memory_space<hbm>> -> memref<72xi32, #tpu.memory_space<hbm>>
          %dma_start3A_413 = arith.constant 0 : i32
          %dma_start3A_414 = tpu.memref_slice %arg9[%dma_start3A_406, %dma_start3A_413] : memref<4x72xi32, #tpu.memory_space<vmem>> -> memref<1x72xi32, #tpu.memory_space<vmem>>
          %dma_start3A_415 = tpu.memref_squeeze %dma_start3A_414 : memref<1x72xi32, #tpu.memory_space<vmem>> -> memref<72xi32, #tpu.memory_space<vmem>>
          %dma_start3A_416 = arith.constant 0 : i32
          %dma_start3A_417 = tpu.memref_slice %arg5[%add3A_405, %dma_start3A_416] : memref<2240x72xi32, #tpu.memory_space<hbm>> -> memref<1x72xi32, #tpu.memory_space<hbm>>
          %dma_start3A_418 = tpu.memref_squeeze %dma_start3A_417 : memref<1x72xi32, #tpu.memory_space<hbm>> -> memref<72xi32, #tpu.memory_space<hbm>>
          tpu.enqueue_dma source(%dma_start3A_418 : memref<72xi32, #tpu.memory_space<hbm>>) target(%dma_start3A_415 : memref<72xi32, #tpu.memory_space<vmem>>) target_semaphore(%arg22 : memref<!tpu.dma_semaphore, #tpu.memory_space<semaphore_mem>>)
          %mul3A_419 = arith.constant 72 : i32
          %mul3A_420 = arith.muli %add3A_404, %mul3A_419 : i32
          %multiple_of3A_421 = tpu.assume_multiple %mul3A_420, 72 : i32
          %dma_start3A_422 = arith.constant 2 : i32
          %dma_start3A_423 = arith.constant 0 : i32
          %dma_start3A_424 = arith.constant 0 : i32
          %dma_start3A_425 = tpu.memref_slice %arg10[%dma_start3A_422, %dma_start3A_423, %dma_start3A_424] : memref<4x72x128xf32, #tpu.memory_space<vmem>> -> memref<1x72x128xf32, #tpu.memory_space<vmem>>
          %dma_start3A_426 = tpu.memref_squeeze %dma_start3A_425 : memref<1x72x128xf32, #tpu.memory_space<vmem>> -> memref<72x128xf32, #tpu.memory_space<vmem>>
          %dma_start3A_427 = tpu.memref_slice %arg8[%multiple_of3A_421] : memref<10080xi32, #tpu.memory_space<vmem>> -> memref<72xi32, #tpu.memory_space<vmem>>
          %dma_start3A_428 = arith.constant 0 : i32
          %dma_start3A_429 = arith.constant 0 : i32
          %dma_start3A_430 = tpu.memref_slice %arg2[%dma_start3A_428, %dma_start3A_429] : memref<10240x128xf32, #tpu.memory_space<hbm>> -> memref<10240x128xf32, #tpu.memory_space<hbm>>
          tpu.enqueue_indirect_dma source(%dma_start3A_430 : memref<10240x128xf32, #tpu.memory_space<hbm>>) target(%dma_start3A_426 : memref<72x128xf32, #tpu.memory_space<vmem>>) offsets(%dma_start3A_427 : memref<72xi32, #tpu.memory_space<vmem>>) semaphore(%arg14 : memref<!tpu.dma_semaphore, #tpu.memory_space<semaphore_mem>>)
        } else {
        }
        %mul3A_344 = arith.constant 4 : i32
        %mul3A_345 = arith.muli %scan3A_203, %mul3A_344 : i32
        %add3A_346 = arith.constant 3 : i32
        %add3A_347 = arith.addi %mul3A_345, %add3A_346 : i32
        %dma_wait3A_348 = arith.constant 0 : i32
        %dma_wait3A_349 = arith.constant 3 : i32
        %dma_wait3A_350 = arith.constant 0 : i32
        %dma_wait3A_351 = tpu.memref_slice %arg9[%dma_wait3A_349, %dma_wait3A_350] : memref<4x72xi32, #tpu.memory_space<vmem>> -> memref<1x72xi32, #tpu.memory_space<vmem>>
        %dma_wait3A_352 = tpu.memref_squeeze %dma_wait3A_351 : memref<1x72xi32, #tpu.memory_space<vmem>> -> memref<72xi32, #tpu.memory_space<vmem>>
        %dma_wait3A_353 = arith.constant 0 : i32
        %dma_wait3A_354 = tpu.memref_slice %arg5[%dma_wait3A_348, %dma_wait3A_353] : memref<2240x72xi32, #tpu.memory_space<hbm>> -> memref<1x72xi32, #tpu.memory_space<hbm>>
        %dma_wait3A_355 = tpu.memref_squeeze %dma_wait3A_354 : memref<1x72xi32, #tpu.memory_space<hbm>> -> memref<72xi32, #tpu.memory_space<hbm>>
        %dma_wait3A_356 = arith.constant 0 : i32
        %dma_wait3A_357 = tpu.memref_slice %arg9[%dma_wait3A_349, %dma_wait3A_356] : memref<4x72xi32, #tpu.memory_space<vmem>> -> memref<1x72xi32, #tpu.memory_space<vmem>>
        %dma_wait3A_358 = tpu.memref_squeeze %dma_wait3A_357 : memref<1x72xi32, #tpu.memory_space<vmem>> -> memref<72xi32, #tpu.memory_space<vmem>>
        %dma_wait3A_359 = arith.constant 0 : i32
        %dma_wait3A_360 = tpu.memref_slice %arg5[%dma_wait3A_348, %dma_wait3A_359] : memref<2240x72xi32, #tpu.memory_space<hbm>> -> memref<1x72xi32, #tpu.memory_space<hbm>>
        %dma_wait3A_361 = tpu.memref_squeeze %dma_wait3A_360 : memref<1x72xi32, #tpu.memory_space<hbm>> -> memref<72xi32, #tpu.memory_space<hbm>>
        tpu.wait_dma2 semaphore(%arg23 : memref<!tpu.dma_semaphore, #tpu.memory_space<semaphore_mem>>) src(%dma_wait3A_361 : memref<72xi32, #tpu.memory_space<hbm>>) dst(%dma_wait3A_358 : memref<72xi32, #tpu.memory_space<vmem>>)
        %dma_wait3A_362 = arith.constant 3 : i32
        %dma_wait3A_363 = arith.constant 0 : i32
        %dma_wait3A_364 = arith.constant 0 : i32
        %dma_wait3A_365 = tpu.memref_slice %arg10[%dma_wait3A_362, %dma_wait3A_363, %dma_wait3A_364] : memref<4x72x128xf32, #tpu.memory_space<vmem>> -> memref<1x72x128xf32, #tpu.memory_space<vmem>>
        %dma_wait3A_366 = tpu.memref_squeeze %dma_wait3A_365 : memref<1x72x128xf32, #tpu.memory_space<vmem>> -> memref<72x128xf32, #tpu.memory_space<vmem>>
        %dma_wait3A_367 = arith.constant 0 : i32
        %dma_wait3A_368 = tpu.memref_slice %arg8[%dma_wait3A_367] : memref<10080xi32, #tpu.memory_space<vmem>> -> memref<72xi32, #tpu.memory_space<vmem>>
        %dma_wait3A_369 = arith.constant 0 : i32
        %dma_wait3A_370 = arith.constant 0 : i32
        %dma_wait3A_371 = tpu.memref_slice %arg2[%dma_wait3A_369, %dma_wait3A_370] : memref<10240x128xf32, #tpu.memory_space<hbm>> -> memref<10240x128xf32, #tpu.memory_space<hbm>>
        tpu.wait_indirect_dma semaphore(%arg15 : memref<!tpu.dma_semaphore, #tpu.memory_space<semaphore_mem>>) src(%dma_wait3A_371 : memref<10240x128xf32, #tpu.memory_space<hbm>>) dst(%dma_wait3A_366 : memref<72x128xf32, #tpu.memory_space<vmem>>)
        %dma_start3A_372 = arith.constant 3 : i32
        %dma_start3A_373 = arith.constant 3 : i32
        %dma_start3A_374 = arith.constant 0 : i32
        %dma_start3A_375 = arith.constant 0 : i32
        %dma_start3A_376 = tpu.memref_slice %arg10[%dma_start3A_372, %dma_start3A_374, %dma_start3A_375] : memref<4x72x128xf32, #tpu.memory_space<vmem>> -> memref<1x72x128xf32, #tpu.memory_space<vmem>>
        %dma_start3A_377 = tpu.memref_squeeze %dma_start3A_376 : memref<1x72x128xf32, #tpu.memory_space<vmem>> -> memref<72x128xf32, #tpu.memory_space<vmem>>
        %dma_start3A_378 = arith.constant 0 : i32
        %dma_start3A_379 = tpu.memref_slice %arg9[%dma_start3A_373, %dma_start3A_378] : memref<4x72xi32, #tpu.memory_space<vmem>> -> memref<1x72xi32, #tpu.memory_space<vmem>>
        %dma_start3A_380 = tpu.memref_squeeze %dma_start3A_379 : memref<1x72xi32, #tpu.memory_space<vmem>> -> memref<72xi32, #tpu.memory_space<vmem>>
        %dma_start3A_381 = arith.constant 0 : i32
        %dma_start3A_382 = arith.constant 0 : i32
        %dma_start3A_383 = tpu.memref_slice %arg11[%dma_start3A_381, %dma_start3A_382] : memref<10112x128xf32, #tpu.memory_space<vmem_shared>> -> memref<10112x128xf32, #tpu.memory_space<vmem_shared>>
        tpu.enqueue_indirect_dma source(%dma_start3A_377 : memref<72x128xf32, #tpu.memory_space<vmem>>) target(%dma_start3A_383 : memref<10112x128xf32, #tpu.memory_space<vmem_shared>>) offsets(%dma_start3A_380 : memref<72xi32, #tpu.memory_space<vmem>>) semaphore(%arg19 : memref<!tpu.dma_semaphore, #tpu.memory_space<semaphore_mem>>) {add = true}
        %add3A_384 = arith.constant 4 : i32
        %add3A_385 = arith.addi %add3A_347, %add3A_384 : i32
        %lt3A_386 = arith.constant 140 : i32
        %lt3A_387 = arith.cmpi slt, %add3A_385, %lt3A_386 : i32
        %convert_element_type3A_388 = arith.extui %lt3A_387 : i1 to i32
        %cond3A_389 = arith.constant 0 : i32
        %cond3A_390 = arith.cmpi ne, %convert_element_type3A_388, %cond3A_389 : i32
        scf.if %cond3A_390 {
          %dma_wait3A_391 = arith.constant 3 : i32
          %dma_wait3A_392 = arith.constant 0 : i32
          %dma_wait3A_393 = arith.constant 0 : i32
          %dma_wait3A_394 = arith.constant 0 : i32
          %dma_wait3A_395 = tpu.memref_slice %arg10[%dma_wait3A_391, %dma_wait3A_393, %dma_wait3A_394] : memref<4x72x128xf32, #tpu.memory_space<vmem>> -> memref<1x72x128xf32, #tpu.memory_space<vmem>>
          %dma_wait3A_396 = tpu.memref_squeeze %dma_wait3A_395 : memref<1x72x128xf32, #tpu.memory_space<vmem>> -> memref<72x128xf32, #tpu.memory_space<vmem>>
          %dma_wait3A_397 = arith.constant 0 : i32
          %dma_wait3A_398 = tpu.memref_slice %arg9[%dma_wait3A_392, %dma_wait3A_397] : memref<4x72xi32, #tpu.memory_space<vmem>> -> memref<1x72xi32, #tpu.memory_space<vmem>>
          %dma_wait3A_399 = tpu.memref_squeeze %dma_wait3A_398 : memref<1x72xi32, #tpu.memory_space<vmem>> -> memref<72xi32, #tpu.memory_space<vmem>>
          %dma_wait3A_400 = arith.constant 0 : i32
          %dma_wait3A_401 = arith.constant 0 : i32
          %dma_wait3A_402 = tpu.memref_slice %arg11[%dma_wait3A_400, %dma_wait3A_401] : memref<10112x128xf32, #tpu.memory_space<vmem_shared>> -> memref<10112x128xf32, #tpu.memory_space<vmem_shared>>
          tpu.wait_indirect_dma semaphore(%arg19 : memref<!tpu.dma_semaphore, #tpu.memory_space<semaphore_mem>>) src(%dma_wait3A_396 : memref<72x128xf32, #tpu.memory_space<vmem>>) dst(%dma_wait3A_402 : memref<10112x128xf32, #tpu.memory_space<vmem_shared>>)
          %add3A_403 = arith.constant 4 : i32
          %add3A_404 = arith.addi %add3A_347, %add3A_403 : i32
          %add3A_405 = arith.addi %mul3A_44, %add3A_404 : i32
          %dma_start3A_406 = arith.constant 3 : i32
          %dma_start3A_407 = arith.constant 0 : i32
          %dma_start3A_408 = tpu.memref_slice %arg9[%dma_start3A_406, %dma_start3A_407] : memref<4x72xi32, #tpu.memory_space<vmem>> -> memref<1x72xi32, #tpu.memory_space<vmem>>
          %dma_start3A_409 = tpu.memref_squeeze %dma_start3A_408 : memref<1x72xi32, #tpu.memory_space<vmem>> -> memref<72xi32, #tpu.memory_space<vmem>>
          %dma_start3A_410 = arith.constant 0 : i32
          %dma_start3A_411 = tpu.memref_slice %arg5[%add3A_405, %dma_start3A_410] : memref<2240x72xi32, #tpu.memory_space<hbm>> -> memref<1x72xi32, #tpu.memory_space<hbm>>
          %dma_start3A_412 = tpu.memref_squeeze %dma_start3A_411 : memref<1x72xi32, #tpu.memory_space<hbm>> -> memref<72xi32, #tpu.memory_space<hbm>>
          %dma_start3A_413 = arith.constant 0 : i32
          %dma_start3A_414 = tpu.memref_slice %arg9[%dma_start3A_406, %dma_start3A_413] : memref<4x72xi32, #tpu.memory_space<vmem>> -> memref<1x72xi32, #tpu.memory_space<vmem>>
          %dma_start3A_415 = tpu.memref_squeeze %dma_start3A_414 : memref<1x72xi32, #tpu.memory_space<vmem>> -> memref<72xi32, #tpu.memory_space<vmem>>
          %dma_start3A_416 = arith.constant 0 : i32
          %dma_start3A_417 = tpu.memref_slice %arg5[%add3A_405, %dma_start3A_416] : memref<2240x72xi32, #tpu.memory_space<hbm>> -> memref<1x72xi32, #tpu.memory_space<hbm>>
          %dma_start3A_418 = tpu.memref_squeeze %dma_start3A_417 : memref<1x72xi32, #tpu.memory_space<hbm>> -> memref<72xi32, #tpu.memory_space<hbm>>
          tpu.enqueue_dma source(%dma_start3A_418 : memref<72xi32, #tpu.memory_space<hbm>>) target(%dma_start3A_415 : memref<72xi32, #tpu.memory_space<vmem>>) target_semaphore(%arg23 : memref<!tpu.dma_semaphore, #tpu.memory_space<semaphore_mem>>)
          %mul3A_419 = arith.constant 72 : i32
          %mul3A_420 = arith.muli %add3A_404, %mul3A_419 : i32
          %multiple_of3A_421 = tpu.assume_multiple %mul3A_420, 72 : i32
          %dma_start3A_422 = arith.constant 3 : i32
          %dma_start3A_423 = arith.constant 0 : i32
          %dma_start3A_424 = arith.constant 0 : i32
          %dma_start3A_425 = tpu.memref_slice %arg10[%dma_start3A_422, %dma_start3A_423, %dma_start3A_424] : memref<4x72x128xf32, #tpu.memory_space<vmem>> -> memref<1x72x128xf32, #tpu.memory_space<vmem>>
          %dma_start3A_426 = tpu.memref_squeeze %dma_start3A_425 : memref<1x72x128xf32, #tpu.memory_space<vmem>> -> memref<72x128xf32, #tpu.memory_space<vmem>>
          %dma_start3A_427 = tpu.memref_slice %arg8[%multiple_of3A_421] : memref<10080xi32, #tpu.memory_space<vmem>> -> memref<72xi32, #tpu.memory_space<vmem>>
          %dma_start3A_428 = arith.constant 0 : i32
          %dma_start3A_429 = arith.constant 0 : i32
          %dma_start3A_430 = tpu.memref_slice %arg2[%dma_start3A_428, %dma_start3A_429] : memref<10240x128xf32, #tpu.memory_space<hbm>> -> memref<10240x128xf32, #tpu.memory_space<hbm>>
          tpu.enqueue_indirect_dma source(%dma_start3A_430 : memref<10240x128xf32, #tpu.memory_space<hbm>>) target(%dma_start3A_426 : memref<72x128xf32, #tpu.memory_space<vmem>>) offsets(%dma_start3A_427 : memref<72xi32, #tpu.memory_space<vmem>>) semaphore(%arg15 : memref<!tpu.dma_semaphore, #tpu.memory_space<semaphore_mem>>)
        } else {
        }
      }
      %scan3A_154 = arith.constant 35 : i32
      %dma_wait3A = arith.constant 0 : i32
      %dma_wait3A_155 = arith.constant 0 : i32
      %dma_wait3A_156 = arith.constant 0 : i32
      %dma_wait3A_157 = arith.constant 0 : i32
      %dma_wait3A_158 = tpu.memref_slice %arg10[%dma_wait3A, %dma_wait3A_156, %dma_wait3A_157] : memref<4x72x128xf32, #tpu.memory_space<vmem>> -> memref<1x72x128xf32, #tpu.memory_space<vmem>>
      %dma_wait3A_159 = tpu.memref_squeeze %dma_wait3A_158 : memref<1x72x128xf32, #tpu.memory_space<vmem>> -> memref<72x128xf32, #tpu.memory_space<vmem>>
      %dma_wait3A_160 = arith.constant 0 : i32
      %dma_wait3A_161 = tpu.memref_slice %arg9[%dma_wait3A_155, %dma_wait3A_160] : memref<4x72xi32, #tpu.memory_space<vmem>> -> memref<1x72xi32, #tpu.memory_space<vmem>>
      %dma_wait3A_162 = tpu.memref_squeeze %dma_wait3A_161 : memref<1x72xi32, #tpu.memory_space<vmem>> -> memref<72xi32, #tpu.memory_space<vmem>>
      %dma_wait3A_163 = arith.constant 0 : i32
      %dma_wait3A_164 = arith.constant 0 : i32
      %dma_wait3A_165 = tpu.memref_slice %arg11[%dma_wait3A_163, %dma_wait3A_164] : memref<10112x128xf32, #tpu.memory_space<vmem_shared>> -> memref<10112x128xf32, #tpu.memory_space<vmem_shared>>
      tpu.wait_indirect_dma semaphore(%arg16 : memref<!tpu.dma_semaphore, #tpu.memory_space<semaphore_mem>>) src(%dma_wait3A_159 : memref<72x128xf32, #tpu.memory_space<vmem>>) dst(%dma_wait3A_165 : memref<10112x128xf32, #tpu.memory_space<vmem_shared>>)
      %dma_wait3A_166 = arith.constant 1 : i32
      %dma_wait3A_167 = arith.constant 0 : i32
      %dma_wait3A_168 = arith.constant 0 : i32
      %dma_wait3A_169 = arith.constant 0 : i32
      %dma_wait3A_170 = tpu.memref_slice %arg10[%dma_wait3A_166, %dma_wait3A_168, %dma_wait3A_169] : memref<4x72x128xf32, #tpu.memory_space<vmem>> -> memref<1x72x128xf32, #tpu.memory_space<vmem>>
      %dma_wait3A_171 = tpu.memref_squeeze %dma_wait3A_170 : memref<1x72x128xf32, #tpu.memory_space<vmem>> -> memref<72x128xf32, #tpu.memory_space<vmem>>
      %dma_wait3A_172 = arith.constant 0 : i32
      %dma_wait3A_173 = tpu.memref_slice %arg9[%dma_wait3A_167, %dma_wait3A_172] : memref<4x72xi32, #tpu.memory_space<vmem>> -> memref<1x72xi32, #tpu.memory_space<vmem>>
      %dma_wait3A_174 = tpu.memref_squeeze %dma_wait3A_173 : memref<1x72xi32, #tpu.memory_space<vmem>> -> memref<72xi32, #tpu.memory_space<vmem>>
      %dma_wait3A_175 = arith.constant 0 : i32
      %dma_wait3A_176 = arith.constant 0 : i32
      %dma_wait3A_177 = tpu.memref_slice %arg11[%dma_wait3A_175, %dma_wait3A_176] : memref<10112x128xf32, #tpu.memory_space<vmem_shared>> -> memref<10112x128xf32, #tpu.memory_space<vmem_shared>>
      tpu.wait_indirect_dma semaphore(%arg17 : memref<!tpu.dma_semaphore, #tpu.memory_space<semaphore_mem>>) src(%dma_wait3A_171 : memref<72x128xf32, #tpu.memory_space<vmem>>) dst(%dma_wait3A_177 : memref<10112x128xf32, #tpu.memory_space<vmem_shared>>)
      %dma_wait3A_178 = arith.constant 2 : i32
      %dma_wait3A_179 = arith.constant 0 : i32
      %dma_wait3A_180 = arith.constant 0 : i32
      %dma_wait3A_181 = arith.constant 0 : i32
      %dma_wait3A_182 = tpu.memref_slice %arg10[%dma_wait3A_178, %dma_wait3A_180, %dma_wait3A_181] : memref<4x72x128xf32, #tpu.memory_space<vmem>> -> memref<1x72x128xf32, #tpu.memory_space<vmem>>
      %dma_wait3A_183 = tpu.memref_squeeze %dma_wait3A_182 : memref<1x72x128xf32, #tpu.memory_space<vmem>> -> memref<72x128xf32, #tpu.memory_space<vmem>>
      %dma_wait3A_184 = arith.constant 0 : i32
      %dma_wait3A_185 = tpu.memref_slice %arg9[%dma_wait3A_179, %dma_wait3A_184] : memref<4x72xi32, #tpu.memory_space<vmem>> -> memref<1x72xi32, #tpu.memory_space<vmem>>
      %dma_wait3A_186 = tpu.memref_squeeze %dma_wait3A_185 : memref<1x72xi32, #tpu.memory_space<vmem>> -> memref<72xi32, #tpu.memory_space<vmem>>
      %dma_wait3A_187 = arith.constant 0 : i32
      %dma_wait3A_188 = arith.constant 0 : i32
      %dma_wait3A_189 = tpu.memref_slice %arg11[%dma_wait3A_187, %dma_wait3A_188] : memref<10112x128xf32, #tpu.memory_space<vmem_shared>> -> memref<10112x128xf32, #tpu.memory_space<vmem_shared>>
      tpu.wait_indirect_dma semaphore(%arg18 : memref<!tpu.dma_semaphore, #tpu.memory_space<semaphore_mem>>) src(%dma_wait3A_183 : memref<72x128xf32, #tpu.memory_space<vmem>>) dst(%dma_wait3A_189 : memref<10112x128xf32, #tpu.memory_space<vmem_shared>>)
      %dma_wait3A_190 = arith.constant 3 : i32
      %dma_wait3A_191 = arith.constant 0 : i32
      %dma_wait3A_192 = arith.constant 0 : i32
      %dma_wait3A_193 = arith.constant 0 : i32
      %dma_wait3A_194 = tpu.memref_slice %arg10[%dma_wait3A_190, %dma_wait3A_192, %dma_wait3A_193] : memref<4x72x128xf32, #tpu.memory_space<vmem>> -> memref<1x72x128xf32, #tpu.memory_space<vmem>>
      %dma_wait3A_195 = tpu.memref_squeeze %dma_wait3A_194 : memref<1x72x128xf32, #tpu.memory_space<vmem>> -> memref<72x128xf32, #tpu.memory_space<vmem>>
      %dma_wait3A_196 = arith.constant 0 : i32
      %dma_wait3A_197 = tpu.memref_slice %arg9[%dma_wait3A_191, %dma_wait3A_196] : memref<4x72xi32, #tpu.memory_space<vmem>> -> memref<1x72xi32, #tpu.memory_space<vmem>>
      %dma_wait3A_198 = tpu.memref_squeeze %dma_wait3A_197 : memref<1x72xi32, #tpu.memory_space<vmem>> -> memref<72xi32, #tpu.memory_space<vmem>>
      %dma_wait3A_199 = arith.constant 0 : i32
      %dma_wait3A_200 = arith.constant 0 : i32
      %dma_wait3A_201 = tpu.memref_slice %arg11[%dma_wait3A_199, %dma_wait3A_200] : memref<10112x128xf32, #tpu.memory_space<vmem_shared>> -> memref<10112x128xf32, #tpu.memory_space<vmem_shared>>
      tpu.wait_indirect_dma semaphore(%arg19 : memref<!tpu.dma_semaphore, #tpu.memory_space<semaphore_mem>>) src(%dma_wait3A_195 : memref<72x128xf32, #tpu.memory_space<vmem>>) dst(%dma_wait3A_201 : memref<10112x128xf32, #tpu.memory_space<vmem_shared>>)
      %barrier3A_202 = arith.constant 0 : index
      tpu.barrier barrier_id(%barrier3A_202)
      "tpu.region"() ({
        %run_scoped3A_203 = tpu.sem_alloc : memref<!tpu.dma_semaphore, #tpu.memory_space<semaphore_mem>>
        %dma_start3A_204 = arith.constant 0 : i32
        %dma_start3A_205 = tpu.memref_slice %arg6[%mul3A_12, %dma_start3A_204] : memref<10240x128xf32, #tpu.memory_space<hbm>> -> memref<632x128xf32, #tpu.memory_space<hbm>>
        %dma_start3A_206 = arith.constant 0 : i32
        %dma_start3A_207 = tpu.memref_slice %arg11[%mul3A_12, %dma_start3A_206] : memref<10112x128xf32, #tpu.memory_space<vmem_shared>> -> memref<632x128xf32, #tpu.memory_space<vmem_shared>>
        tpu.enqueue_dma source(%dma_start3A_207 : memref<632x128xf32, #tpu.memory_space<vmem_shared>>) target(%dma_start3A_205 : memref<632x128xf32, #tpu.memory_space<hbm>>) target_semaphore(%run_scoped3A_203 : memref<!tpu.dma_semaphore, #tpu.memory_space<semaphore_mem>>)
        %dma_wait3A_208 = arith.constant 0 : i32
        %dma_wait3A_209 = tpu.memref_slice %arg6[%mul3A_12, %dma_wait3A_208] : memref<10240x128xf32, #tpu.memory_space<hbm>> -> memref<632x128xf32, #tpu.memory_space<hbm>>
        %dma_wait3A_210 = arith.constant 0 : i32
        %dma_wait3A_211 = tpu.memref_slice %arg11[%mul3A_12, %dma_wait3A_210] : memref<10112x128xf32, #tpu.memory_space<vmem_shared>> -> memref<632x128xf32, #tpu.memory_space<vmem_shared>>
        tpu.wait_dma2 semaphore(%run_scoped3A_203 : memref<!tpu.dma_semaphore, #tpu.memory_space<semaphore_mem>>) src(%dma_wait3A_211 : memref<632x128xf32, #tpu.memory_space<vmem_shared>>) dst(%dma_wait3A_209 : memref<632x128xf32, #tpu.memory_space<hbm>>)
        tpu.yield
      }) : () -> ()
    } else {
    }
    %eq3A_2 = arith.constant 1 : i32
    %eq3A_3 = arith.cmpi eq, %arg0, %eq3A_2 : i32
    %convert_element_type3A_4 = arith.extui %eq3A_3 : i1 to i32
    %cond3A_5 = arith.constant 0 : i32
    %cond3A_6 = arith.cmpi ne, %convert_element_type3A_4, %cond3A_5 : i32
    scf.if %cond3A_6 {
      %scan3A = arith.constant 0 : i32
      %scan3A_7 = arith.constant 0 : i32
      %scan3A_8 = arith.constant 72 : i32
      %scan3A_9 = arith.addi %scan3A_7, %scan3A_8 : i32
      %scan3A_10 = arith.constant 1 : i32
      scf.for %scan3A_203 = %scan3A_7 to %scan3A_9 step %scan3A_10  : i32 {
        %broadcast_in_dim3A = arith.constant 0.000000e+00 : f32
        %broadcast_in_dim3A_204 = vector.broadcast %broadcast_in_dim3A : f32 to vector<16xf32>
        %swap3A = arith.constant 0 : i32
        %swap3A_205 = arith.index_cast %swap3A : i32 to index
        %swap3A_206 = arith.index_cast %scan3A_203 : i32 to index
        %swap3A_207 = arith.constant 0 : index
        %swap3A_208 = tpu.vector_load %arg10[%swap3A_205, %swap3A_206, %swap3A_207] {strides = array<i32>} : memref<4x72x128xf32, #tpu.memory_space<vmem>>, vector<1x1x16xf32>,
        %swap3A_209 = vector.shape_cast %swap3A_208 : vector<1x1x16xf32> to vector<16xf32>
        %swap3A_210 = vector.shape_cast %broadcast_in_dim3A_204 : vector<16xf32> to vector<1x1x16xf32>
        tpu.vector_store %arg10[%swap3A_205, %swap3A_206, %swap3A_207], %swap3A_210 {strides = array<i32>} : memref<4x72x128xf32, #tpu.memory_space<vmem>>, vector<1x1x16xf32>,
        %broadcast_in_dim3A_211 = arith.constant 0.000000e+00 : f32
        %broadcast_in_dim3A_212 = vector.broadcast %broadcast_in_dim3A_211 : f32 to vector<16xf32>
        %swap3A_213 = arith.constant 0 : i32
        %swap3A_214 = arith.index_cast %swap3A_213 : i32 to index
        %swap3A_215 = arith.index_cast %scan3A_203 : i32 to index
        %swap3A_216 = arith.constant 16 : index
        %swap3A_217 = tpu.vector_load %arg10[%swap3A_214, %swap3A_215, %swap3A_216] {strides = array<i32>} : memref<4x72x128xf32, #tpu.memory_space<vmem>>, vector<1x1x16xf32>,
        %swap3A_218 = vector.shape_cast %swap3A_217 : vector<1x1x16xf32> to vector<16xf32>
        %swap3A_219 = vector.shape_cast %broadcast_in_dim3A_212 : vector<16xf32> to vector<1x1x16xf32>
        tpu.vector_store %arg10[%swap3A_214, %swap3A_215, %swap3A_216], %swap3A_219 {strides = array<i32>} : memref<4x72x128xf32, #tpu.memory_space<vmem>>, vector<1x1x16xf32>,
        %broadcast_in_dim3A_220 = arith.constant 0.000000e+00 : f32
        %broadcast_in_dim3A_221 = vector.broadcast %broadcast_in_dim3A_220 : f32 to vector<16xf32>
        %swap3A_222 = arith.constant 0 : i32
        %swap3A_223 = arith.index_cast %swap3A_222 : i32 to index
        %swap3A_224 = arith.index_cast %scan3A_203 : i32 to index
        %swap3A_225 = arith.constant 32 : index
        %swap3A_226 = tpu.vector_load %arg10[%swap3A_223, %swap3A_224, %swap3A_225] {strides = array<i32>} : memref<4x72x128xf32, #tpu.memory_space<vmem>>, vector<1x1x16xf32>,
        %swap3A_227 = vector.shape_cast %swap3A_226 : vector<1x1x16xf32> to vector<16xf32>
        %swap3A_228 = vector.shape_cast %broadcast_in_dim3A_221 : vector<16xf32> to vector<1x1x16xf32>
        tpu.vector_store %arg10[%swap3A_223, %swap3A_224, %swap3A_225], %swap3A_228 {strides = array<i32>} : memref<4x72x128xf32, #tpu.memory_space<vmem>>, vector<1x1x16xf32>,
        %broadcast_in_dim3A_229 = arith.constant 0.000000e+00 : f32
        %broadcast_in_dim3A_230 = vector.broadcast %broadcast_in_dim3A_229 : f32 to vector<16xf32>
        %swap3A_231 = arith.constant 0 : i32
        %swap3A_232 = arith.index_cast %swap3A_231 : i32 to index
        %swap3A_233 = arith.index_cast %scan3A_203 : i32 to index
        %swap3A_234 = arith.constant 48 : index
        %swap3A_235 = tpu.vector_load %arg10[%swap3A_232, %swap3A_233, %swap3A_234] {strides = array<i32>} : memref<4x72x128xf32, #tpu.memory_space<vmem>>, vector<1x1x16xf32>,
        %swap3A_236 = vector.shape_cast %swap3A_235 : vector<1x1x16xf32> to vector<16xf32>
        %swap3A_237 = vector.shape_cast %broadcast_in_dim3A_230 : vector<16xf32> to vector<1x1x16xf32>
        tpu.vector_store %arg10[%swap3A_232, %swap3A_233, %swap3A_234], %swap3A_237 {strides = array<i32>} : memref<4x72x128xf32, #tpu.memory_space<vmem>>, vector<1x1x16xf32>,
        %broadcast_in_dim3A_238 = arith.constant 0.000000e+00 : f32
        %broadcast_in_dim3A_239 = vector.broadcast %broadcast_in_dim3A_238 : f32 to vector<16xf32>
        %swap3A_240 = arith.constant 0 : i32
        %swap3A_241 = arith.index_cast %swap3A_240 : i32 to index
        %swap3A_242 = arith.index_cast %scan3A_203 : i32 to index
        %swap3A_243 = arith.constant 64 : index
        %swap3A_244 = tpu.vector_load %arg10[%swap3A_241, %swap3A_242, %swap3A_243] {strides = array<i32>} : memref<4x72x128xf32, #tpu.memory_space<vmem>>, vector<1x1x16xf32>,
        %swap3A_245 = vector.shape_cast %swap3A_244 : vector<1x1x16xf32> to vector<16xf32>
        %swap3A_246 = vector.shape_cast %broadcast_in_dim3A_239 : vector<16xf32> to vector<1x1x16xf32>
        tpu.vector_store %arg10[%swap3A_241, %swap3A_242, %swap3A_243], %swap3A_246 {strides = array<i32>} : memref<4x72x128xf32, #tpu.memory_space<vmem>>, vector<1x1x16xf32>,
        %broadcast_in_dim3A_247 = arith.constant 0.000000e+00 : f32
        %broadcast_in_dim3A_248 = vector.broadcast %broadcast_in_dim3A_247 : f32 to vector<16xf32>
        %swap3A_249 = arith.constant 0 : i32
        %swap3A_250 = arith.index_cast %swap3A_249 : i32 to index
        %swap3A_251 = arith.index_cast %scan3A_203 : i32 to index
        %swap3A_252 = arith.constant 80 : index
        %swap3A_253 = tpu.vector_load %arg10[%swap3A_250, %swap3A_251, %swap3A_252] {strides = array<i32>} : memref<4x72x128xf32, #tpu.memory_space<vmem>>, vector<1x1x16xf32>,
        %swap3A_254 = vector.shape_cast %swap3A_253 : vector<1x1x16xf32> to vector<16xf32>
        %swap3A_255 = vector.shape_cast %broadcast_in_dim3A_248 : vector<16xf32> to vector<1x1x16xf32>
        tpu.vector_store %arg10[%swap3A_250, %swap3A_251, %swap3A_252], %swap3A_255 {strides = array<i32>} : memref<4x72x128xf32, #tpu.memory_space<vmem>>, vector<1x1x16xf32>,
        %broadcast_in_dim3A_256 = arith.constant 0.000000e+00 : f32
        %broadcast_in_dim3A_257 = vector.broadcast %broadcast_in_dim3A_256 : f32 to vector<16xf32>
        %swap3A_258 = arith.constant 0 : i32
        %swap3A_259 = arith.index_cast %swap3A_258 : i32 to index
        %swap3A_260 = arith.index_cast %scan3A_203 : i32 to index
        %swap3A_261 = arith.constant 96 : index
        %swap3A_262 = tpu.vector_load %arg10[%swap3A_259, %swap3A_260, %swap3A_261] {strides = array<i32>} : memref<4x72x128xf32, #tpu.memory_space<vmem>>, vector<1x1x16xf32>,
        %swap3A_263 = vector.shape_cast %swap3A_262 : vector<1x1x16xf32> to vector<16xf32>
        %swap3A_264 = vector.shape_cast %broadcast_in_dim3A_257 : vector<16xf32> to vector<1x1x16xf32>
        tpu.vector_store %arg10[%swap3A_259, %swap3A_260, %swap3A_261], %swap3A_264 {strides = array<i32>} : memref<4x72x128xf32, #tpu.memory_space<vmem>>, vector<1x1x16xf32>,
        %broadcast_in_dim3A_265 = arith.constant 0.000000e+00 : f32
        %broadcast_in_dim3A_266 = vector.broadcast %broadcast_in_dim3A_265 : f32 to vector<16xf32>
        %swap3A_267 = arith.constant 0 : i32
        %swap3A_268 = arith.index_cast %swap3A_267 : i32 to index
        %swap3A_269 = arith.index_cast %scan3A_203 : i32 to index
        %swap3A_270 = arith.constant 112 : index
        %swap3A_271 = tpu.vector_load %arg10[%swap3A_268, %swap3A_269, %swap3A_270] {strides = array<i32>} : memref<4x72x128xf32, #tpu.memory_space<vmem>>, vector<1x1x16xf32>,
        %swap3A_272 = vector.shape_cast %swap3A_271 : vector<1x1x16xf32> to vector<16xf32>
        %swap3A_273 = vector.shape_cast %broadcast_in_dim3A_266 : vector<16xf32> to vector<1x1x16xf32>
        tpu.vector_store %arg10[%swap3A_268, %swap3A_269, %swap3A_270], %swap3A_273 {strides = array<i32>} : memref<4x72x128xf32, #tpu.memory_space<vmem>>, vector<1x1x16xf32>,
      }
      %scan3A_11 = arith.constant 72 : i32
      %mul3A = arith.constant 632 : i32
      %mul3A_12 = arith.muli %arg1, %mul3A : i32
      %add3A = arith.constant 0 : i32
      %add3A_13 = arith.addi %mul3A_12, %add3A : i32
      %run_scoped3A = arith.constant 0 : i32
      "tpu.region"() ({
        %run_scoped3A_203 = tpu.sem_alloc : memref<!tpu.dma_semaphore, #tpu.memory_space<semaphore_mem>>
        %dma_start3A_204 = arith.constant 0 : i32
        %dma_start3A_205 = arith.constant 0 : i32
        %dma_start3A_206 = tpu.memref_slice %arg10[%run_scoped3A, %dma_start3A_204, %dma_start3A_205] : memref<4x72x128xf32, #tpu.memory_space<vmem>> -> memref<1x72x128xf32, #tpu.memory_space<vmem>>
        %dma_start3A_207 = tpu.memref_squeeze %dma_start3A_206 : memref<1x72x128xf32, #tpu.memory_space<vmem>> -> memref<72x128xf32, #tpu.memory_space<vmem>>
        %dma_start3A_208 = arith.constant 0 : i32
        %dma_start3A_209 = tpu.memref_slice %arg11[%add3A_13, %dma_start3A_208] : memref<10112x128xf32, #tpu.memory_space<vmem_shared>> -> memref<72x128xf32, #tpu.memory_space<vmem_shared>>
        %dma_start3A_210 = arith.constant 0 : i32
        %dma_start3A_211 = tpu.memref_slice %arg11[%add3A_13, %dma_start3A_210] : memref<10112x128xf32, #tpu.memory_space<vmem_shared>> -> memref<72x128xf32, #tpu.memory_space<vmem_shared>>
        %dma_start3A_212 = arith.constant 0 : i32
        %dma_start3A_213 = arith.constant 0 : i32
        %dma_start3A_214 = tpu.memref_slice %arg10[%run_scoped3A, %dma_start3A_212, %dma_start3A_213] : memref<4x72x128xf32, #tpu.memory_space<vmem>> -> memref<1x72x128xf32, #tpu.memory_space<vmem>>
        %dma_start3A_215 = tpu.memref_squeeze %dma_start3A_214 : memref<1x72x128xf32, #tpu.memory_space<vmem>> -> memref<72x128xf32, #tpu.memory_space<vmem>>
        tpu.enqueue_dma source(%dma_start3A_215 : memref<72x128xf32, #tpu.memory_space<vmem>>) target(%dma_start3A_211 : memref<72x128xf32, #tpu.memory_space<vmem_shared>>) target_semaphore(%run_scoped3A_203 : memref<!tpu.dma_semaphore, #tpu.memory_space<semaphore_mem>>)
        %dma_wait3A_216 = arith.constant 0 : i32
        %dma_wait3A_217 = arith.constant 0 : i32
        %dma_wait3A_218 = tpu.memref_slice %arg10[%run_scoped3A, %dma_wait3A_216, %dma_wait3A_217] : memref<4x72x128xf32, #tpu.memory_space<vmem>> -> memref<1x72x128xf32, #tpu.memory_space<vmem>>
        %dma_wait3A_219 = tpu.memref_squeeze %dma_wait3A_218 : memref<1x72x128xf32, #tpu.memory_space<vmem>> -> memref<72x128xf32, #tpu.memory_space<vmem>>
        %dma_wait3A_220 = arith.constant 0 : i32
        %dma_wait3A_221 = tpu.memref_slice %arg11[%add3A_13, %dma_wait3A_220] : memref<10112x128xf32, #tpu.memory_space<vmem_shared>> -> memref<72x128xf32, #tpu.memory_space<vmem_shared>>
        %dma_wait3A_222 = arith.constant 0 : i32
        %dma_wait3A_223 = tpu.memref_slice %arg11[%add3A_13, %dma_wait3A_222] : memref<10112x128xf32, #tpu.memory_space<vmem_shared>> -> memref<72x128xf32, #tpu.memory_space<vmem_shared>>
        %dma_wait3A_224 = arith.constant 0 : i32
        %dma_wait3A_225 = arith.constant 0 : i32
        %dma_wait3A_226 = tpu.memref_slice %arg10[%run_scoped3A, %dma_wait3A_224, %dma_wait3A_225] : memref<4x72x128xf32, #tpu.memory_space<vmem>> -> memref<1x72x128xf32, #tpu.memory_space<vmem>>
        %dma_wait3A_227 = tpu.memref_squeeze %dma_wait3A_226 : memref<1x72x128xf32, #tpu.memory_space<vmem>> -> memref<72x128xf32, #tpu.memory_space<vmem>>
        tpu.wait_dma2 semaphore(%run_scoped3A_203 : memref<!tpu.dma_semaphore, #tpu.memory_space<semaphore_mem>>) src(%dma_wait3A_227 : memref<72x128xf32, #tpu.memory_space<vmem>>) dst(%dma_wait3A_223 : memref<72x128xf32, #tpu.memory_space<vmem_shared>>)
        tpu.yield
      }) : () -> ()
      %add3A_14 = arith.constant 72 : i32
      %add3A_15 = arith.addi %mul3A_12, %add3A_14 : i32
      %run_scoped3A_16 = arith.constant 0 : i32
      "tpu.region"() ({
        %run_scoped3A_203 = tpu.sem_alloc : memref<!tpu.dma_semaphore, #tpu.memory_space<semaphore_mem>>
        %dma_start3A_204 = arith.constant 0 : i32
        %dma_start3A_205 = arith.constant 0 : i32
        %dma_start3A_206 = tpu.memref_slice %arg10[%run_scoped3A_16, %dma_start3A_204, %dma_start3A_205] : memref<4x72x128xf32, #tpu.memory_space<vmem>> -> memref<1x72x128xf32, #tpu.memory_space<vmem>>
        %dma_start3A_207 = tpu.memref_squeeze %dma_start3A_206 : memref<1x72x128xf32, #tpu.memory_space<vmem>> -> memref<72x128xf32, #tpu.memory_space<vmem>>
        %dma_start3A_208 = arith.constant 0 : i32
        %dma_start3A_209 = tpu.memref_slice %arg11[%add3A_15, %dma_start3A_208] : memref<10112x128xf32, #tpu.memory_space<vmem_shared>> -> memref<72x128xf32, #tpu.memory_space<vmem_shared>>
        %dma_start3A_210 = arith.constant 0 : i32
        %dma_start3A_211 = tpu.memref_slice %arg11[%add3A_15, %dma_start3A_210] : memref<10112x128xf32, #tpu.memory_space<vmem_shared>> -> memref<72x128xf32, #tpu.memory_space<vmem_shared>>
        %dma_start3A_212 = arith.constant 0 : i32
        %dma_start3A_213 = arith.constant 0 : i32
        %dma_start3A_214 = tpu.memref_slice %arg10[%run_scoped3A_16, %dma_start3A_212, %dma_start3A_213] : memref<4x72x128xf32, #tpu.memory_space<vmem>> -> memref<1x72x128xf32, #tpu.memory_space<vmem>>
        %dma_start3A_215 = tpu.memref_squeeze %dma_start3A_214 : memref<1x72x128xf32, #tpu.memory_space<vmem>> -> memref<72x128xf32, #tpu.memory_space<vmem>>
        tpu.enqueue_dma source(%dma_start3A_215 : memref<72x128xf32, #tpu.memory_space<vmem>>) target(%dma_start3A_211 : memref<72x128xf32, #tpu.memory_space<vmem_shared>>) target_semaphore(%run_scoped3A_203 : memref<!tpu.dma_semaphore, #tpu.memory_space<semaphore_mem>>)
        %dma_wait3A_216 = arith.constant 0 : i32
        %dma_wait3A_217 = arith.constant 0 : i32
        %dma_wait3A_218 = tpu.memref_slice %arg10[%run_scoped3A_16, %dma_wait3A_216, %dma_wait3A_217] : memref<4x72x128xf32, #tpu.memory_space<vmem>> -> memref<1x72x128xf32, #tpu.memory_space<vmem>>
        %dma_wait3A_219 = tpu.memref_squeeze %dma_wait3A_218 : memref<1x72x128xf32, #tpu.memory_space<vmem>> -> memref<72x128xf32, #tpu.memory_space<vmem>>
        %dma_wait3A_220 = arith.constant 0 : i32
        %dma_wait3A_221 = tpu.memref_slice %arg11[%add3A_15, %dma_wait3A_220] : memref<10112x128xf32, #tpu.memory_space<vmem_shared>> -> memref<72x128xf32, #tpu.memory_space<vmem_shared>>
        %dma_wait3A_222 = arith.constant 0 : i32
        %dma_wait3A_223 = tpu.memref_slice %arg11[%add3A_15, %dma_wait3A_222] : memref<10112x128xf32, #tpu.memory_space<vmem_shared>> -> memref<72x128xf32, #tpu.memory_space<vmem_shared>>
        %dma_wait3A_224 = arith.constant 0 : i32
        %dma_wait3A_225 = arith.constant 0 : i32
        %dma_wait3A_226 = tpu.memref_slice %arg10[%run_scoped3A_16, %dma_wait3A_224, %dma_wait3A_225] : memref<4x72x128xf32, #tpu.memory_space<vmem>> -> memref<1x72x128xf32, #tpu.memory_space<vmem>>
        %dma_wait3A_227 = tpu.memref_squeeze %dma_wait3A_226 : memref<1x72x128xf32, #tpu.memory_space<vmem>> -> memref<72x128xf32, #tpu.memory_space<vmem>>
        tpu.wait_dma2 semaphore(%run_scoped3A_203 : memref<!tpu.dma_semaphore, #tpu.memory_space<semaphore_mem>>) src(%dma_wait3A_227 : memref<72x128xf32, #tpu.memory_space<vmem>>) dst(%dma_wait3A_223 : memref<72x128xf32, #tpu.memory_space<vmem_shared>>)
        tpu.yield
      }) : () -> ()
      %add3A_17 = arith.constant 144 : i32
      %add3A_18 = arith.addi %mul3A_12, %add3A_17 : i32
      %run_scoped3A_19 = arith.constant 0 : i32
      "tpu.region"() ({
        %run_scoped3A_203 = tpu.sem_alloc : memref<!tpu.dma_semaphore, #tpu.memory_space<semaphore_mem>>
        %dma_start3A_204 = arith.constant 0 : i32
        %dma_start3A_205 = arith.constant 0 : i32
        %dma_start3A_206 = tpu.memref_slice %arg10[%run_scoped3A_19, %dma_start3A_204, %dma_start3A_205] : memref<4x72x128xf32, #tpu.memory_space<vmem>> -> memref<1x72x128xf32, #tpu.memory_space<vmem>>
        %dma_start3A_207 = tpu.memref_squeeze %dma_start3A_206 : memref<1x72x128xf32, #tpu.memory_space<vmem>> -> memref<72x128xf32, #tpu.memory_space<vmem>>
        %dma_start3A_208 = arith.constant 0 : i32
        %dma_start3A_209 = tpu.memref_slice %arg11[%add3A_18, %dma_start3A_208] : memref<10112x128xf32, #tpu.memory_space<vmem_shared>> -> memref<72x128xf32, #tpu.memory_space<vmem_shared>>
        %dma_start3A_210 = arith.constant 0 : i32
        %dma_start3A_211 = tpu.memref_slice %arg11[%add3A_18, %dma_start3A_210] : memref<10112x128xf32, #tpu.memory_space<vmem_shared>> -> memref<72x128xf32, #tpu.memory_space<vmem_shared>>
        %dma_start3A_212 = arith.constant 0 : i32
        %dma_start3A_213 = arith.constant 0 : i32
        %dma_start3A_214 = tpu.memref_slice %arg10[%run_scoped3A_19, %dma_start3A_212, %dma_start3A_213] : memref<4x72x128xf32, #tpu.memory_space<vmem>> -> memref<1x72x128xf32, #tpu.memory_space<vmem>>
        %dma_start3A_215 = tpu.memref_squeeze %dma_start3A_214 : memref<1x72x128xf32, #tpu.memory_space<vmem>> -> memref<72x128xf32, #tpu.memory_space<vmem>>
        tpu.enqueue_dma source(%dma_start3A_215 : memref<72x128xf32, #tpu.memory_space<vmem>>) target(%dma_start3A_211 : memref<72x128xf32, #tpu.memory_space<vmem_shared>>) target_semaphore(%run_scoped3A_203 : memref<!tpu.dma_semaphore, #tpu.memory_space<semaphore_mem>>)
        %dma_wait3A_216 = arith.constant 0 : i32
        %dma_wait3A_217 = arith.constant 0 : i32
        %dma_wait3A_218 = tpu.memref_slice %arg10[%run_scoped3A_19, %dma_wait3A_216, %dma_wait3A_217] : memref<4x72x128xf32, #tpu.memory_space<vmem>> -> memref<1x72x128xf32, #tpu.memory_space<vmem>>
        %dma_wait3A_219 = tpu.memref_squeeze %dma_wait3A_218 : memref<1x72x128xf32, #tpu.memory_space<vmem>> -> memref<72x128xf32, #tpu.memory_space<vmem>>
        %dma_wait3A_220 = arith.constant 0 : i32
        %dma_wait3A_221 = tpu.memref_slice %arg11[%add3A_18, %dma_wait3A_220] : memref<10112x128xf32, #tpu.memory_space<vmem_shared>> -> memref<72x128xf32, #tpu.memory_space<vmem_shared>>
        %dma_wait3A_222 = arith.constant 0 : i32
        %dma_wait3A_223 = tpu.memref_slice %arg11[%add3A_18, %dma_wait3A_222] : memref<10112x128xf32, #tpu.memory_space<vmem_shared>> -> memref<72x128xf32, #tpu.memory_space<vmem_shared>>
        %dma_wait3A_224 = arith.constant 0 : i32
        %dma_wait3A_225 = arith.constant 0 : i32
        %dma_wait3A_226 = tpu.memref_slice %arg10[%run_scoped3A_19, %dma_wait3A_224, %dma_wait3A_225] : memref<4x72x128xf32, #tpu.memory_space<vmem>> -> memref<1x72x128xf32, #tpu.memory_space<vmem>>
        %dma_wait3A_227 = tpu.memref_squeeze %dma_wait3A_226 : memref<1x72x128xf32, #tpu.memory_space<vmem>> -> memref<72x128xf32, #tpu.memory_space<vmem>>
        tpu.wait_dma2 semaphore(%run_scoped3A_203 : memref<!tpu.dma_semaphore, #tpu.memory_space<semaphore_mem>>) src(%dma_wait3A_227 : memref<72x128xf32, #tpu.memory_space<vmem>>) dst(%dma_wait3A_223 : memref<72x128xf32, #tpu.memory_space<vmem_shared>>)
        tpu.yield
      }) : () -> ()
      %add3A_20 = arith.constant 216 : i32
      %add3A_21 = arith.addi %mul3A_12, %add3A_20 : i32
      %run_scoped3A_22 = arith.constant 0 : i32
      "tpu.region"() ({
        %run_scoped3A_203 = tpu.sem_alloc : memref<!tpu.dma_semaphore, #tpu.memory_space<semaphore_mem>>
        %dma_start3A_204 = arith.constant 0 : i32
        %dma_start3A_205 = arith.constant 0 : i32
        %dma_start3A_206 = tpu.memref_slice %arg10[%run_scoped3A_22, %dma_start3A_204, %dma_start3A_205] : memref<4x72x128xf32, #tpu.memory_space<vmem>> -> memref<1x72x128xf32, #tpu.memory_space<vmem>>
        %dma_start3A_207 = tpu.memref_squeeze %dma_start3A_206 : memref<1x72x128xf32, #tpu.memory_space<vmem>> -> memref<72x128xf32, #tpu.memory_space<vmem>>
        %dma_start3A_208 = arith.constant 0 : i32
        %dma_start3A_209 = tpu.memref_slice %arg11[%add3A_21, %dma_start3A_208] : memref<10112x128xf32, #tpu.memory_space<vmem_shared>> -> memref<72x128xf32, #tpu.memory_space<vmem_shared>>
        %dma_start3A_210 = arith.constant 0 : i32
        %dma_start3A_211 = tpu.memref_slice %arg11[%add3A_21, %dma_start3A_210] : memref<10112x128xf32, #tpu.memory_space<vmem_shared>> -> memref<72x128xf32, #tpu.memory_space<vmem_shared>>
        %dma_start3A_212 = arith.constant 0 : i32
        %dma_start3A_213 = arith.constant 0 : i32
        %dma_start3A_214 = tpu.memref_slice %arg10[%run_scoped3A_22, %dma_start3A_212, %dma_start3A_213] : memref<4x72x128xf32, #tpu.memory_space<vmem>> -> memref<1x72x128xf32, #tpu.memory_space<vmem>>
        %dma_start3A_215 = tpu.memref_squeeze %dma_start3A_214 : memref<1x72x128xf32, #tpu.memory_space<vmem>> -> memref<72x128xf32, #tpu.memory_space<vmem>>
        tpu.enqueue_dma source(%dma_start3A_215 : memref<72x128xf32, #tpu.memory_space<vmem>>) target(%dma_start3A_211 : memref<72x128xf32, #tpu.memory_space<vmem_shared>>) target_semaphore(%run_scoped3A_203 : memref<!tpu.dma_semaphore, #tpu.memory_space<semaphore_mem>>)
        %dma_wait3A_216 = arith.constant 0 : i32
        %dma_wait3A_217 = arith.constant 0 : i32
        %dma_wait3A_218 = tpu.memref_slice %arg10[%run_scoped3A_22, %dma_wait3A_216, %dma_wait3A_217] : memref<4x72x128xf32, #tpu.memory_space<vmem>> -> memref<1x72x128xf32, #tpu.memory_space<vmem>>
        %dma_wait3A_219 = tpu.memref_squeeze %dma_wait3A_218 : memref<1x72x128xf32, #tpu.memory_space<vmem>> -> memref<72x128xf32, #tpu.memory_space<vmem>>
        %dma_wait3A_220 = arith.constant 0 : i32
        %dma_wait3A_221 = tpu.memref_slice %arg11[%add3A_21, %dma_wait3A_220] : memref<10112x128xf32, #tpu.memory_space<vmem_shared>> -> memref<72x128xf32, #tpu.memory_space<vmem_shared>>
        %dma_wait3A_222 = arith.constant 0 : i32
        %dma_wait3A_223 = tpu.memref_slice %arg11[%add3A_21, %dma_wait3A_222] : memref<10112x128xf32, #tpu.memory_space<vmem_shared>> -> memref<72x128xf32, #tpu.memory_space<vmem_shared>>
        %dma_wait3A_224 = arith.constant 0 : i32
        %dma_wait3A_225 = arith.constant 0 : i32
        %dma_wait3A_226 = tpu.memref_slice %arg10[%run_scoped3A_22, %dma_wait3A_224, %dma_wait3A_225] : memref<4x72x128xf32, #tpu.memory_space<vmem>> -> memref<1x72x128xf32, #tpu.memory_space<vmem>>
        %dma_wait3A_227 = tpu.memref_squeeze %dma_wait3A_226 : memref<1x72x128xf32, #tpu.memory_space<vmem>> -> memref<72x128xf32, #tpu.memory_space<vmem>>
        tpu.wait_dma2 semaphore(%run_scoped3A_203 : memref<!tpu.dma_semaphore, #tpu.memory_space<semaphore_mem>>) src(%dma_wait3A_227 : memref<72x128xf32, #tpu.memory_space<vmem>>) dst(%dma_wait3A_223 : memref<72x128xf32, #tpu.memory_space<vmem_shared>>)
        tpu.yield
      }) : () -> ()
      %add3A_23 = arith.constant 288 : i32
      %add3A_24 = arith.addi %mul3A_12, %add3A_23 : i32
      %run_scoped3A_25 = arith.constant 0 : i32
      "tpu.region"() ({
        %run_scoped3A_203 = tpu.sem_alloc : memref<!tpu.dma_semaphore, #tpu.memory_space<semaphore_mem>>
        %dma_start3A_204 = arith.constant 0 : i32
        %dma_start3A_205 = arith.constant 0 : i32
        %dma_start3A_206 = tpu.memref_slice %arg10[%run_scoped3A_25, %dma_start3A_204, %dma_start3A_205] : memref<4x72x128xf32, #tpu.memory_space<vmem>> -> memref<1x72x128xf32, #tpu.memory_space<vmem>>
        %dma_start3A_207 = tpu.memref_squeeze %dma_start3A_206 : memref<1x72x128xf32, #tpu.memory_space<vmem>> -> memref<72x128xf32, #tpu.memory_space<vmem>>
        %dma_start3A_208 = arith.constant 0 : i32
        %dma_start3A_209 = tpu.memref_slice %arg11[%add3A_24, %dma_start3A_208] : memref<10112x128xf32, #tpu.memory_space<vmem_shared>> -> memref<72x128xf32, #tpu.memory_space<vmem_shared>>
        %dma_start3A_210 = arith.constant 0 : i32
        %dma_start3A_211 = tpu.memref_slice %arg11[%add3A_24, %dma_start3A_210] : memref<10112x128xf32, #tpu.memory_space<vmem_shared>> -> memref<72x128xf32, #tpu.memory_space<vmem_shared>>
        %dma_start3A_212 = arith.constant 0 : i32
        %dma_start3A_213 = arith.constant 0 : i32
        %dma_start3A_214 = tpu.memref_slice %arg10[%run_scoped3A_25, %dma_start3A_212, %dma_start3A_213] : memref<4x72x128xf32, #tpu.memory_space<vmem>> -> memref<1x72x128xf32, #tpu.memory_space<vmem>>
        %dma_start3A_215 = tpu.memref_squeeze %dma_start3A_214 : memref<1x72x128xf32, #tpu.memory_space<vmem>> -> memref<72x128xf32, #tpu.memory_space<vmem>>
        tpu.enqueue_dma source(%dma_start3A_215 : memref<72x128xf32, #tpu.memory_space<vmem>>) target(%dma_start3A_211 : memref<72x128xf32, #tpu.memory_space<vmem_shared>>) target_semaphore(%run_scoped3A_203 : memref<!tpu.dma_semaphore, #tpu.memory_space<semaphore_mem>>)
        %dma_wait3A_216 = arith.constant 0 : i32
        %dma_wait3A_217 = arith.constant 0 : i32
        %dma_wait3A_218 = tpu.memref_slice %arg10[%run_scoped3A_25, %dma_wait3A_216, %dma_wait3A_217] : memref<4x72x128xf32, #tpu.memory_space<vmem>> -> memref<1x72x128xf32, #tpu.memory_space<vmem>>
        %dma_wait3A_219 = tpu.memref_squeeze %dma_wait3A_218 : memref<1x72x128xf32, #tpu.memory_space<vmem>> -> memref<72x128xf32, #tpu.memory_space<vmem>>
        %dma_wait3A_220 = arith.constant 0 : i32
        %dma_wait3A_221 = tpu.memref_slice %arg11[%add3A_24, %dma_wait3A_220] : memref<10112x128xf32, #tpu.memory_space<vmem_shared>> -> memref<72x128xf32, #tpu.memory_space<vmem_shared>>
        %dma_wait3A_222 = arith.constant 0 : i32
        %dma_wait3A_223 = tpu.memref_slice %arg11[%add3A_24, %dma_wait3A_222] : memref<10112x128xf32, #tpu.memory_space<vmem_shared>> -> memref<72x128xf32, #tpu.memory_space<vmem_shared>>
        %dma_wait3A_224 = arith.constant 0 : i32
        %dma_wait3A_225 = arith.constant 0 : i32
        %dma_wait3A_226 = tpu.memref_slice %arg10[%run_scoped3A_25, %dma_wait3A_224, %dma_wait3A_225] : memref<4x72x128xf32, #tpu.memory_space<vmem>> -> memref<1x72x128xf32, #tpu.memory_space<vmem>>
        %dma_wait3A_227 = tpu.memref_squeeze %dma_wait3A_226 : memref<1x72x128xf32, #tpu.memory_space<vmem>> -> memref<72x128xf32, #tpu.memory_space<vmem>>
        tpu.wait_dma2 semaphore(%run_scoped3A_203 : memref<!tpu.dma_semaphore, #tpu.memory_space<semaphore_mem>>) src(%dma_wait3A_227 : memref<72x128xf32, #tpu.memory_space<vmem>>) dst(%dma_wait3A_223 : memref<72x128xf32, #tpu.memory_space<vmem_shared>>)
        tpu.yield
      }) : () -> ()
      %add3A_26 = arith.constant 360 : i32
      %add3A_27 = arith.addi %mul3A_12, %add3A_26 : i32
      %run_scoped3A_28 = arith.constant 0 : i32
      "tpu.region"() ({
        %run_scoped3A_203 = tpu.sem_alloc : memref<!tpu.dma_semaphore, #tpu.memory_space<semaphore_mem>>
        %dma_start3A_204 = arith.constant 0 : i32
        %dma_start3A_205 = arith.constant 0 : i32
        %dma_start3A_206 = tpu.memref_slice %arg10[%run_scoped3A_28, %dma_start3A_204, %dma_start3A_205] : memref<4x72x128xf32, #tpu.memory_space<vmem>> -> memref<1x72x128xf32, #tpu.memory_space<vmem>>
        %dma_start3A_207 = tpu.memref_squeeze %dma_start3A_206 : memref<1x72x128xf32, #tpu.memory_space<vmem>> -> memref<72x128xf32, #tpu.memory_space<vmem>>
        %dma_start3A_208 = arith.constant 0 : i32
        %dma_start3A_209 = tpu.memref_slice %arg11[%add3A_27, %dma_start3A_208] : memref<10112x128xf32, #tpu.memory_space<vmem_shared>> -> memref<72x128xf32, #tpu.memory_space<vmem_shared>>
        %dma_start3A_210 = arith.constant 0 : i32
        %dma_start3A_211 = tpu.memref_slice %arg11[%add3A_27, %dma_start3A_210] : memref<10112x128xf32, #tpu.memory_space<vmem_shared>> -> memref<72x128xf32, #tpu.memory_space<vmem_shared>>
        %dma_start3A_212 = arith.constant 0 : i32
        %dma_start3A_213 = arith.constant 0 : i32
        %dma_start3A_214 = tpu.memref_slice %arg10[%run_scoped3A_28, %dma_start3A_212, %dma_start3A_213] : memref<4x72x128xf32, #tpu.memory_space<vmem>> -> memref<1x72x128xf32, #tpu.memory_space<vmem>>
        %dma_start3A_215 = tpu.memref_squeeze %dma_start3A_214 : memref<1x72x128xf32, #tpu.memory_space<vmem>> -> memref<72x128xf32, #tpu.memory_space<vmem>>
        tpu.enqueue_dma source(%dma_start3A_215 : memref<72x128xf32, #tpu.memory_space<vmem>>) target(%dma_start3A_211 : memref<72x128xf32, #tpu.memory_space<vmem_shared>>) target_semaphore(%run_scoped3A_203 : memref<!tpu.dma_semaphore, #tpu.memory_space<semaphore_mem>>)
        %dma_wait3A_216 = arith.constant 0 : i32
        %dma_wait3A_217 = arith.constant 0 : i32
        %dma_wait3A_218 = tpu.memref_slice %arg10[%run_scoped3A_28, %dma_wait3A_216, %dma_wait3A_217] : memref<4x72x128xf32, #tpu.memory_space<vmem>> -> memref<1x72x128xf32, #tpu.memory_space<vmem>>
        %dma_wait3A_219 = tpu.memref_squeeze %dma_wait3A_218 : memref<1x72x128xf32, #tpu.memory_space<vmem>> -> memref<72x128xf32, #tpu.memory_space<vmem>>
        %dma_wait3A_220 = arith.constant 0 : i32
        %dma_wait3A_221 = tpu.memref_slice %arg11[%add3A_27, %dma_wait3A_220] : memref<10112x128xf32, #tpu.memory_space<vmem_shared>> -> memref<72x128xf32, #tpu.memory_space<vmem_shared>>
        %dma_wait3A_222 = arith.constant 0 : i32
        %dma_wait3A_223 = tpu.memref_slice %arg11[%add3A_27, %dma_wait3A_222] : memref<10112x128xf32, #tpu.memory_space<vmem_shared>> -> memref<72x128xf32, #tpu.memory_space<vmem_shared>>
        %dma_wait3A_224 = arith.constant 0 : i32
        %dma_wait3A_225 = arith.constant 0 : i32
        %dma_wait3A_226 = tpu.memref_slice %arg10[%run_scoped3A_28, %dma_wait3A_224, %dma_wait3A_225] : memref<4x72x128xf32, #tpu.memory_space<vmem>> -> memref<1x72x128xf32, #tpu.memory_space<vmem>>
        %dma_wait3A_227 = tpu.memref_squeeze %dma_wait3A_226 : memref<1x72x128xf32, #tpu.memory_space<vmem>> -> memref<72x128xf32, #tpu.memory_space<vmem>>
        tpu.wait_dma2 semaphore(%run_scoped3A_203 : memref<!tpu.dma_semaphore, #tpu.memory_space<semaphore_mem>>) src(%dma_wait3A_227 : memref<72x128xf32, #tpu.memory_space<vmem>>) dst(%dma_wait3A_223 : memref<72x128xf32, #tpu.memory_space<vmem_shared>>)
        tpu.yield
      }) : () -> ()
      %add3A_29 = arith.constant 432 : i32
      %add3A_30 = arith.addi %mul3A_12, %add3A_29 : i32
      %run_scoped3A_31 = arith.constant 0 : i32
      "tpu.region"() ({
        %run_scoped3A_203 = tpu.sem_alloc : memref<!tpu.dma_semaphore, #tpu.memory_space<semaphore_mem>>
        %dma_start3A_204 = arith.constant 0 : i32
        %dma_start3A_205 = arith.constant 0 : i32
        %dma_start3A_206 = tpu.memref_slice %arg10[%run_scoped3A_31, %dma_start3A_204, %dma_start3A_205] : memref<4x72x128xf32, #tpu.memory_space<vmem>> -> memref<1x72x128xf32, #tpu.memory_space<vmem>>
        %dma_start3A_207 = tpu.memref_squeeze %dma_start3A_206 : memref<1x72x128xf32, #tpu.memory_space<vmem>> -> memref<72x128xf32, #tpu.memory_space<vmem>>
        %dma_start3A_208 = arith.constant 0 : i32
        %dma_start3A_209 = tpu.memref_slice %arg11[%add3A_30, %dma_start3A_208] : memref<10112x128xf32, #tpu.memory_space<vmem_shared>> -> memref<72x128xf32, #tpu.memory_space<vmem_shared>>
        %dma_start3A_210 = arith.constant 0 : i32
        %dma_start3A_211 = tpu.memref_slice %arg11[%add3A_30, %dma_start3A_210] : memref<10112x128xf32, #tpu.memory_space<vmem_shared>> -> memref<72x128xf32, #tpu.memory_space<vmem_shared>>
        %dma_start3A_212 = arith.constant 0 : i32
        %dma_start3A_213 = arith.constant 0 : i32
        %dma_start3A_214 = tpu.memref_slice %arg10[%run_scoped3A_31, %dma_start3A_212, %dma_start3A_213] : memref<4x72x128xf32, #tpu.memory_space<vmem>> -> memref<1x72x128xf32, #tpu.memory_space<vmem>>
        %dma_start3A_215 = tpu.memref_squeeze %dma_start3A_214 : memref<1x72x128xf32, #tpu.memory_space<vmem>> -> memref<72x128xf32, #tpu.memory_space<vmem>>
        tpu.enqueue_dma source(%dma_start3A_215 : memref<72x128xf32, #tpu.memory_space<vmem>>) target(%dma_start3A_211 : memref<72x128xf32, #tpu.memory_space<vmem_shared>>) target_semaphore(%run_scoped3A_203 : memref<!tpu.dma_semaphore, #tpu.memory_space<semaphore_mem>>)
        %dma_wait3A_216 = arith.constant 0 : i32
        %dma_wait3A_217 = arith.constant 0 : i32
        %dma_wait3A_218 = tpu.memref_slice %arg10[%run_scoped3A_31, %dma_wait3A_216, %dma_wait3A_217] : memref<4x72x128xf32, #tpu.memory_space<vmem>> -> memref<1x72x128xf32, #tpu.memory_space<vmem>>
        %dma_wait3A_219 = tpu.memref_squeeze %dma_wait3A_218 : memref<1x72x128xf32, #tpu.memory_space<vmem>> -> memref<72x128xf32, #tpu.memory_space<vmem>>
        %dma_wait3A_220 = arith.constant 0 : i32
        %dma_wait3A_221 = tpu.memref_slice %arg11[%add3A_30, %dma_wait3A_220] : memref<10112x128xf32, #tpu.memory_space<vmem_shared>> -> memref<72x128xf32, #tpu.memory_space<vmem_shared>>
        %dma_wait3A_222 = arith.constant 0 : i32
        %dma_wait3A_223 = tpu.memref_slice %arg11[%add3A_30, %dma_wait3A_222] : memref<10112x128xf32, #tpu.memory_space<vmem_shared>> -> memref<72x128xf32, #tpu.memory_space<vmem_shared>>
        %dma_wait3A_224 = arith.constant 0 : i32
        %dma_wait3A_225 = arith.constant 0 : i32
        %dma_wait3A_226 = tpu.memref_slice %arg10[%run_scoped3A_31, %dma_wait3A_224, %dma_wait3A_225] : memref<4x72x128xf32, #tpu.memory_space<vmem>> -> memref<1x72x128xf32, #tpu.memory_space<vmem>>
        %dma_wait3A_227 = tpu.memref_squeeze %dma_wait3A_226 : memref<1x72x128xf32, #tpu.memory_space<vmem>> -> memref<72x128xf32, #tpu.memory_space<vmem>>
        tpu.wait_dma2 semaphore(%run_scoped3A_203 : memref<!tpu.dma_semaphore, #tpu.memory_space<semaphore_mem>>) src(%dma_wait3A_227 : memref<72x128xf32, #tpu.memory_space<vmem>>) dst(%dma_wait3A_223 : memref<72x128xf32, #tpu.memory_space<vmem_shared>>)
        tpu.yield
      }) : () -> ()
      %add3A_32 = arith.constant 504 : i32
      %add3A_33 = arith.addi %mul3A_12, %add3A_32 : i32
      %run_scoped3A_34 = arith.constant 0 : i32
      "tpu.region"() ({
        %run_scoped3A_203 = tpu.sem_alloc : memref<!tpu.dma_semaphore, #tpu.memory_space<semaphore_mem>>
        %dma_start3A_204 = arith.constant 0 : i32
        %dma_start3A_205 = arith.constant 0 : i32
        %dma_start3A_206 = tpu.memref_slice %arg10[%run_scoped3A_34, %dma_start3A_204, %dma_start3A_205] : memref<4x72x128xf32, #tpu.memory_space<vmem>> -> memref<1x72x128xf32, #tpu.memory_space<vmem>>
        %dma_start3A_207 = tpu.memref_squeeze %dma_start3A_206 : memref<1x72x128xf32, #tpu.memory_space<vmem>> -> memref<72x128xf32, #tpu.memory_space<vmem>>
        %dma_start3A_208 = arith.constant 0 : i32
        %dma_start3A_209 = tpu.memref_slice %arg11[%add3A_33, %dma_start3A_208] : memref<10112x128xf32, #tpu.memory_space<vmem_shared>> -> memref<72x128xf32, #tpu.memory_space<vmem_shared>>
        %dma_start3A_210 = arith.constant 0 : i32
        %dma_start3A_211 = tpu.memref_slice %arg11[%add3A_33, %dma_start3A_210] : memref<10112x128xf32, #tpu.memory_space<vmem_shared>> -> memref<72x128xf32, #tpu.memory_space<vmem_shared>>
        %dma_start3A_212 = arith.constant 0 : i32
        %dma_start3A_213 = arith.constant 0 : i32
        %dma_start3A_214 = tpu.memref_slice %arg10[%run_scoped3A_34, %dma_start3A_212, %dma_start3A_213] : memref<4x72x128xf32, #tpu.memory_space<vmem>> -> memref<1x72x128xf32, #tpu.memory_space<vmem>>
        %dma_start3A_215 = tpu.memref_squeeze %dma_start3A_214 : memref<1x72x128xf32, #tpu.memory_space<vmem>> -> memref<72x128xf32, #tpu.memory_space<vmem>>
        tpu.enqueue_dma source(%dma_start3A_215 : memref<72x128xf32, #tpu.memory_space<vmem>>) target(%dma_start3A_211 : memref<72x128xf32, #tpu.memory_space<vmem_shared>>) target_semaphore(%run_scoped3A_203 : memref<!tpu.dma_semaphore, #tpu.memory_space<semaphore_mem>>)
        %dma_wait3A_216 = arith.constant 0 : i32
        %dma_wait3A_217 = arith.constant 0 : i32
        %dma_wait3A_218 = tpu.memref_slice %arg10[%run_scoped3A_34, %dma_wait3A_216, %dma_wait3A_217] : memref<4x72x128xf32, #tpu.memory_space<vmem>> -> memref<1x72x128xf32, #tpu.memory_space<vmem>>
        %dma_wait3A_219 = tpu.memref_squeeze %dma_wait3A_218 : memref<1x72x128xf32, #tpu.memory_space<vmem>> -> memref<72x128xf32, #tpu.memory_space<vmem>>
        %dma_wait3A_220 = arith.constant 0 : i32
        %dma_wait3A_221 = tpu.memref_slice %arg11[%add3A_33, %dma_wait3A_220] : memref<10112x128xf32, #tpu.memory_space<vmem_shared>> -> memref<72x128xf32, #tpu.memory_space<vmem_shared>>
        %dma_wait3A_222 = arith.constant 0 : i32
        %dma_wait3A_223 = tpu.memref_slice %arg11[%add3A_33, %dma_wait3A_222] : memref<10112x128xf32, #tpu.memory_space<vmem_shared>> -> memref<72x128xf32, #tpu.memory_space<vmem_shared>>
        %dma_wait3A_224 = arith.constant 0 : i32
        %dma_wait3A_225 = arith.constant 0 : i32
        %dma_wait3A_226 = tpu.memref_slice %arg10[%run_scoped3A_34, %dma_wait3A_224, %dma_wait3A_225] : memref<4x72x128xf32, #tpu.memory_space<vmem>> -> memref<1x72x128xf32, #tpu.memory_space<vmem>>
        %dma_wait3A_227 = tpu.memref_squeeze %dma_wait3A_226 : memref<1x72x128xf32, #tpu.memory_space<vmem>> -> memref<72x128xf32, #tpu.memory_space<vmem>>
        tpu.wait_dma2 semaphore(%run_scoped3A_203 : memref<!tpu.dma_semaphore, #tpu.memory_space<semaphore_mem>>) src(%dma_wait3A_227 : memref<72x128xf32, #tpu.memory_space<vmem>>) dst(%dma_wait3A_223 : memref<72x128xf32, #tpu.memory_space<vmem_shared>>)
        tpu.yield
      }) : () -> ()
      %add3A_35 = arith.constant 576 : i32
      %add3A_36 = arith.addi %mul3A_12, %add3A_35 : i32
      %run_scoped3A_37 = arith.constant 0 : i32
      "tpu.region"() ({
        %run_scoped3A_203 = tpu.sem_alloc : memref<!tpu.dma_semaphore, #tpu.memory_space<semaphore_mem>>
        %dma_start3A_204 = arith.constant 0 : i32
        %dma_start3A_205 = arith.constant 0 : i32
        %dma_start3A_206 = tpu.memref_slice %arg10[%run_scoped3A_37, %dma_start3A_204, %dma_start3A_205] : memref<4x72x128xf32, #tpu.memory_space<vmem>> -> memref<1x56x128xf32, #tpu.memory_space<vmem>>
        %dma_start3A_207 = tpu.memref_squeeze %dma_start3A_206 : memref<1x56x128xf32, #tpu.memory_space<vmem>> -> memref<56x128xf32, #tpu.memory_space<vmem>>
        %dma_start3A_208 = arith.constant 0 : i32
        %dma_start3A_209 = tpu.memref_slice %arg11[%add3A_36, %dma_start3A_208] : memref<10112x128xf32, #tpu.memory_space<vmem_shared>> -> memref<56x128xf32, #tpu.memory_space<vmem_shared>>
        %dma_start3A_210 = arith.constant 0 : i32
        %dma_start3A_211 = tpu.memref_slice %arg11[%add3A_36, %dma_start3A_210] : memref<10112x128xf32, #tpu.memory_space<vmem_shared>> -> memref<56x128xf32, #tpu.memory_space<vmem_shared>>
        %dma_start3A_212 = arith.constant 0 : i32
        %dma_start3A_213 = arith.constant 0 : i32
        %dma_start3A_214 = tpu.memref_slice %arg10[%run_scoped3A_37, %dma_start3A_212, %dma_start3A_213] : memref<4x72x128xf32, #tpu.memory_space<vmem>> -> memref<1x56x128xf32, #tpu.memory_space<vmem>>
        %dma_start3A_215 = tpu.memref_squeeze %dma_start3A_214 : memref<1x56x128xf32, #tpu.memory_space<vmem>> -> memref<56x128xf32, #tpu.memory_space<vmem>>
        tpu.enqueue_dma source(%dma_start3A_215 : memref<56x128xf32, #tpu.memory_space<vmem>>) target(%dma_start3A_211 : memref<56x128xf32, #tpu.memory_space<vmem_shared>>) target_semaphore(%run_scoped3A_203 : memref<!tpu.dma_semaphore, #tpu.memory_space<semaphore_mem>>)
        %dma_wait3A_216 = arith.constant 0 : i32
        %dma_wait3A_217 = arith.constant 0 : i32
        %dma_wait3A_218 = tpu.memref_slice %arg10[%run_scoped3A_37, %dma_wait3A_216, %dma_wait3A_217] : memref<4x72x128xf32, #tpu.memory_space<vmem>> -> memref<1x56x128xf32, #tpu.memory_space<vmem>>
        %dma_wait3A_219 = tpu.memref_squeeze %dma_wait3A_218 : memref<1x56x128xf32, #tpu.memory_space<vmem>> -> memref<56x128xf32, #tpu.memory_space<vmem>>
        %dma_wait3A_220 = arith.constant 0 : i32
        %dma_wait3A_221 = tpu.memref_slice %arg11[%add3A_36, %dma_wait3A_220] : memref<10112x128xf32, #tpu.memory_space<vmem_shared>> -> memref<56x128xf32, #tpu.memory_space<vmem_shared>>
        %dma_wait3A_222 = arith.constant 0 : i32
        %dma_wait3A_223 = tpu.memref_slice %arg11[%add3A_36, %dma_wait3A_222] : memref<10112x128xf32, #tpu.memory_space<vmem_shared>> -> memref<56x128xf32, #tpu.memory_space<vmem_shared>>
        %dma_wait3A_224 = arith.constant 0 : i32
        %dma_wait3A_225 = arith.constant 0 : i32
        %dma_wait3A_226 = tpu.memref_slice %arg10[%run_scoped3A_37, %dma_wait3A_224, %dma_wait3A_225] : memref<4x72x128xf32, #tpu.memory_space<vmem>> -> memref<1x56x128xf32, #tpu.memory_space<vmem>>
        %dma_wait3A_227 = tpu.memref_squeeze %dma_wait3A_226 : memref<1x56x128xf32, #tpu.memory_space<vmem>> -> memref<56x128xf32, #tpu.memory_space<vmem>>
        tpu.wait_dma2 semaphore(%run_scoped3A_203 : memref<!tpu.dma_semaphore, #tpu.memory_space<semaphore_mem>>) src(%dma_wait3A_227 : memref<56x128xf32, #tpu.memory_space<vmem>>) dst(%dma_wait3A_223 : memref<56x128xf32, #tpu.memory_space<vmem_shared>>)
        tpu.yield
      }) : () -> ()
      %eq3A_38 = arith.constant 0 : i32
      %eq3A_39 = arith.cmpi eq, %arg1, %eq3A_38 : i32
      %convert_element_type3A_40 = arith.extui %eq3A_39 : i1 to i32
      %cond3A_41 = arith.constant 0 : i32
      %cond3A_42 = arith.cmpi ne, %convert_element_type3A_40, %cond3A_41 : i32
      scf.if %cond3A_42 {
        %run_scoped3A_203 = arith.constant 0 : i32
        "tpu.region"() ({
          %run_scoped3A_205 = tpu.sem_alloc : memref<!tpu.dma_semaphore, #tpu.memory_space<semaphore_mem>>
          %dma_start3A_206 = arith.constant 0 : i32
          %dma_start3A_207 = arith.constant 0 : i32
          %dma_start3A_208 = tpu.memref_slice %arg10[%run_scoped3A_203, %dma_start3A_206, %dma_start3A_207] : memref<4x72x128xf32, #tpu.memory_space<vmem>> -> memref<1x72x128xf32, #tpu.memory_space<vmem>>
          %dma_start3A_209 = tpu.memref_squeeze %dma_start3A_208 : memref<1x72x128xf32, #tpu.memory_space<vmem>> -> memref<72x128xf32, #tpu.memory_space<vmem>>
          %dma_start3A_210 = arith.constant 10112 : i32
          %dma_start3A_211 = arith.constant 0 : i32
          %dma_start3A_212 = tpu.memref_slice %arg7[%dma_start3A_210, %dma_start3A_211] : memref<10240x128xf32, #tpu.memory_space<hbm>> -> memref<72x128xf32, #tpu.memory_space<hbm>>
          %dma_start3A_213 = arith.constant 10112 : i32
          %dma_start3A_214 = arith.constant 0 : i32
          %dma_start3A_215 = tpu.memref_slice %arg7[%dma_start3A_213, %dma_start3A_214] : memref<10240x128xf32, #tpu.memory_space<hbm>> -> memref<72x128xf32, #tpu.memory_space<hbm>>
          %dma_start3A_216 = arith.constant 0 : i32
          %dma_start3A_217 = arith.constant 0 : i32
          %dma_start3A_218 = tpu.memref_slice %arg10[%run_scoped3A_203, %dma_start3A_216, %dma_start3A_217] : memref<4x72x128xf32, #tpu.memory_space<vmem>> -> memref<1x72x128xf32, #tpu.memory_space<vmem>>
          %dma_start3A_219 = tpu.memref_squeeze %dma_start3A_218 : memref<1x72x128xf32, #tpu.memory_space<vmem>> -> memref<72x128xf32, #tpu.memory_space<vmem>>
          tpu.enqueue_dma source(%dma_start3A_219 : memref<72x128xf32, #tpu.memory_space<vmem>>) target(%dma_start3A_215 : memref<72x128xf32, #tpu.memory_space<hbm>>) target_semaphore(%run_scoped3A_205 : memref<!tpu.dma_semaphore, #tpu.memory_space<semaphore_mem>>)
          %dma_wait3A_220 = arith.constant 0 : i32
          %dma_wait3A_221 = arith.constant 0 : i32
          %dma_wait3A_222 = tpu.memref_slice %arg10[%run_scoped3A_203, %dma_wait3A_220, %dma_wait3A_221] : memref<4x72x128xf32, #tpu.memory_space<vmem>> -> memref<1x72x128xf32, #tpu.memory_space<vmem>>
          %dma_wait3A_223 = tpu.memref_squeeze %dma_wait3A_222 : memref<1x72x128xf32, #tpu.memory_space<vmem>> -> memref<72x128xf32, #tpu.memory_space<vmem>>
          %dma_wait3A_224 = arith.constant 10112 : i32
          %dma_wait3A_225 = arith.constant 0 : i32
          %dma_wait3A_226 = tpu.memref_slice %arg7[%dma_wait3A_224, %dma_wait3A_225] : memref<10240x128xf32, #tpu.memory_space<hbm>> -> memref<72x128xf32, #tpu.memory_space<hbm>>
          %dma_wait3A_227 = arith.constant 10112 : i32
          %dma_wait3A_228 = arith.constant 0 : i32
          %dma_wait3A_229 = tpu.memref_slice %arg7[%dma_wait3A_227, %dma_wait3A_228] : memref<10240x128xf32, #tpu.memory_space<hbm>> -> memref<72x128xf32, #tpu.memory_space<hbm>>
          %dma_wait3A_230 = arith.constant 0 : i32
          %dma_wait3A_231 = arith.constant 0 : i32
          %dma_wait3A_232 = tpu.memref_slice %arg10[%run_scoped3A_203, %dma_wait3A_230, %dma_wait3A_231] : memref<4x72x128xf32, #tpu.memory_space<vmem>> -> memref<1x72x128xf32, #tpu.memory_space<vmem>>
          %dma_wait3A_233 = tpu.memref_squeeze %dma_wait3A_232 : memref<1x72x128xf32, #tpu.memory_space<vmem>> -> memref<72x128xf32, #tpu.memory_space<vmem>>
          tpu.wait_dma2 semaphore(%run_scoped3A_205 : memref<!tpu.dma_semaphore, #tpu.memory_space<semaphore_mem>>) src(%dma_wait3A_233 : memref<72x128xf32, #tpu.memory_space<vmem>>) dst(%dma_wait3A_229 : memref<72x128xf32, #tpu.memory_space<hbm>>)
          tpu.yield
        }) : () -> ()
        %run_scoped3A_204 = arith.constant 0 : i32
        "tpu.region"() ({
          %run_scoped3A_205 = tpu.sem_alloc : memref<!tpu.dma_semaphore, #tpu.memory_space<semaphore_mem>>
          %dma_start3A_206 = arith.constant 0 : i32
          %dma_start3A_207 = arith.constant 0 : i32
          %dma_start3A_208 = tpu.memref_slice %arg10[%run_scoped3A_204, %dma_start3A_206, %dma_start3A_207] : memref<4x72x128xf32, #tpu.memory_space<vmem>> -> memref<1x56x128xf32, #tpu.memory_space<vmem>>
          %dma_start3A_209 = tpu.memref_squeeze %dma_start3A_208 : memref<1x56x128xf32, #tpu.memory_space<vmem>> -> memref<56x128xf32, #tpu.memory_space<vmem>>
          %dma_start3A_210 = arith.constant 10184 : i32
          %dma_start3A_211 = arith.constant 0 : i32
          %dma_start3A_212 = tpu.memref_slice %arg7[%dma_start3A_210, %dma_start3A_211] : memref<10240x128xf32, #tpu.memory_space<hbm>> -> memref<56x128xf32, #tpu.memory_space<hbm>>
          %dma_start3A_213 = arith.constant 10184 : i32
          %dma_start3A_214 = arith.constant 0 : i32
          %dma_start3A_215 = tpu.memref_slice %arg7[%dma_start3A_213, %dma_start3A_214] : memref<10240x128xf32, #tpu.memory_space<hbm>> -> memref<56x128xf32, #tpu.memory_space<hbm>>
          %dma_start3A_216 = arith.constant 0 : i32
          %dma_start3A_217 = arith.constant 0 : i32
          %dma_start3A_218 = tpu.memref_slice %arg10[%run_scoped3A_204, %dma_start3A_216, %dma_start3A_217] : memref<4x72x128xf32, #tpu.memory_space<vmem>> -> memref<1x56x128xf32, #tpu.memory_space<vmem>>
          %dma_start3A_219 = tpu.memref_squeeze %dma_start3A_218 : memref<1x56x128xf32, #tpu.memory_space<vmem>> -> memref<56x128xf32, #tpu.memory_space<vmem>>
          tpu.enqueue_dma source(%dma_start3A_219 : memref<56x128xf32, #tpu.memory_space<vmem>>) target(%dma_start3A_215 : memref<56x128xf32, #tpu.memory_space<hbm>>) target_semaphore(%run_scoped3A_205 : memref<!tpu.dma_semaphore, #tpu.memory_space<semaphore_mem>>)
          %dma_wait3A_220 = arith.constant 0 : i32
          %dma_wait3A_221 = arith.constant 0 : i32
          %dma_wait3A_222 = tpu.memref_slice %arg10[%run_scoped3A_204, %dma_wait3A_220, %dma_wait3A_221] : memref<4x72x128xf32, #tpu.memory_space<vmem>> -> memref<1x56x128xf32, #tpu.memory_space<vmem>>
          %dma_wait3A_223 = tpu.memref_squeeze %dma_wait3A_222 : memref<1x56x128xf32, #tpu.memory_space<vmem>> -> memref<56x128xf32, #tpu.memory_space<vmem>>
          %dma_wait3A_224 = arith.constant 10184 : i32
          %dma_wait3A_225 = arith.constant 0 : i32
          %dma_wait3A_226 = tpu.memref_slice %arg7[%dma_wait3A_224, %dma_wait3A_225] : memref<10240x128xf32, #tpu.memory_space<hbm>> -> memref<56x128xf32, #tpu.memory_space<hbm>>
          %dma_wait3A_227 = arith.constant 10184 : i32
          %dma_wait3A_228 = arith.constant 0 : i32
          %dma_wait3A_229 = tpu.memref_slice %arg7[%dma_wait3A_227, %dma_wait3A_228] : memref<10240x128xf32, #tpu.memory_space<hbm>> -> memref<56x128xf32, #tpu.memory_space<hbm>>
          %dma_wait3A_230 = arith.constant 0 : i32
          %dma_wait3A_231 = arith.constant 0 : i32
          %dma_wait3A_232 = tpu.memref_slice %arg10[%run_scoped3A_204, %dma_wait3A_230, %dma_wait3A_231] : memref<4x72x128xf32, #tpu.memory_space<vmem>> -> memref<1x56x128xf32, #tpu.memory_space<vmem>>
          %dma_wait3A_233 = tpu.memref_squeeze %dma_wait3A_232 : memref<1x56x128xf32, #tpu.memory_space<vmem>> -> memref<56x128xf32, #tpu.memory_space<vmem>>
          tpu.wait_dma2 semaphore(%run_scoped3A_205 : memref<!tpu.dma_semaphore, #tpu.memory_space<semaphore_mem>>) src(%dma_wait3A_233 : memref<56x128xf32, #tpu.memory_space<vmem>>) dst(%dma_wait3A_229 : memref<56x128xf32, #tpu.memory_space<hbm>>)
          tpu.yield
        }) : () -> ()
      } else {
      }
      %barrier3A = arith.constant 0 : index
      tpu.barrier barrier_id(%barrier3A)
      %mul3A_43 = arith.constant 140 : i32
      %mul3A_44 = arith.muli %arg1, %mul3A_43 : i32
      %mul3A_45 = arith.constant 10080 : i32
      %mul3A_46 = arith.muli %arg1, %mul3A_45 : i32
      "tpu.region"() ({
        %run_scoped3A_203 = tpu.sem_alloc : memref<!tpu.dma_semaphore, #tpu.memory_space<semaphore_mem>>
        %dma_start3A_204 = tpu.memref_slice %arg4[%mul3A_46] : memref<161280xi32, #tpu.memory_space<hbm>> -> memref<10080xi32, #tpu.memory_space<hbm>>
        %dma_start3A_205 = tpu.memref_slice %arg4[%mul3A_46] : memref<161280xi32, #tpu.memory_space<hbm>> -> memref<10080xi32, #tpu.memory_space<hbm>>
        tpu.enqueue_dma source(%dma_start3A_205 : memref<10080xi32, #tpu.memory_space<hbm>>) target(%arg8 : memref<10080xi32, #tpu.memory_space<vmem>>) target_semaphore(%run_scoped3A_203 : memref<!tpu.dma_semaphore, #tpu.memory_space<semaphore_mem>>)
        %dma_wait3A_206 = tpu.memref_slice %arg4[%mul3A_46] : memref<161280xi32, #tpu.memory_space<hbm>> -> memref<10080xi32, #tpu.memory_space<hbm>>
        %dma_wait3A_207 = tpu.memref_slice %arg4[%mul3A_46] : memref<161280xi32, #tpu.memory_space<hbm>> -> memref<10080xi32, #tpu.memory_space<hbm>>
        tpu.wait_dma2 semaphore(%run_scoped3A_203 : memref<!tpu.dma_semaphore, #tpu.memory_space<semaphore_mem>>) src(%dma_wait3A_207 : memref<10080xi32, #tpu.memory_space<hbm>>) dst(%arg8 : memref<10080xi32, #tpu.memory_space<vmem>>)
        tpu.yield
      }) : () -> ()
      %add3A_47 = arith.constant 0 : i32
      %add3A_48 = arith.addi %mul3A_44, %add3A_47 : i32
      %dma_start3A = arith.constant 0 : i32
      %dma_start3A_49 = arith.constant 0 : i32
      %dma_start3A_50 = tpu.memref_slice %arg9[%dma_start3A, %dma_start3A_49] : memref<4x72xi32, #tpu.memory_space<vmem>> -> memref<1x72xi32, #tpu.memory_space<vmem>>
      %dma_start3A_51 = tpu.memref_squeeze %dma_start3A_50 : memref<1x72xi32, #tpu.memory_space<vmem>> -> memref<72xi32, #tpu.memory_space<vmem>>
      %dma_start3A_52 = arith.constant 0 : i32
      %dma_start3A_53 = tpu.memref_slice %arg5[%add3A_48, %dma_start3A_52] : memref<2240x72xi32, #tpu.memory_space<hbm>> -> memref<1x72xi32, #tpu.memory_space<hbm>>
      %dma_start3A_54 = tpu.memref_squeeze %dma_start3A_53 : memref<1x72xi32, #tpu.memory_space<hbm>> -> memref<72xi32, #tpu.memory_space<hbm>>
      %dma_start3A_55 = arith.constant 0 : i32
      %dma_start3A_56 = tpu.memref_slice %arg9[%dma_start3A, %dma_start3A_55] : memref<4x72xi32, #tpu.memory_space<vmem>> -> memref<1x72xi32, #tpu.memory_space<vmem>>
      %dma_start3A_57 = tpu.memref_squeeze %dma_start3A_56 : memref<1x72xi32, #tpu.memory_space<vmem>> -> memref<72xi32, #tpu.memory_space<vmem>>
      %dma_start3A_58 = arith.constant 0 : i32
      %dma_start3A_59 = tpu.memref_slice %arg5[%add3A_48, %dma_start3A_58] : memref<2240x72xi32, #tpu.memory_space<hbm>> -> memref<1x72xi32, #tpu.memory_space<hbm>>
      %dma_start3A_60 = tpu.memref_squeeze %dma_start3A_59 : memref<1x72xi32, #tpu.memory_space<hbm>> -> memref<72xi32, #tpu.memory_space<hbm>>
      tpu.enqueue_dma source(%dma_start3A_60 : memref<72xi32, #tpu.memory_space<hbm>>) target(%dma_start3A_57 : memref<72xi32, #tpu.memory_space<vmem>>) target_semaphore(%arg20 : memref<!tpu.dma_semaphore, #tpu.memory_space<semaphore_mem>>)
      %multiple_of3A = arith.constant 0 : i32
      %multiple_of3A_61 = tpu.assume_multiple %multiple_of3A, 72 : i32
      %dma_start3A_62 = arith.constant 0 : i32
      %dma_start3A_63 = arith.constant 0 : i32
      %dma_start3A_64 = arith.constant 0 : i32
      %dma_start3A_65 = tpu.memref_slice %arg10[%dma_start3A_62, %dma_start3A_63, %dma_start3A_64] : memref<4x72x128xf32, #tpu.memory_space<vmem>> -> memref<1x72x128xf32, #tpu.memory_space<vmem>>
      %dma_start3A_66 = tpu.memref_squeeze %dma_start3A_65 : memref<1x72x128xf32, #tpu.memory_space<vmem>> -> memref<72x128xf32, #tpu.memory_space<vmem>>
      %dma_start3A_67 = tpu.memref_slice %arg8[%multiple_of3A_61] : memref<10080xi32, #tpu.memory_space<vmem>> -> memref<72xi32, #tpu.memory_space<vmem>>
      %dma_start3A_68 = arith.constant 0 : i32
      %dma_start3A_69 = arith.constant 0 : i32
      %dma_start3A_70 = tpu.memref_slice %arg3[%dma_start3A_68, %dma_start3A_69] : memref<10240x128xf32, #tpu.memory_space<hbm>> -> memref<10240x128xf32, #tpu.memory_space<hbm>>
      tpu.enqueue_indirect_dma source(%dma_start3A_70 : memref<10240x128xf32, #tpu.memory_space<hbm>>) target(%dma_start3A_66 : memref<72x128xf32, #tpu.memory_space<vmem>>) offsets(%dma_start3A_67 : memref<72xi32, #tpu.memory_space<vmem>>) semaphore(%arg12 : memref<!tpu.dma_semaphore, #tpu.memory_space<semaphore_mem>>)
      %add3A_71 = arith.constant 1 : i32
      %add3A_72 = arith.addi %mul3A_44, %add3A_71 : i32
      %dma_start3A_73 = arith.constant 1 : i32
      %dma_start3A_74 = arith.constant 0 : i32
      %dma_start3A_75 = tpu.memref_slice %arg9[%dma_start3A_73, %dma_start3A_74] : memref<4x72xi32, #tpu.memory_space<vmem>> -> memref<1x72xi32, #tpu.memory_space<vmem>>
      %dma_start3A_76 = tpu.memref_squeeze %dma_start3A_75 : memref<1x72xi32, #tpu.memory_space<vmem>> -> memref<72xi32, #tpu.memory_space<vmem>>
      %dma_start3A_77 = arith.constant 0 : i32
      %dma_start3A_78 = tpu.memref_slice %arg5[%add3A_72, %dma_start3A_77] : memref<2240x72xi32, #tpu.memory_space<hbm>> -> memref<1x72xi32, #tpu.memory_space<hbm>>
      %dma_start3A_79 = tpu.memref_squeeze %dma_start3A_78 : memref<1x72xi32, #tpu.memory_space<hbm>> -> memref<72xi32, #tpu.memory_space<hbm>>
      %dma_start3A_80 = arith.constant 0 : i32
      %dma_start3A_81 = tpu.memref_slice %arg9[%dma_start3A_73, %dma_start3A_80] : memref<4x72xi32, #tpu.memory_space<vmem>> -> memref<1x72xi32, #tpu.memory_space<vmem>>
      %dma_start3A_82 = tpu.memref_squeeze %dma_start3A_81 : memref<1x72xi32, #tpu.memory_space<vmem>> -> memref<72xi32, #tpu.memory_space<vmem>>
      %dma_start3A_83 = arith.constant 0 : i32
      %dma_start3A_84 = tpu.memref_slice %arg5[%add3A_72, %dma_start3A_83] : memref<2240x72xi32, #tpu.memory_space<hbm>> -> memref<1x72xi32, #tpu.memory_space<hbm>>
      %dma_start3A_85 = tpu.memref_squeeze %dma_start3A_84 : memref<1x72xi32, #tpu.memory_space<hbm>> -> memref<72xi32, #tpu.memory_space<hbm>>
      tpu.enqueue_dma source(%dma_start3A_85 : memref<72xi32, #tpu.memory_space<hbm>>) target(%dma_start3A_82 : memref<72xi32, #tpu.memory_space<vmem>>) target_semaphore(%arg21 : memref<!tpu.dma_semaphore, #tpu.memory_space<semaphore_mem>>)
      %multiple_of3A_86 = arith.constant 72 : i32
      %multiple_of3A_87 = tpu.assume_multiple %multiple_of3A_86, 72 : i32
      %dma_start3A_88 = arith.constant 1 : i32
      %dma_start3A_89 = arith.constant 0 : i32
      %dma_start3A_90 = arith.constant 0 : i32
      %dma_start3A_91 = tpu.memref_slice %arg10[%dma_start3A_88, %dma_start3A_89, %dma_start3A_90] : memref<4x72x128xf32, #tpu.memory_space<vmem>> -> memref<1x72x128xf32, #tpu.memory_space<vmem>>
      %dma_start3A_92 = tpu.memref_squeeze %dma_start3A_91 : memref<1x72x128xf32, #tpu.memory_space<vmem>> -> memref<72x128xf32, #tpu.memory_space<vmem>>
      %dma_start3A_93 = tpu.memref_slice %arg8[%multiple_of3A_87] : memref<10080xi32, #tpu.memory_space<vmem>> -> memref<72xi32, #tpu.memory_space<vmem>>
      %dma_start3A_94 = arith.constant 0 : i32
      %dma_start3A_95 = arith.constant 0 : i32
      %dma_start3A_96 = tpu.memref_slice %arg3[%dma_start3A_94, %dma_start3A_95] : memref<10240x128xf32, #tpu.memory_space<hbm>> -> memref<10240x128xf32, #tpu.memory_space<hbm>>
      tpu.enqueue_indirect_dma source(%dma_start3A_96 : memref<10240x128xf32, #tpu.memory_space<hbm>>) target(%dma_start3A_92 : memref<72x128xf32, #tpu.memory_space<vmem>>) offsets(%dma_start3A_93 : memref<72xi32, #tpu.memory_space<vmem>>) semaphore(%arg13 : memref<!tpu.dma_semaphore, #tpu.memory_space<semaphore_mem>>)
      %add3A_97 = arith.constant 2 : i32
      %add3A_98 = arith.addi %mul3A_44, %add3A_97 : i32
      %dma_start3A_99 = arith.constant 2 : i32
      %dma_start3A_100 = arith.constant 0 : i32
      %dma_start3A_101 = tpu.memref_slice %arg9[%dma_start3A_99, %dma_start3A_100] : memref<4x72xi32, #tpu.memory_space<vmem>> -> memref<1x72xi32, #tpu.memory_space<vmem>>
      %dma_start3A_102 = tpu.memref_squeeze %dma_start3A_101 : memref<1x72xi32, #tpu.memory_space<vmem>> -> memref<72xi32, #tpu.memory_space<vmem>>
      %dma_start3A_103 = arith.constant 0 : i32
      %dma_start3A_104 = tpu.memref_slice %arg5[%add3A_98, %dma_start3A_103] : memref<2240x72xi32, #tpu.memory_space<hbm>> -> memref<1x72xi32, #tpu.memory_space<hbm>>
      %dma_start3A_105 = tpu.memref_squeeze %dma_start3A_104 : memref<1x72xi32, #tpu.memory_space<hbm>> -> memref<72xi32, #tpu.memory_space<hbm>>
      %dma_start3A_106 = arith.constant 0 : i32
      %dma_start3A_107 = tpu.memref_slice %arg9[%dma_start3A_99, %dma_start3A_106] : memref<4x72xi32, #tpu.memory_space<vmem>> -> memref<1x72xi32, #tpu.memory_space<vmem>>
      %dma_start3A_108 = tpu.memref_squeeze %dma_start3A_107 : memref<1x72xi32, #tpu.memory_space<vmem>> -> memref<72xi32, #tpu.memory_space<vmem>>
      %dma_start3A_109 = arith.constant 0 : i32
      %dma_start3A_110 = tpu.memref_slice %arg5[%add3A_98, %dma_start3A_109] : memref<2240x72xi32, #tpu.memory_space<hbm>> -> memref<1x72xi32, #tpu.memory_space<hbm>>
      %dma_start3A_111 = tpu.memref_squeeze %dma_start3A_110 : memref<1x72xi32, #tpu.memory_space<hbm>> -> memref<72xi32, #tpu.memory_space<hbm>>
      tpu.enqueue_dma source(%dma_start3A_111 : memref<72xi32, #tpu.memory_space<hbm>>) target(%dma_start3A_108 : memref<72xi32, #tpu.memory_space<vmem>>) target_semaphore(%arg22 : memref<!tpu.dma_semaphore, #tpu.memory_space<semaphore_mem>>)
      %multiple_of3A_112 = arith.constant 144 : i32
      %multiple_of3A_113 = tpu.assume_multiple %multiple_of3A_112, 72 : i32
      %dma_start3A_114 = arith.constant 2 : i32
      %dma_start3A_115 = arith.constant 0 : i32
      %dma_start3A_116 = arith.constant 0 : i32
      %dma_start3A_117 = tpu.memref_slice %arg10[%dma_start3A_114, %dma_start3A_115, %dma_start3A_116] : memref<4x72x128xf32, #tpu.memory_space<vmem>> -> memref<1x72x128xf32, #tpu.memory_space<vmem>>
      %dma_start3A_118 = tpu.memref_squeeze %dma_start3A_117 : memref<1x72x128xf32, #tpu.memory_space<vmem>> -> memref<72x128xf32, #tpu.memory_space<vmem>>
      %dma_start3A_119 = tpu.memref_slice %arg8[%multiple_of3A_113] : memref<10080xi32, #tpu.memory_space<vmem>> -> memref<72xi32, #tpu.memory_space<vmem>>
      %dma_start3A_120 = arith.constant 0 : i32
      %dma_start3A_121 = arith.constant 0 : i32
      %dma_start3A_122 = tpu.memref_slice %arg3[%dma_start3A_120, %dma_start3A_121] : memref<10240x128xf32, #tpu.memory_space<hbm>> -> memref<10240x128xf32, #tpu.memory_space<hbm>>
      tpu.enqueue_indirect_dma source(%dma_start3A_122 : memref<10240x128xf32, #tpu.memory_space<hbm>>) target(%dma_start3A_118 : memref<72x128xf32, #tpu.memory_space<vmem>>) offsets(%dma_start3A_119 : memref<72xi32, #tpu.memory_space<vmem>>) semaphore(%arg14 : memref<!tpu.dma_semaphore, #tpu.memory_space<semaphore_mem>>)
      %add3A_123 = arith.constant 3 : i32
      %add3A_124 = arith.addi %mul3A_44, %add3A_123 : i32
      %dma_start3A_125 = arith.constant 3 : i32
      %dma_start3A_126 = arith.constant 0 : i32
      %dma_start3A_127 = tpu.memref_slice %arg9[%dma_start3A_125, %dma_start3A_126] : memref<4x72xi32, #tpu.memory_space<vmem>> -> memref<1x72xi32, #tpu.memory_space<vmem>>
      %dma_start3A_128 = tpu.memref_squeeze %dma_start3A_127 : memref<1x72xi32, #tpu.memory_space<vmem>> -> memref<72xi32, #tpu.memory_space<vmem>>
      %dma_start3A_129 = arith.constant 0 : i32
      %dma_start3A_130 = tpu.memref_slice %arg5[%add3A_124, %dma_start3A_129] : memref<2240x72xi32, #tpu.memory_space<hbm>> -> memref<1x72xi32, #tpu.memory_space<hbm>>
      %dma_start3A_131 = tpu.memref_squeeze %dma_start3A_130 : memref<1x72xi32, #tpu.memory_space<hbm>> -> memref<72xi32, #tpu.memory_space<hbm>>
      %dma_start3A_132 = arith.constant 0 : i32
      %dma_start3A_133 = tpu.memref_slice %arg9[%dma_start3A_125, %dma_start3A_132] : memref<4x72xi32, #tpu.memory_space<vmem>> -> memref<1x72xi32, #tpu.memory_space<vmem>>
      %dma_start3A_134 = tpu.memref_squeeze %dma_start3A_133 : memref<1x72xi32, #tpu.memory_space<vmem>> -> memref<72xi32, #tpu.memory_space<vmem>>
      %dma_start3A_135 = arith.constant 0 : i32
      %dma_start3A_136 = tpu.memref_slice %arg5[%add3A_124, %dma_start3A_135] : memref<2240x72xi32, #tpu.memory_space<hbm>> -> memref<1x72xi32, #tpu.memory_space<hbm>>
      %dma_start3A_137 = tpu.memref_squeeze %dma_start3A_136 : memref<1x72xi32, #tpu.memory_space<hbm>> -> memref<72xi32, #tpu.memory_space<hbm>>
      tpu.enqueue_dma source(%dma_start3A_137 : memref<72xi32, #tpu.memory_space<hbm>>) target(%dma_start3A_134 : memref<72xi32, #tpu.memory_space<vmem>>) target_semaphore(%arg23 : memref<!tpu.dma_semaphore, #tpu.memory_space<semaphore_mem>>)
      %multiple_of3A_138 = arith.constant 216 : i32
      %multiple_of3A_139 = tpu.assume_multiple %multiple_of3A_138, 72 : i32
      %dma_start3A_140 = arith.constant 3 : i32
      %dma_start3A_141 = arith.constant 0 : i32
      %dma_start3A_142 = arith.constant 0 : i32
      %dma_start3A_143 = tpu.memref_slice %arg10[%dma_start3A_140, %dma_start3A_141, %dma_start3A_142] : memref<4x72x128xf32, #tpu.memory_space<vmem>> -> memref<1x72x128xf32, #tpu.memory_space<vmem>>
      %dma_start3A_144 = tpu.memref_squeeze %dma_start3A_143 : memref<1x72x128xf32, #tpu.memory_space<vmem>> -> memref<72x128xf32, #tpu.memory_space<vmem>>
      %dma_start3A_145 = tpu.memref_slice %arg8[%multiple_of3A_139] : memref<10080xi32, #tpu.memory_space<vmem>> -> memref<72xi32, #tpu.memory_space<vmem>>
      %dma_start3A_146 = arith.constant 0 : i32
      %dma_start3A_147 = arith.constant 0 : i32
      %dma_start3A_148 = tpu.memref_slice %arg3[%dma_start3A_146, %dma_start3A_147] : memref<10240x128xf32, #tpu.memory_space<hbm>> -> memref<10240x128xf32, #tpu.memory_space<hbm>>
      tpu.enqueue_indirect_dma source(%dma_start3A_148 : memref<10240x128xf32, #tpu.memory_space<hbm>>) target(%dma_start3A_144 : memref<72x128xf32, #tpu.memory_space<vmem>>) offsets(%dma_start3A_145 : memref<72xi32, #tpu.memory_space<vmem>>) semaphore(%arg15 : memref<!tpu.dma_semaphore, #tpu.memory_space<semaphore_mem>>)
      %scan3A_149 = arith.constant 0 : i32
      %scan3A_150 = arith.constant 0 : i32
      %scan3A_151 = arith.constant 35 : i32
      %scan3A_152 = arith.addi %scan3A_150, %scan3A_151 : i32
      %scan3A_153 = arith.constant 1 : i32
      scf.for %scan3A_203 = %scan3A_150 to %scan3A_152 step %scan3A_153  : i32 {
        %mul3A_204 = arith.constant 4 : i32
        %mul3A_205 = arith.muli %scan3A_203, %mul3A_204 : i32
        %add3A_206 = arith.constant 0 : i32
        %add3A_207 = arith.addi %mul3A_205, %add3A_206 : i32
        %dma_wait3A_208 = arith.constant 0 : i32
        %dma_wait3A_209 = arith.constant 0 : i32
        %dma_wait3A_210 = arith.constant 0 : i32
        %dma_wait3A_211 = tpu.memref_slice %arg9[%dma_wait3A_209, %dma_wait3A_210] : memref<4x72xi32, #tpu.memory_space<vmem>> -> memref<1x72xi32, #tpu.memory_space<vmem>>
        %dma_wait3A_212 = tpu.memref_squeeze %dma_wait3A_211 : memref<1x72xi32, #tpu.memory_space<vmem>> -> memref<72xi32, #tpu.memory_space<vmem>>
        %dma_wait3A_213 = arith.constant 0 : i32
        %dma_wait3A_214 = tpu.memref_slice %arg5[%dma_wait3A_208, %dma_wait3A_213] : memref<2240x72xi32, #tpu.memory_space<hbm>> -> memref<1x72xi32, #tpu.memory_space<hbm>>
        %dma_wait3A_215 = tpu.memref_squeeze %dma_wait3A_214 : memref<1x72xi32, #tpu.memory_space<hbm>> -> memref<72xi32, #tpu.memory_space<hbm>>
        %dma_wait3A_216 = arith.constant 0 : i32
        %dma_wait3A_217 = tpu.memref_slice %arg9[%dma_wait3A_209, %dma_wait3A_216] : memref<4x72xi32, #tpu.memory_space<vmem>> -> memref<1x72xi32, #tpu.memory_space<vmem>>
        %dma_wait3A_218 = tpu.memref_squeeze %dma_wait3A_217 : memref<1x72xi32, #tpu.memory_space<vmem>> -> memref<72xi32, #tpu.memory_space<vmem>>
        %dma_wait3A_219 = arith.constant 0 : i32
        %dma_wait3A_220 = tpu.memref_slice %arg5[%dma_wait3A_208, %dma_wait3A_219] : memref<2240x72xi32, #tpu.memory_space<hbm>> -> memref<1x72xi32, #tpu.memory_space<hbm>>
        %dma_wait3A_221 = tpu.memref_squeeze %dma_wait3A_220 : memref<1x72xi32, #tpu.memory_space<hbm>> -> memref<72xi32, #tpu.memory_space<hbm>>
        tpu.wait_dma2 semaphore(%arg20 : memref<!tpu.dma_semaphore, #tpu.memory_space<semaphore_mem>>) src(%dma_wait3A_221 : memref<72xi32, #tpu.memory_space<hbm>>) dst(%dma_wait3A_218 : memref<72xi32, #tpu.memory_space<vmem>>)
        %dma_wait3A_222 = arith.constant 0 : i32
        %dma_wait3A_223 = arith.constant 0 : i32
        %dma_wait3A_224 = arith.constant 0 : i32
        %dma_wait3A_225 = tpu.memref_slice %arg10[%dma_wait3A_222, %dma_wait3A_223, %dma_wait3A_224] : memref<4x72x128xf32, #tpu.memory_space<vmem>> -> memref<1x72x128xf32, #tpu.memory_space<vmem>>
        %dma_wait3A_226 = tpu.memref_squeeze %dma_wait3A_225 : memref<1x72x128xf32, #tpu.memory_space<vmem>> -> memref<72x128xf32, #tpu.memory_space<vmem>>
        %dma_wait3A_227 = arith.constant 0 : i32
        %dma_wait3A_228 = tpu.memref_slice %arg8[%dma_wait3A_227] : memref<10080xi32, #tpu.memory_space<vmem>> -> memref<72xi32, #tpu.memory_space<vmem>>
        %dma_wait3A_229 = arith.constant 0 : i32
        %dma_wait3A_230 = arith.constant 0 : i32
        %dma_wait3A_231 = tpu.memref_slice %arg3[%dma_wait3A_229, %dma_wait3A_230] : memref<10240x128xf32, #tpu.memory_space<hbm>> -> memref<10240x128xf32, #tpu.memory_space<hbm>>
        tpu.wait_indirect_dma semaphore(%arg12 : memref<!tpu.dma_semaphore, #tpu.memory_space<semaphore_mem>>) src(%dma_wait3A_231 : memref<10240x128xf32, #tpu.memory_space<hbm>>) dst(%dma_wait3A_226 : memref<72x128xf32, #tpu.memory_space<vmem>>)
        %dma_start3A_232 = arith.constant 0 : i32
        %dma_start3A_233 = arith.constant 0 : i32
        %dma_start3A_234 = arith.constant 0 : i32
        %dma_start3A_235 = arith.constant 0 : i32
        %dma_start3A_236 = tpu.memref_slice %arg10[%dma_start3A_232, %dma_start3A_234, %dma_start3A_235] : memref<4x72x128xf32, #tpu.memory_space<vmem>> -> memref<1x72x128xf32, #tpu.memory_space<vmem>>
        %dma_start3A_237 = tpu.memref_squeeze %dma_start3A_236 : memref<1x72x128xf32, #tpu.memory_space<vmem>> -> memref<72x128xf32, #tpu.memory_space<vmem>>
        %dma_start3A_238 = arith.constant 0 : i32
        %dma_start3A_239 = tpu.memref_slice %arg9[%dma_start3A_233, %dma_start3A_238] : memref<4x72xi32, #tpu.memory_space<vmem>> -> memref<1x72xi32, #tpu.memory_space<vmem>>
        %dma_start3A_240 = tpu.memref_squeeze %dma_start3A_239 : memref<1x72xi32, #tpu.memory_space<vmem>> -> memref<72xi32, #tpu.memory_space<vmem>>
        %dma_start3A_241 = arith.constant 0 : i32
        %dma_start3A_242 = arith.constant 0 : i32
        %dma_start3A_243 = tpu.memref_slice %arg11[%dma_start3A_241, %dma_start3A_242] : memref<10112x128xf32, #tpu.memory_space<vmem_shared>> -> memref<10112x128xf32, #tpu.memory_space<vmem_shared>>
        tpu.enqueue_indirect_dma source(%dma_start3A_237 : memref<72x128xf32, #tpu.memory_space<vmem>>) target(%dma_start3A_243 : memref<10112x128xf32, #tpu.memory_space<vmem_shared>>) offsets(%dma_start3A_240 : memref<72xi32, #tpu.memory_space<vmem>>) semaphore(%arg16 : memref<!tpu.dma_semaphore, #tpu.memory_space<semaphore_mem>>) {add = true}
        %add3A_244 = arith.constant 4 : i32
        %add3A_245 = arith.addi %add3A_207, %add3A_244 : i32
        %lt3A = arith.constant 140 : i32
        %lt3A_246 = arith.cmpi slt, %add3A_245, %lt3A : i32
        %convert_element_type3A_247 = arith.extui %lt3A_246 : i1 to i32
        %cond3A_248 = arith.constant 0 : i32
        %cond3A_249 = arith.cmpi ne, %convert_element_type3A_247, %cond3A_248 : i32
        scf.if %cond3A_249 {
          %dma_wait3A_391 = arith.constant 0 : i32
          %dma_wait3A_392 = arith.constant 0 : i32
          %dma_wait3A_393 = arith.constant 0 : i32
          %dma_wait3A_394 = arith.constant 0 : i32
          %dma_wait3A_395 = tpu.memref_slice %arg10[%dma_wait3A_391, %dma_wait3A_393, %dma_wait3A_394] : memref<4x72x128xf32, #tpu.memory_space<vmem>> -> memref<1x72x128xf32, #tpu.memory_space<vmem>>
          %dma_wait3A_396 = tpu.memref_squeeze %dma_wait3A_395 : memref<1x72x128xf32, #tpu.memory_space<vmem>> -> memref<72x128xf32, #tpu.memory_space<vmem>>
          %dma_wait3A_397 = arith.constant 0 : i32
          %dma_wait3A_398 = tpu.memref_slice %arg9[%dma_wait3A_392, %dma_wait3A_397] : memref<4x72xi32, #tpu.memory_space<vmem>> -> memref<1x72xi32, #tpu.memory_space<vmem>>
          %dma_wait3A_399 = tpu.memref_squeeze %dma_wait3A_398 : memref<1x72xi32, #tpu.memory_space<vmem>> -> memref<72xi32, #tpu.memory_space<vmem>>
          %dma_wait3A_400 = arith.constant 0 : i32
          %dma_wait3A_401 = arith.constant 0 : i32
          %dma_wait3A_402 = tpu.memref_slice %arg11[%dma_wait3A_400, %dma_wait3A_401] : memref<10112x128xf32, #tpu.memory_space<vmem_shared>> -> memref<10112x128xf32, #tpu.memory_space<vmem_shared>>
          tpu.wait_indirect_dma semaphore(%arg16 : memref<!tpu.dma_semaphore, #tpu.memory_space<semaphore_mem>>) src(%dma_wait3A_396 : memref<72x128xf32, #tpu.memory_space<vmem>>) dst(%dma_wait3A_402 : memref<10112x128xf32, #tpu.memory_space<vmem_shared>>)
          %add3A_403 = arith.constant 4 : i32
          %add3A_404 = arith.addi %add3A_207, %add3A_403 : i32
          %add3A_405 = arith.addi %mul3A_44, %add3A_404 : i32
          %dma_start3A_406 = arith.constant 0 : i32
          %dma_start3A_407 = arith.constant 0 : i32
          %dma_start3A_408 = tpu.memref_slice %arg9[%dma_start3A_406, %dma_start3A_407] : memref<4x72xi32, #tpu.memory_space<vmem>> -> memref<1x72xi32, #tpu.memory_space<vmem>>
          %dma_start3A_409 = tpu.memref_squeeze %dma_start3A_408 : memref<1x72xi32, #tpu.memory_space<vmem>> -> memref<72xi32, #tpu.memory_space<vmem>>
          %dma_start3A_410 = arith.constant 0 : i32
          %dma_start3A_411 = tpu.memref_slice %arg5[%add3A_405, %dma_start3A_410] : memref<2240x72xi32, #tpu.memory_space<hbm>> -> memref<1x72xi32, #tpu.memory_space<hbm>>
          %dma_start3A_412 = tpu.memref_squeeze %dma_start3A_411 : memref<1x72xi32, #tpu.memory_space<hbm>> -> memref<72xi32, #tpu.memory_space<hbm>>
          %dma_start3A_413 = arith.constant 0 : i32
          %dma_start3A_414 = tpu.memref_slice %arg9[%dma_start3A_406, %dma_start3A_413] : memref<4x72xi32, #tpu.memory_space<vmem>> -> memref<1x72xi32, #tpu.memory_space<vmem>>
          %dma_start3A_415 = tpu.memref_squeeze %dma_start3A_414 : memref<1x72xi32, #tpu.memory_space<vmem>> -> memref<72xi32, #tpu.memory_space<vmem>>
          %dma_start3A_416 = arith.constant 0 : i32
          %dma_start3A_417 = tpu.memref_slice %arg5[%add3A_405, %dma_start3A_416] : memref<2240x72xi32, #tpu.memory_space<hbm>> -> memref<1x72xi32, #tpu.memory_space<hbm>>
          %dma_start3A_418 = tpu.memref_squeeze %dma_start3A_417 : memref<1x72xi32, #tpu.memory_space<hbm>> -> memref<72xi32, #tpu.memory_space<hbm>>
          tpu.enqueue_dma source(%dma_start3A_418 : memref<72xi32, #tpu.memory_space<hbm>>) target(%dma_start3A_415 : memref<72xi32, #tpu.memory_space<vmem>>) target_semaphore(%arg20 : memref<!tpu.dma_semaphore, #tpu.memory_space<semaphore_mem>>)
          %mul3A_419 = arith.constant 72 : i32
          %mul3A_420 = arith.muli %add3A_404, %mul3A_419 : i32
          %multiple_of3A_421 = tpu.assume_multiple %mul3A_420, 72 : i32
          %dma_start3A_422 = arith.constant 0 : i32
          %dma_start3A_423 = arith.constant 0 : i32
          %dma_start3A_424 = arith.constant 0 : i32
          %dma_start3A_425 = tpu.memref_slice %arg10[%dma_start3A_422, %dma_start3A_423, %dma_start3A_424] : memref<4x72x128xf32, #tpu.memory_space<vmem>> -> memref<1x72x128xf32, #tpu.memory_space<vmem>>
          %dma_start3A_426 = tpu.memref_squeeze %dma_start3A_425 : memref<1x72x128xf32, #tpu.memory_space<vmem>> -> memref<72x128xf32, #tpu.memory_space<vmem>>
          %dma_start3A_427 = tpu.memref_slice %arg8[%multiple_of3A_421] : memref<10080xi32, #tpu.memory_space<vmem>> -> memref<72xi32, #tpu.memory_space<vmem>>
          %dma_start3A_428 = arith.constant 0 : i32
          %dma_start3A_429 = arith.constant 0 : i32
          %dma_start3A_430 = tpu.memref_slice %arg3[%dma_start3A_428, %dma_start3A_429] : memref<10240x128xf32, #tpu.memory_space<hbm>> -> memref<10240x128xf32, #tpu.memory_space<hbm>>
          tpu.enqueue_indirect_dma source(%dma_start3A_430 : memref<10240x128xf32, #tpu.memory_space<hbm>>) target(%dma_start3A_426 : memref<72x128xf32, #tpu.memory_space<vmem>>) offsets(%dma_start3A_427 : memref<72xi32, #tpu.memory_space<vmem>>) semaphore(%arg12 : memref<!tpu.dma_semaphore, #tpu.memory_space<semaphore_mem>>)
        } else {
        }
        %mul3A_250 = arith.constant 4 : i32
        %mul3A_251 = arith.muli %scan3A_203, %mul3A_250 : i32
        %add3A_252 = arith.constant 1 : i32
        %add3A_253 = arith.addi %mul3A_251, %add3A_252 : i32
        %dma_wait3A_254 = arith.constant 0 : i32
        %dma_wait3A_255 = arith.constant 1 : i32
        %dma_wait3A_256 = arith.constant 0 : i32
        %dma_wait3A_257 = tpu.memref_slice %arg9[%dma_wait3A_255, %dma_wait3A_256] : memref<4x72xi32, #tpu.memory_space<vmem>> -> memref<1x72xi32, #tpu.memory_space<vmem>>
        %dma_wait3A_258 = tpu.memref_squeeze %dma_wait3A_257 : memref<1x72xi32, #tpu.memory_space<vmem>> -> memref<72xi32, #tpu.memory_space<vmem>>
        %dma_wait3A_259 = arith.constant 0 : i32
        %dma_wait3A_260 = tpu.memref_slice %arg5[%dma_wait3A_254, %dma_wait3A_259] : memref<2240x72xi32, #tpu.memory_space<hbm>> -> memref<1x72xi32, #tpu.memory_space<hbm>>
        %dma_wait3A_261 = tpu.memref_squeeze %dma_wait3A_260 : memref<1x72xi32, #tpu.memory_space<hbm>> -> memref<72xi32, #tpu.memory_space<hbm>>
        %dma_wait3A_262 = arith.constant 0 : i32
        %dma_wait3A_263 = tpu.memref_slice %arg9[%dma_wait3A_255, %dma_wait3A_262] : memref<4x72xi32, #tpu.memory_space<vmem>> -> memref<1x72xi32, #tpu.memory_space<vmem>>
        %dma_wait3A_264 = tpu.memref_squeeze %dma_wait3A_263 : memref<1x72xi32, #tpu.memory_space<vmem>> -> memref<72xi32, #tpu.memory_space<vmem>>
        %dma_wait3A_265 = arith.constant 0 : i32
        %dma_wait3A_266 = tpu.memref_slice %arg5[%dma_wait3A_254, %dma_wait3A_265] : memref<2240x72xi32, #tpu.memory_space<hbm>> -> memref<1x72xi32, #tpu.memory_space<hbm>>
        %dma_wait3A_267 = tpu.memref_squeeze %dma_wait3A_266 : memref<1x72xi32, #tpu.memory_space<hbm>> -> memref<72xi32, #tpu.memory_space<hbm>>
        tpu.wait_dma2 semaphore(%arg21 : memref<!tpu.dma_semaphore, #tpu.memory_space<semaphore_mem>>) src(%dma_wait3A_267 : memref<72xi32, #tpu.memory_space<hbm>>) dst(%dma_wait3A_264 : memref<72xi32, #tpu.memory_space<vmem>>)
        %dma_wait3A_268 = arith.constant 1 : i32
        %dma_wait3A_269 = arith.constant 0 : i32
        %dma_wait3A_270 = arith.constant 0 : i32
        %dma_wait3A_271 = tpu.memref_slice %arg10[%dma_wait3A_268, %dma_wait3A_269, %dma_wait3A_270] : memref<4x72x128xf32, #tpu.memory_space<vmem>> -> memref<1x72x128xf32, #tpu.memory_space<vmem>>
        %dma_wait3A_272 = tpu.memref_squeeze %dma_wait3A_271 : memref<1x72x128xf32, #tpu.memory_space<vmem>> -> memref<72x128xf32, #tpu.memory_space<vmem>>
        %dma_wait3A_273 = arith.constant 0 : i32
        %dma_wait3A_274 = tpu.memref_slice %arg8[%dma_wait3A_273] : memref<10080xi32, #tpu.memory_space<vmem>> -> memref<72xi32, #tpu.memory_space<vmem>>
        %dma_wait3A_275 = arith.constant 0 : i32
        %dma_wait3A_276 = arith.constant 0 : i32
        %dma_wait3A_277 = tpu.memref_slice %arg3[%dma_wait3A_275, %dma_wait3A_276] : memref<10240x128xf32, #tpu.memory_space<hbm>> -> memref<10240x128xf32, #tpu.memory_space<hbm>>
        tpu.wait_indirect_dma semaphore(%arg13 : memref<!tpu.dma_semaphore, #tpu.memory_space<semaphore_mem>>) src(%dma_wait3A_277 : memref<10240x128xf32, #tpu.memory_space<hbm>>) dst(%dma_wait3A_272 : memref<72x128xf32, #tpu.memory_space<vmem>>)
        %dma_start3A_278 = arith.constant 1 : i32
        %dma_start3A_279 = arith.constant 1 : i32
        %dma_start3A_280 = arith.constant 0 : i32
        %dma_start3A_281 = arith.constant 0 : i32
        %dma_start3A_282 = tpu.memref_slice %arg10[%dma_start3A_278, %dma_start3A_280, %dma_start3A_281] : memref<4x72x128xf32, #tpu.memory_space<vmem>> -> memref<1x72x128xf32, #tpu.memory_space<vmem>>
        %dma_start3A_283 = tpu.memref_squeeze %dma_start3A_282 : memref<1x72x128xf32, #tpu.memory_space<vmem>> -> memref<72x128xf32, #tpu.memory_space<vmem>>
        %dma_start3A_284 = arith.constant 0 : i32
        %dma_start3A_285 = tpu.memref_slice %arg9[%dma_start3A_279, %dma_start3A_284] : memref<4x72xi32, #tpu.memory_space<vmem>> -> memref<1x72xi32, #tpu.memory_space<vmem>>
        %dma_start3A_286 = tpu.memref_squeeze %dma_start3A_285 : memref<1x72xi32, #tpu.memory_space<vmem>> -> memref<72xi32, #tpu.memory_space<vmem>>
        %dma_start3A_287 = arith.constant 0 : i32
        %dma_start3A_288 = arith.constant 0 : i32
        %dma_start3A_289 = tpu.memref_slice %arg11[%dma_start3A_287, %dma_start3A_288] : memref<10112x128xf32, #tpu.memory_space<vmem_shared>> -> memref<10112x128xf32, #tpu.memory_space<vmem_shared>>
        tpu.enqueue_indirect_dma source(%dma_start3A_283 : memref<72x128xf32, #tpu.memory_space<vmem>>) target(%dma_start3A_289 : memref<10112x128xf32, #tpu.memory_space<vmem_shared>>) offsets(%dma_start3A_286 : memref<72xi32, #tpu.memory_space<vmem>>) semaphore(%arg17 : memref<!tpu.dma_semaphore, #tpu.memory_space<semaphore_mem>>) {add = true}
        %add3A_290 = arith.constant 4 : i32
        %add3A_291 = arith.addi %add3A_253, %add3A_290 : i32
        %lt3A_292 = arith.constant 140 : i32
        %lt3A_293 = arith.cmpi slt, %add3A_291, %lt3A_292 : i32
        %convert_element_type3A_294 = arith.extui %lt3A_293 : i1 to i32
        %cond3A_295 = arith.constant 0 : i32
        %cond3A_296 = arith.cmpi ne, %convert_element_type3A_294, %cond3A_295 : i32
        scf.if %cond3A_296 {
          %dma_wait3A_391 = arith.constant 1 : i32
          %dma_wait3A_392 = arith.constant 0 : i32
          %dma_wait3A_393 = arith.constant 0 : i32
          %dma_wait3A_394 = arith.constant 0 : i32
          %dma_wait3A_395 = tpu.memref_slice %arg10[%dma_wait3A_391, %dma_wait3A_393, %dma_wait3A_394] : memref<4x72x128xf32, #tpu.memory_space<vmem>> -> memref<1x72x128xf32, #tpu.memory_space<vmem>>
          %dma_wait3A_396 = tpu.memref_squeeze %dma_wait3A_395 : memref<1x72x128xf32, #tpu.memory_space<vmem>> -> memref<72x128xf32, #tpu.memory_space<vmem>>
          %dma_wait3A_397 = arith.constant 0 : i32
          %dma_wait3A_398 = tpu.memref_slice %arg9[%dma_wait3A_392, %dma_wait3A_397] : memref<4x72xi32, #tpu.memory_space<vmem>> -> memref<1x72xi32, #tpu.memory_space<vmem>>
          %dma_wait3A_399 = tpu.memref_squeeze %dma_wait3A_398 : memref<1x72xi32, #tpu.memory_space<vmem>> -> memref<72xi32, #tpu.memory_space<vmem>>
          %dma_wait3A_400 = arith.constant 0 : i32
          %dma_wait3A_401 = arith.constant 0 : i32
          %dma_wait3A_402 = tpu.memref_slice %arg11[%dma_wait3A_400, %dma_wait3A_401] : memref<10112x128xf32, #tpu.memory_space<vmem_shared>> -> memref<10112x128xf32, #tpu.memory_space<vmem_shared>>
          tpu.wait_indirect_dma semaphore(%arg17 : memref<!tpu.dma_semaphore, #tpu.memory_space<semaphore_mem>>) src(%dma_wait3A_396 : memref<72x128xf32, #tpu.memory_space<vmem>>) dst(%dma_wait3A_402 : memref<10112x128xf32, #tpu.memory_space<vmem_shared>>)
          %add3A_403 = arith.constant 4 : i32
          %add3A_404 = arith.addi %add3A_253, %add3A_403 : i32
          %add3A_405 = arith.addi %mul3A_44, %add3A_404 : i32
          %dma_start3A_406 = arith.constant 1 : i32
          %dma_start3A_407 = arith.constant 0 : i32
          %dma_start3A_408 = tpu.memref_slice %arg9[%dma_start3A_406, %dma_start3A_407] : memref<4x72xi32, #tpu.memory_space<vmem>> -> memref<1x72xi32, #tpu.memory_space<vmem>>
          %dma_start3A_409 = tpu.memref_squeeze %dma_start3A_408 : memref<1x72xi32, #tpu.memory_space<vmem>> -> memref<72xi32, #tpu.memory_space<vmem>>
          %dma_start3A_410 = arith.constant 0 : i32
          %dma_start3A_411 = tpu.memref_slice %arg5[%add3A_405, %dma_start3A_410] : memref<2240x72xi32, #tpu.memory_space<hbm>> -> memref<1x72xi32, #tpu.memory_space<hbm>>
          %dma_start3A_412 = tpu.memref_squeeze %dma_start3A_411 : memref<1x72xi32, #tpu.memory_space<hbm>> -> memref<72xi32, #tpu.memory_space<hbm>>
          %dma_start3A_413 = arith.constant 0 : i32
          %dma_start3A_414 = tpu.memref_slice %arg9[%dma_start3A_406, %dma_start3A_413] : memref<4x72xi32, #tpu.memory_space<vmem>> -> memref<1x72xi32, #tpu.memory_space<vmem>>
          %dma_start3A_415 = tpu.memref_squeeze %dma_start3A_414 : memref<1x72xi32, #tpu.memory_space<vmem>> -> memref<72xi32, #tpu.memory_space<vmem>>
          %dma_start3A_416 = arith.constant 0 : i32
          %dma_start3A_417 = tpu.memref_slice %arg5[%add3A_405, %dma_start3A_416] : memref<2240x72xi32, #tpu.memory_space<hbm>> -> memref<1x72xi32, #tpu.memory_space<hbm>>
          %dma_start3A_418 = tpu.memref_squeeze %dma_start3A_417 : memref<1x72xi32, #tpu.memory_space<hbm>> -> memref<72xi32, #tpu.memory_space<hbm>>
          tpu.enqueue_dma source(%dma_start3A_418 : memref<72xi32, #tpu.memory_space<hbm>>) target(%dma_start3A_415 : memref<72xi32, #tpu.memory_space<vmem>>) target_semaphore(%arg21 : memref<!tpu.dma_semaphore, #tpu.memory_space<semaphore_mem>>)
          %mul3A_419 = arith.constant 72 : i32
          %mul3A_420 = arith.muli %add3A_404, %mul3A_419 : i32
          %multiple_of3A_421 = tpu.assume_multiple %mul3A_420, 72 : i32
          %dma_start3A_422 = arith.constant 1 : i32
          %dma_start3A_423 = arith.constant 0 : i32
          %dma_start3A_424 = arith.constant 0 : i32
          %dma_start3A_425 = tpu.memref_slice %arg10[%dma_start3A_422, %dma_start3A_423, %dma_start3A_424] : memref<4x72x128xf32, #tpu.memory_space<vmem>> -> memref<1x72x128xf32, #tpu.memory_space<vmem>>
          %dma_start3A_426 = tpu.memref_squeeze %dma_start3A_425 : memref<1x72x128xf32, #tpu.memory_space<vmem>> -> memref<72x128xf32, #tpu.memory_space<vmem>>
          %dma_start3A_427 = tpu.memref_slice %arg8[%multiple_of3A_421] : memref<10080xi32, #tpu.memory_space<vmem>> -> memref<72xi32, #tpu.memory_space<vmem>>
          %dma_start3A_428 = arith.constant 0 : i32
          %dma_start3A_429 = arith.constant 0 : i32
          %dma_start3A_430 = tpu.memref_slice %arg3[%dma_start3A_428, %dma_start3A_429] : memref<10240x128xf32, #tpu.memory_space<hbm>> -> memref<10240x128xf32, #tpu.memory_space<hbm>>
          tpu.enqueue_indirect_dma source(%dma_start3A_430 : memref<10240x128xf32, #tpu.memory_space<hbm>>) target(%dma_start3A_426 : memref<72x128xf32, #tpu.memory_space<vmem>>) offsets(%dma_start3A_427 : memref<72xi32, #tpu.memory_space<vmem>>) semaphore(%arg13 : memref<!tpu.dma_semaphore, #tpu.memory_space<semaphore_mem>>)
        } else {
        }
        %mul3A_297 = arith.constant 4 : i32
        %mul3A_298 = arith.muli %scan3A_203, %mul3A_297 : i32
        %add3A_299 = arith.constant 2 : i32
        %add3A_300 = arith.addi %mul3A_298, %add3A_299 : i32
        %dma_wait3A_301 = arith.constant 0 : i32
        %dma_wait3A_302 = arith.constant 2 : i32
        %dma_wait3A_303 = arith.constant 0 : i32
        %dma_wait3A_304 = tpu.memref_slice %arg9[%dma_wait3A_302, %dma_wait3A_303] : memref<4x72xi32, #tpu.memory_space<vmem>> -> memref<1x72xi32, #tpu.memory_space<vmem>>
        %dma_wait3A_305 = tpu.memref_squeeze %dma_wait3A_304 : memref<1x72xi32, #tpu.memory_space<vmem>> -> memref<72xi32, #tpu.memory_space<vmem>>
        %dma_wait3A_306 = arith.constant 0 : i32
        %dma_wait3A_307 = tpu.memref_slice %arg5[%dma_wait3A_301, %dma_wait3A_306] : memref<2240x72xi32, #tpu.memory_space<hbm>> -> memref<1x72xi32, #tpu.memory_space<hbm>>
        %dma_wait3A_308 = tpu.memref_squeeze %dma_wait3A_307 : memref<1x72xi32, #tpu.memory_space<hbm>> -> memref<72xi32, #tpu.memory_space<hbm>>
        %dma_wait3A_309 = arith.constant 0 : i32
        %dma_wait3A_310 = tpu.memref_slice %arg9[%dma_wait3A_302, %dma_wait3A_309] : memref<4x72xi32, #tpu.memory_space<vmem>> -> memref<1x72xi32, #tpu.memory_space<vmem>>
        %dma_wait3A_311 = tpu.memref_squeeze %dma_wait3A_310 : memref<1x72xi32, #tpu.memory_space<vmem>> -> memref<72xi32, #tpu.memory_space<vmem>>
        %dma_wait3A_312 = arith.constant 0 : i32
        %dma_wait3A_313 = tpu.memref_slice %arg5[%dma_wait3A_301, %dma_wait3A_312] : memref<2240x72xi32, #tpu.memory_space<hbm>> -> memref<1x72xi32, #tpu.memory_space<hbm>>
        %dma_wait3A_314 = tpu.memref_squeeze %dma_wait3A_313 : memref<1x72xi32, #tpu.memory_space<hbm>> -> memref<72xi32, #tpu.memory_space<hbm>>
        tpu.wait_dma2 semaphore(%arg22 : memref<!tpu.dma_semaphore, #tpu.memory_space<semaphore_mem>>) src(%dma_wait3A_314 : memref<72xi32, #tpu.memory_space<hbm>>) dst(%dma_wait3A_311 : memref<72xi32, #tpu.memory_space<vmem>>)
        %dma_wait3A_315 = arith.constant 2 : i32
        %dma_wait3A_316 = arith.constant 0 : i32
        %dma_wait3A_317 = arith.constant 0 : i32
        %dma_wait3A_318 = tpu.memref_slice %arg10[%dma_wait3A_315, %dma_wait3A_316, %dma_wait3A_317] : memref<4x72x128xf32, #tpu.memory_space<vmem>> -> memref<1x72x128xf32, #tpu.memory_space<vmem>>
        %dma_wait3A_319 = tpu.memref_squeeze %dma_wait3A_318 : memref<1x72x128xf32, #tpu.memory_space<vmem>> -> memref<72x128xf32, #tpu.memory_space<vmem>>
        %dma_wait3A_320 = arith.constant 0 : i32
        %dma_wait3A_321 = tpu.memref_slice %arg8[%dma_wait3A_320] : memref<10080xi32, #tpu.memory_space<vmem>> -> memref<72xi32, #tpu.memory_space<vmem>>
        %dma_wait3A_322 = arith.constant 0 : i32
        %dma_wait3A_323 = arith.constant 0 : i32
        %dma_wait3A_324 = tpu.memref_slice %arg3[%dma_wait3A_322, %dma_wait3A_323] : memref<10240x128xf32, #tpu.memory_space<hbm>> -> memref<10240x128xf32, #tpu.memory_space<hbm>>
        tpu.wait_indirect_dma semaphore(%arg14 : memref<!tpu.dma_semaphore, #tpu.memory_space<semaphore_mem>>) src(%dma_wait3A_324 : memref<10240x128xf32, #tpu.memory_space<hbm>>) dst(%dma_wait3A_319 : memref<72x128xf32, #tpu.memory_space<vmem>>)
        %dma_start3A_325 = arith.constant 2 : i32
        %dma_start3A_326 = arith.constant 2 : i32
        %dma_start3A_327 = arith.constant 0 : i32
        %dma_start3A_328 = arith.constant 0 : i32
        %dma_start3A_329 = tpu.memref_slice %arg10[%dma_start3A_325, %dma_start3A_327, %dma_start3A_328] : memref<4x72x128xf32, #tpu.memory_space<vmem>> -> memref<1x72x128xf32, #tpu.memory_space<vmem>>
        %dma_start3A_330 = tpu.memref_squeeze %dma_start3A_329 : memref<1x72x128xf32, #tpu.memory_space<vmem>> -> memref<72x128xf32, #tpu.memory_space<vmem>>
        %dma_start3A_331 = arith.constant 0 : i32
        %dma_start3A_332 = tpu.memref_slice %arg9[%dma_start3A_326, %dma_start3A_331] : memref<4x72xi32, #tpu.memory_space<vmem>> -> memref<1x72xi32, #tpu.memory_space<vmem>>
        %dma_start3A_333 = tpu.memref_squeeze %dma_start3A_332 : memref<1x72xi32, #tpu.memory_space<vmem>> -> memref<72xi32, #tpu.memory_space<vmem>>
        %dma_start3A_334 = arith.constant 0 : i32
        %dma_start3A_335 = arith.constant 0 : i32
        %dma_start3A_336 = tpu.memref_slice %arg11[%dma_start3A_334, %dma_start3A_335] : memref<10112x128xf32, #tpu.memory_space<vmem_shared>> -> memref<10112x128xf32, #tpu.memory_space<vmem_shared>>
        tpu.enqueue_indirect_dma source(%dma_start3A_330 : memref<72x128xf32, #tpu.memory_space<vmem>>) target(%dma_start3A_336 : memref<10112x128xf32, #tpu.memory_space<vmem_shared>>) offsets(%dma_start3A_333 : memref<72xi32, #tpu.memory_space<vmem>>) semaphore(%arg18 : memref<!tpu.dma_semaphore, #tpu.memory_space<semaphore_mem>>) {add = true}
        %add3A_337 = arith.constant 4 : i32
        %add3A_338 = arith.addi %add3A_300, %add3A_337 : i32
        %lt3A_339 = arith.constant 140 : i32
        %lt3A_340 = arith.cmpi slt, %add3A_338, %lt3A_339 : i32
        %convert_element_type3A_341 = arith.extui %lt3A_340 : i1 to i32
        %cond3A_342 = arith.constant 0 : i32
        %cond3A_343 = arith.cmpi ne, %convert_element_type3A_341, %cond3A_342 : i32
        scf.if %cond3A_343 {
          %dma_wait3A_391 = arith.constant 2 : i32
          %dma_wait3A_392 = arith.constant 0 : i32
          %dma_wait3A_393 = arith.constant 0 : i32
          %dma_wait3A_394 = arith.constant 0 : i32
          %dma_wait3A_395 = tpu.memref_slice %arg10[%dma_wait3A_391, %dma_wait3A_393, %dma_wait3A_394] : memref<4x72x128xf32, #tpu.memory_space<vmem>> -> memref<1x72x128xf32, #tpu.memory_space<vmem>>
          %dma_wait3A_396 = tpu.memref_squeeze %dma_wait3A_395 : memref<1x72x128xf32, #tpu.memory_space<vmem>> -> memref<72x128xf32, #tpu.memory_space<vmem>>
          %dma_wait3A_397 = arith.constant 0 : i32
          %dma_wait3A_398 = tpu.memref_slice %arg9[%dma_wait3A_392, %dma_wait3A_397] : memref<4x72xi32, #tpu.memory_space<vmem>> -> memref<1x72xi32, #tpu.memory_space<vmem>>
          %dma_wait3A_399 = tpu.memref_squeeze %dma_wait3A_398 : memref<1x72xi32, #tpu.memory_space<vmem>> -> memref<72xi32, #tpu.memory_space<vmem>>
          %dma_wait3A_400 = arith.constant 0 : i32
          %dma_wait3A_401 = arith.constant 0 : i32
          %dma_wait3A_402 = tpu.memref_slice %arg11[%dma_wait3A_400, %dma_wait3A_401] : memref<10112x128xf32, #tpu.memory_space<vmem_shared>> -> memref<10112x128xf32, #tpu.memory_space<vmem_shared>>
          tpu.wait_indirect_dma semaphore(%arg18 : memref<!tpu.dma_semaphore, #tpu.memory_space<semaphore_mem>>) src(%dma_wait3A_396 : memref<72x128xf32, #tpu.memory_space<vmem>>) dst(%dma_wait3A_402 : memref<10112x128xf32, #tpu.memory_space<vmem_shared>>)
          %add3A_403 = arith.constant 4 : i32
          %add3A_404 = arith.addi %add3A_300, %add3A_403 : i32
          %add3A_405 = arith.addi %mul3A_44, %add3A_404 : i32
          %dma_start3A_406 = arith.constant 2 : i32
          %dma_start3A_407 = arith.constant 0 : i32
          %dma_start3A_408 = tpu.memref_slice %arg9[%dma_start3A_406, %dma_start3A_407] : memref<4x72xi32, #tpu.memory_space<vmem>> -> memref<1x72xi32, #tpu.memory_space<vmem>>
          %dma_start3A_409 = tpu.memref_squeeze %dma_start3A_408 : memref<1x72xi32, #tpu.memory_space<vmem>> -> memref<72xi32, #tpu.memory_space<vmem>>
          %dma_start3A_410 = arith.constant 0 : i32
          %dma_start3A_411 = tpu.memref_slice %arg5[%add3A_405, %dma_start3A_410] : memref<2240x72xi32, #tpu.memory_space<hbm>> -> memref<1x72xi32, #tpu.memory_space<hbm>>
          %dma_start3A_412 = tpu.memref_squeeze %dma_start3A_411 : memref<1x72xi32, #tpu.memory_space<hbm>> -> memref<72xi32, #tpu.memory_space<hbm>>
          %dma_start3A_413 = arith.constant 0 : i32
          %dma_start3A_414 = tpu.memref_slice %arg9[%dma_start3A_406, %dma_start3A_413] : memref<4x72xi32, #tpu.memory_space<vmem>> -> memref<1x72xi32, #tpu.memory_space<vmem>>
          %dma_start3A_415 = tpu.memref_squeeze %dma_start3A_414 : memref<1x72xi32, #tpu.memory_space<vmem>> -> memref<72xi32, #tpu.memory_space<vmem>>
          %dma_start3A_416 = arith.constant 0 : i32
          %dma_start3A_417 = tpu.memref_slice %arg5[%add3A_405, %dma_start3A_416] : memref<2240x72xi32, #tpu.memory_space<hbm>> -> memref<1x72xi32, #tpu.memory_space<hbm>>
          %dma_start3A_418 = tpu.memref_squeeze %dma_start3A_417 : memref<1x72xi32, #tpu.memory_space<hbm>> -> memref<72xi32, #tpu.memory_space<hbm>>
          tpu.enqueue_dma source(%dma_start3A_418 : memref<72xi32, #tpu.memory_space<hbm>>) target(%dma_start3A_415 : memref<72xi32, #tpu.memory_space<vmem>>) target_semaphore(%arg22 : memref<!tpu.dma_semaphore, #tpu.memory_space<semaphore_mem>>)
          %mul3A_419 = arith.constant 72 : i32
          %mul3A_420 = arith.muli %add3A_404, %mul3A_419 : i32
          %multiple_of3A_421 = tpu.assume_multiple %mul3A_420, 72 : i32
          %dma_start3A_422 = arith.constant 2 : i32
          %dma_start3A_423 = arith.constant 0 : i32
          %dma_start3A_424 = arith.constant 0 : i32
          %dma_start3A_425 = tpu.memref_slice %arg10[%dma_start3A_422, %dma_start3A_423, %dma_start3A_424] : memref<4x72x128xf32, #tpu.memory_space<vmem>> -> memref<1x72x128xf32, #tpu.memory_space<vmem>>
          %dma_start3A_426 = tpu.memref_squeeze %dma_start3A_425 : memref<1x72x128xf32, #tpu.memory_space<vmem>> -> memref<72x128xf32, #tpu.memory_space<vmem>>
          %dma_start3A_427 = tpu.memref_slice %arg8[%multiple_of3A_421] : memref<10080xi32, #tpu.memory_space<vmem>> -> memref<72xi32, #tpu.memory_space<vmem>>
          %dma_start3A_428 = arith.constant 0 : i32
          %dma_start3A_429 = arith.constant 0 : i32
          %dma_start3A_430 = tpu.memref_slice %arg3[%dma_start3A_428, %dma_start3A_429] : memref<10240x128xf32, #tpu.memory_space<hbm>> -> memref<10240x128xf32, #tpu.memory_space<hbm>>
          tpu.enqueue_indirect_dma source(%dma_start3A_430 : memref<10240x128xf32, #tpu.memory_space<hbm>>) target(%dma_start3A_426 : memref<72x128xf32, #tpu.memory_space<vmem>>) offsets(%dma_start3A_427 : memref<72xi32, #tpu.memory_space<vmem>>) semaphore(%arg14 : memref<!tpu.dma_semaphore, #tpu.memory_space<semaphore_mem>>)
        } else {
        }
        %mul3A_344 = arith.constant 4 : i32
        %mul3A_345 = arith.muli %scan3A_203, %mul3A_344 : i32
        %add3A_346 = arith.constant 3 : i32
        %add3A_347 = arith.addi %mul3A_345, %add3A_346 : i32
        %dma_wait3A_348 = arith.constant 0 : i32
        %dma_wait3A_349 = arith.constant 3 : i32
        %dma_wait3A_350 = arith.constant 0 : i32
        %dma_wait3A_351 = tpu.memref_slice %arg9[%dma_wait3A_349, %dma_wait3A_350] : memref<4x72xi32, #tpu.memory_space<vmem>> -> memref<1x72xi32, #tpu.memory_space<vmem>>
        %dma_wait3A_352 = tpu.memref_squeeze %dma_wait3A_351 : memref<1x72xi32, #tpu.memory_space<vmem>> -> memref<72xi32, #tpu.memory_space<vmem>>
        %dma_wait3A_353 = arith.constant 0 : i32
        %dma_wait3A_354 = tpu.memref_slice %arg5[%dma_wait3A_348, %dma_wait3A_353] : memref<2240x72xi32, #tpu.memory_space<hbm>> -> memref<1x72xi32, #tpu.memory_space<hbm>>
        %dma_wait3A_355 = tpu.memref_squeeze %dma_wait3A_354 : memref<1x72xi32, #tpu.memory_space<hbm>> -> memref<72xi32, #tpu.memory_space<hbm>>
        %dma_wait3A_356 = arith.constant 0 : i32
        %dma_wait3A_357 = tpu.memref_slice %arg9[%dma_wait3A_349, %dma_wait3A_356] : memref<4x72xi32, #tpu.memory_space<vmem>> -> memref<1x72xi32, #tpu.memory_space<vmem>>
        %dma_wait3A_358 = tpu.memref_squeeze %dma_wait3A_357 : memref<1x72xi32, #tpu.memory_space<vmem>> -> memref<72xi32, #tpu.memory_space<vmem>>
        %dma_wait3A_359 = arith.constant 0 : i32
        %dma_wait3A_360 = tpu.memref_slice %arg5[%dma_wait3A_348, %dma_wait3A_359] : memref<2240x72xi32, #tpu.memory_space<hbm>> -> memref<1x72xi32, #tpu.memory_space<hbm>>
        %dma_wait3A_361 = tpu.memref_squeeze %dma_wait3A_360 : memref<1x72xi32, #tpu.memory_space<hbm>> -> memref<72xi32, #tpu.memory_space<hbm>>
        tpu.wait_dma2 semaphore(%arg23 : memref<!tpu.dma_semaphore, #tpu.memory_space<semaphore_mem>>) src(%dma_wait3A_361 : memref<72xi32, #tpu.memory_space<hbm>>) dst(%dma_wait3A_358 : memref<72xi32, #tpu.memory_space<vmem>>)
        %dma_wait3A_362 = arith.constant 3 : i32
        %dma_wait3A_363 = arith.constant 0 : i32
        %dma_wait3A_364 = arith.constant 0 : i32
        %dma_wait3A_365 = tpu.memref_slice %arg10[%dma_wait3A_362, %dma_wait3A_363, %dma_wait3A_364] : memref<4x72x128xf32, #tpu.memory_space<vmem>> -> memref<1x72x128xf32, #tpu.memory_space<vmem>>
        %dma_wait3A_366 = tpu.memref_squeeze %dma_wait3A_365 : memref<1x72x128xf32, #tpu.memory_space<vmem>> -> memref<72x128xf32, #tpu.memory_space<vmem>>
        %dma_wait3A_367 = arith.constant 0 : i32
        %dma_wait3A_368 = tpu.memref_slice %arg8[%dma_wait3A_367] : memref<10080xi32, #tpu.memory_space<vmem>> -> memref<72xi32, #tpu.memory_space<vmem>>
        %dma_wait3A_369 = arith.constant 0 : i32
        %dma_wait3A_370 = arith.constant 0 : i32
        %dma_wait3A_371 = tpu.memref_slice %arg3[%dma_wait3A_369, %dma_wait3A_370] : memref<10240x128xf32, #tpu.memory_space<hbm>> -> memref<10240x128xf32, #tpu.memory_space<hbm>>
        tpu.wait_indirect_dma semaphore(%arg15 : memref<!tpu.dma_semaphore, #tpu.memory_space<semaphore_mem>>) src(%dma_wait3A_371 : memref<10240x128xf32, #tpu.memory_space<hbm>>) dst(%dma_wait3A_366 : memref<72x128xf32, #tpu.memory_space<vmem>>)
        %dma_start3A_372 = arith.constant 3 : i32
        %dma_start3A_373 = arith.constant 3 : i32
        %dma_start3A_374 = arith.constant 0 : i32
        %dma_start3A_375 = arith.constant 0 : i32
        %dma_start3A_376 = tpu.memref_slice %arg10[%dma_start3A_372, %dma_start3A_374, %dma_start3A_375] : memref<4x72x128xf32, #tpu.memory_space<vmem>> -> memref<1x72x128xf32, #tpu.memory_space<vmem>>
        %dma_start3A_377 = tpu.memref_squeeze %dma_start3A_376 : memref<1x72x128xf32, #tpu.memory_space<vmem>> -> memref<72x128xf32, #tpu.memory_space<vmem>>
        %dma_start3A_378 = arith.constant 0 : i32
        %dma_start3A_379 = tpu.memref_slice %arg9[%dma_start3A_373, %dma_start3A_378] : memref<4x72xi32, #tpu.memory_space<vmem>> -> memref<1x72xi32, #tpu.memory_space<vmem>>
        %dma_start3A_380 = tpu.memref_squeeze %dma_start3A_379 : memref<1x72xi32, #tpu.memory_space<vmem>> -> memref<72xi32, #tpu.memory_space<vmem>>
        %dma_start3A_381 = arith.constant 0 : i32
        %dma_start3A_382 = arith.constant 0 : i32
        %dma_start3A_383 = tpu.memref_slice %arg11[%dma_start3A_381, %dma_start3A_382] : memref<10112x128xf32, #tpu.memory_space<vmem_shared>> -> memref<10112x128xf32, #tpu.memory_space<vmem_shared>>
        tpu.enqueue_indirect_dma source(%dma_start3A_377 : memref<72x128xf32, #tpu.memory_space<vmem>>) target(%dma_start3A_383 : memref<10112x128xf32, #tpu.memory_space<vmem_shared>>) offsets(%dma_start3A_380 : memref<72xi32, #tpu.memory_space<vmem>>) semaphore(%arg19 : memref<!tpu.dma_semaphore, #tpu.memory_space<semaphore_mem>>) {add = true}
        %add3A_384 = arith.constant 4 : i32
        %add3A_385 = arith.addi %add3A_347, %add3A_384 : i32
        %lt3A_386 = arith.constant 140 : i32
        %lt3A_387 = arith.cmpi slt, %add3A_385, %lt3A_386 : i32
        %convert_element_type3A_388 = arith.extui %lt3A_387 : i1 to i32
        %cond3A_389 = arith.constant 0 : i32
        %cond3A_390 = arith.cmpi ne, %convert_element_type3A_388, %cond3A_389 : i32
        scf.if %cond3A_390 {
          %dma_wait3A_391 = arith.constant 3 : i32
          %dma_wait3A_392 = arith.constant 0 : i32
          %dma_wait3A_393 = arith.constant 0 : i32
          %dma_wait3A_394 = arith.constant 0 : i32
          %dma_wait3A_395 = tpu.memref_slice %arg10[%dma_wait3A_391, %dma_wait3A_393, %dma_wait3A_394] : memref<4x72x128xf32, #tpu.memory_space<vmem>> -> memref<1x72x128xf32, #tpu.memory_space<vmem>>
          %dma_wait3A_396 = tpu.memref_squeeze %dma_wait3A_395 : memref<1x72x128xf32, #tpu.memory_space<vmem>> -> memref<72x128xf32, #tpu.memory_space<vmem>>
          %dma_wait3A_397 = arith.constant 0 : i32
          %dma_wait3A_398 = tpu.memref_slice %arg9[%dma_wait3A_392, %dma_wait3A_397] : memref<4x72xi32, #tpu.memory_space<vmem>> -> memref<1x72xi32, #tpu.memory_space<vmem>>
          %dma_wait3A_399 = tpu.memref_squeeze %dma_wait3A_398 : memref<1x72xi32, #tpu.memory_space<vmem>> -> memref<72xi32, #tpu.memory_space<vmem>>
          %dma_wait3A_400 = arith.constant 0 : i32
          %dma_wait3A_401 = arith.constant 0 : i32
          %dma_wait3A_402 = tpu.memref_slice %arg11[%dma_wait3A_400, %dma_wait3A_401] : memref<10112x128xf32, #tpu.memory_space<vmem_shared>> -> memref<10112x128xf32, #tpu.memory_space<vmem_shared>>
          tpu.wait_indirect_dma semaphore(%arg19 : memref<!tpu.dma_semaphore, #tpu.memory_space<semaphore_mem>>) src(%dma_wait3A_396 : memref<72x128xf32, #tpu.memory_space<vmem>>) dst(%dma_wait3A_402 : memref<10112x128xf32, #tpu.memory_space<vmem_shared>>)
          %add3A_403 = arith.constant 4 : i32
          %add3A_404 = arith.addi %add3A_347, %add3A_403 : i32
          %add3A_405 = arith.addi %mul3A_44, %add3A_404 : i32
          %dma_start3A_406 = arith.constant 3 : i32
          %dma_start3A_407 = arith.constant 0 : i32
          %dma_start3A_408 = tpu.memref_slice %arg9[%dma_start3A_406, %dma_start3A_407] : memref<4x72xi32, #tpu.memory_space<vmem>> -> memref<1x72xi32, #tpu.memory_space<vmem>>
          %dma_start3A_409 = tpu.memref_squeeze %dma_start3A_408 : memref<1x72xi32, #tpu.memory_space<vmem>> -> memref<72xi32, #tpu.memory_space<vmem>>
          %dma_start3A_410 = arith.constant 0 : i32
          %dma_start3A_411 = tpu.memref_slice %arg5[%add3A_405, %dma_start3A_410] : memref<2240x72xi32, #tpu.memory_space<hbm>> -> memref<1x72xi32, #tpu.memory_space<hbm>>
          %dma_start3A_412 = tpu.memref_squeeze %dma_start3A_411 : memref<1x72xi32, #tpu.memory_space<hbm>> -> memref<72xi32, #tpu.memory_space<hbm>>
          %dma_start3A_413 = arith.constant 0 : i32
          %dma_start3A_414 = tpu.memref_slice %arg9[%dma_start3A_406, %dma_start3A_413] : memref<4x72xi32, #tpu.memory_space<vmem>> -> memref<1x72xi32, #tpu.memory_space<vmem>>
          %dma_start3A_415 = tpu.memref_squeeze %dma_start3A_414 : memref<1x72xi32, #tpu.memory_space<vmem>> -> memref<72xi32, #tpu.memory_space<vmem>>
          %dma_start3A_416 = arith.constant 0 : i32
          %dma_start3A_417 = tpu.memref_slice %arg5[%add3A_405, %dma_start3A_416] : memref<2240x72xi32, #tpu.memory_space<hbm>> -> memref<1x72xi32, #tpu.memory_space<hbm>>
          %dma_start3A_418 = tpu.memref_squeeze %dma_start3A_417 : memref<1x72xi32, #tpu.memory_space<hbm>> -> memref<72xi32, #tpu.memory_space<hbm>>
          tpu.enqueue_dma source(%dma_start3A_418 : memref<72xi32, #tpu.memory_space<hbm>>) target(%dma_start3A_415 : memref<72xi32, #tpu.memory_space<vmem>>) target_semaphore(%arg23 : memref<!tpu.dma_semaphore, #tpu.memory_space<semaphore_mem>>)
          %mul3A_419 = arith.constant 72 : i32
          %mul3A_420 = arith.muli %add3A_404, %mul3A_419 : i32
          %multiple_of3A_421 = tpu.assume_multiple %mul3A_420, 72 : i32
          %dma_start3A_422 = arith.constant 3 : i32
          %dma_start3A_423 = arith.constant 0 : i32
          %dma_start3A_424 = arith.constant 0 : i32
          %dma_start3A_425 = tpu.memref_slice %arg10[%dma_start3A_422, %dma_start3A_423, %dma_start3A_424] : memref<4x72x128xf32, #tpu.memory_space<vmem>> -> memref<1x72x128xf32, #tpu.memory_space<vmem>>
          %dma_start3A_426 = tpu.memref_squeeze %dma_start3A_425 : memref<1x72x128xf32, #tpu.memory_space<vmem>> -> memref<72x128xf32, #tpu.memory_space<vmem>>
          %dma_start3A_427 = tpu.memref_slice %arg8[%multiple_of3A_421] : memref<10080xi32, #tpu.memory_space<vmem>> -> memref<72xi32, #tpu.memory_space<vmem>>
          %dma_start3A_428 = arith.constant 0 : i32
          %dma_start3A_429 = arith.constant 0 : i32
          %dma_start3A_430 = tpu.memref_slice %arg3[%dma_start3A_428, %dma_start3A_429] : memref<10240x128xf32, #tpu.memory_space<hbm>> -> memref<10240x128xf32, #tpu.memory_space<hbm>>
          tpu.enqueue_indirect_dma source(%dma_start3A_430 : memref<10240x128xf32, #tpu.memory_space<hbm>>) target(%dma_start3A_426 : memref<72x128xf32, #tpu.memory_space<vmem>>) offsets(%dma_start3A_427 : memref<72xi32, #tpu.memory_space<vmem>>) semaphore(%arg15 : memref<!tpu.dma_semaphore, #tpu.memory_space<semaphore_mem>>)
        } else {
        }
      }
      %scan3A_154 = arith.constant 35 : i32
      %dma_wait3A = arith.constant 0 : i32
      %dma_wait3A_155 = arith.constant 0 : i32
      %dma_wait3A_156 = arith.constant 0 : i32
      %dma_wait3A_157 = arith.constant 0 : i32
      %dma_wait3A_158 = tpu.memref_slice %arg10[%dma_wait3A, %dma_wait3A_156, %dma_wait3A_157] : memref<4x72x128xf32, #tpu.memory_space<vmem>> -> memref<1x72x128xf32, #tpu.memory_space<vmem>>
      %dma_wait3A_159 = tpu.memref_squeeze %dma_wait3A_158 : memref<1x72x128xf32, #tpu.memory_space<vmem>> -> memref<72x128xf32, #tpu.memory_space<vmem>>
      %dma_wait3A_160 = arith.constant 0 : i32
      %dma_wait3A_161 = tpu.memref_slice %arg9[%dma_wait3A_155, %dma_wait3A_160] : memref<4x72xi32, #tpu.memory_space<vmem>> -> memref<1x72xi32, #tpu.memory_space<vmem>>
      %dma_wait3A_162 = tpu.memref_squeeze %dma_wait3A_161 : memref<1x72xi32, #tpu.memory_space<vmem>> -> memref<72xi32, #tpu.memory_space<vmem>>
      %dma_wait3A_163 = arith.constant 0 : i32
      %dma_wait3A_164 = arith.constant 0 : i32
      %dma_wait3A_165 = tpu.memref_slice %arg11[%dma_wait3A_163, %dma_wait3A_164] : memref<10112x128xf32, #tpu.memory_space<vmem_shared>> -> memref<10112x128xf32, #tpu.memory_space<vmem_shared>>
      tpu.wait_indirect_dma semaphore(%arg16 : memref<!tpu.dma_semaphore, #tpu.memory_space<semaphore_mem>>) src(%dma_wait3A_159 : memref<72x128xf32, #tpu.memory_space<vmem>>) dst(%dma_wait3A_165 : memref<10112x128xf32, #tpu.memory_space<vmem_shared>>)
      %dma_wait3A_166 = arith.constant 1 : i32
      %dma_wait3A_167 = arith.constant 0 : i32
      %dma_wait3A_168 = arith.constant 0 : i32
      %dma_wait3A_169 = arith.constant 0 : i32
      %dma_wait3A_170 = tpu.memref_slice %arg10[%dma_wait3A_166, %dma_wait3A_168, %dma_wait3A_169] : memref<4x72x128xf32, #tpu.memory_space<vmem>> -> memref<1x72x128xf32, #tpu.memory_space<vmem>>
      %dma_wait3A_171 = tpu.memref_squeeze %dma_wait3A_170 : memref<1x72x128xf32, #tpu.memory_space<vmem>> -> memref<72x128xf32, #tpu.memory_space<vmem>>
      %dma_wait3A_172 = arith.constant 0 : i32
      %dma_wait3A_173 = tpu.memref_slice %arg9[%dma_wait3A_167, %dma_wait3A_172] : memref<4x72xi32, #tpu.memory_space<vmem>> -> memref<1x72xi32, #tpu.memory_space<vmem>>
      %dma_wait3A_174 = tpu.memref_squeeze %dma_wait3A_173 : memref<1x72xi32, #tpu.memory_space<vmem>> -> memref<72xi32, #tpu.memory_space<vmem>>
      %dma_wait3A_175 = arith.constant 0 : i32
      %dma_wait3A_176 = arith.constant 0 : i32
      %dma_wait3A_177 = tpu.memref_slice %arg11[%dma_wait3A_175, %dma_wait3A_176] : memref<10112x128xf32, #tpu.memory_space<vmem_shared>> -> memref<10112x128xf32, #tpu.memory_space<vmem_shared>>
      tpu.wait_indirect_dma semaphore(%arg17 : memref<!tpu.dma_semaphore, #tpu.memory_space<semaphore_mem>>) src(%dma_wait3A_171 : memref<72x128xf32, #tpu.memory_space<vmem>>) dst(%dma_wait3A_177 : memref<10112x128xf32, #tpu.memory_space<vmem_shared>>)
      %dma_wait3A_178 = arith.constant 2 : i32
      %dma_wait3A_179 = arith.constant 0 : i32
      %dma_wait3A_180 = arith.constant 0 : i32
      %dma_wait3A_181 = arith.constant 0 : i32
      %dma_wait3A_182 = tpu.memref_slice %arg10[%dma_wait3A_178, %dma_wait3A_180, %dma_wait3A_181] : memref<4x72x128xf32, #tpu.memory_space<vmem>> -> memref<1x72x128xf32, #tpu.memory_space<vmem>>
      %dma_wait3A_183 = tpu.memref_squeeze %dma_wait3A_182 : memref<1x72x128xf32, #tpu.memory_space<vmem>> -> memref<72x128xf32, #tpu.memory_space<vmem>>
      %dma_wait3A_184 = arith.constant 0 : i32
      %dma_wait3A_185 = tpu.memref_slice %arg9[%dma_wait3A_179, %dma_wait3A_184] : memref<4x72xi32, #tpu.memory_space<vmem>> -> memref<1x72xi32, #tpu.memory_space<vmem>>
      %dma_wait3A_186 = tpu.memref_squeeze %dma_wait3A_185 : memref<1x72xi32, #tpu.memory_space<vmem>> -> memref<72xi32, #tpu.memory_space<vmem>>
      %dma_wait3A_187 = arith.constant 0 : i32
      %dma_wait3A_188 = arith.constant 0 : i32
      %dma_wait3A_189 = tpu.memref_slice %arg11[%dma_wait3A_187, %dma_wait3A_188] : memref<10112x128xf32, #tpu.memory_space<vmem_shared>> -> memref<10112x128xf32, #tpu.memory_space<vmem_shared>>
      tpu.wait_indirect_dma semaphore(%arg18 : memref<!tpu.dma_semaphore, #tpu.memory_space<semaphore_mem>>) src(%dma_wait3A_183 : memref<72x128xf32, #tpu.memory_space<vmem>>) dst(%dma_wait3A_189 : memref<10112x128xf32, #tpu.memory_space<vmem_shared>>)
      %dma_wait3A_190 = arith.constant 3 : i32
      %dma_wait3A_191 = arith.constant 0 : i32
      %dma_wait3A_192 = arith.constant 0 : i32
      %dma_wait3A_193 = arith.constant 0 : i32
      %dma_wait3A_194 = tpu.memref_slice %arg10[%dma_wait3A_190, %dma_wait3A_192, %dma_wait3A_193] : memref<4x72x128xf32, #tpu.memory_space<vmem>> -> memref<1x72x128xf32, #tpu.memory_space<vmem>>
      %dma_wait3A_195 = tpu.memref_squeeze %dma_wait3A_194 : memref<1x72x128xf32, #tpu.memory_space<vmem>> -> memref<72x128xf32, #tpu.memory_space<vmem>>
      %dma_wait3A_196 = arith.constant 0 : i32
      %dma_wait3A_197 = tpu.memref_slice %arg9[%dma_wait3A_191, %dma_wait3A_196] : memref<4x72xi32, #tpu.memory_space<vmem>> -> memref<1x72xi32, #tpu.memory_space<vmem>>
      %dma_wait3A_198 = tpu.memref_squeeze %dma_wait3A_197 : memref<1x72xi32, #tpu.memory_space<vmem>> -> memref<72xi32, #tpu.memory_space<vmem>>
      %dma_wait3A_199 = arith.constant 0 : i32
      %dma_wait3A_200 = arith.constant 0 : i32
      %dma_wait3A_201 = tpu.memref_slice %arg11[%dma_wait3A_199, %dma_wait3A_200] : memref<10112x128xf32, #tpu.memory_space<vmem_shared>> -> memref<10112x128xf32, #tpu.memory_space<vmem_shared>>
      tpu.wait_indirect_dma semaphore(%arg19 : memref<!tpu.dma_semaphore, #tpu.memory_space<semaphore_mem>>) src(%dma_wait3A_195 : memref<72x128xf32, #tpu.memory_space<vmem>>) dst(%dma_wait3A_201 : memref<10112x128xf32, #tpu.memory_space<vmem_shared>>)
      %barrier3A_202 = arith.constant 0 : index
      tpu.barrier barrier_id(%barrier3A_202)
      "tpu.region"() ({
        %run_scoped3A_203 = tpu.sem_alloc : memref<!tpu.dma_semaphore, #tpu.memory_space<semaphore_mem>>
        %dma_start3A_204 = arith.constant 0 : i32
        %dma_start3A_205 = tpu.memref_slice %arg7[%mul3A_12, %dma_start3A_204] : memref<10240x128xf32, #tpu.memory_space<hbm>> -> memref<632x128xf32, #tpu.memory_space<hbm>>
        %dma_start3A_206 = arith.constant 0 : i32
        %dma_start3A_207 = tpu.memref_slice %arg11[%mul3A_12, %dma_start3A_206] : memref<10112x128xf32, #tpu.memory_space<vmem_shared>> -> memref<632x128xf32, #tpu.memory_space<vmem_shared>>
        tpu.enqueue_dma source(%dma_start3A_207 : memref<632x128xf32, #tpu.memory_space<vmem_shared>>) target(%dma_start3A_205 : memref<632x128xf32, #tpu.memory_space<hbm>>) target_semaphore(%run_scoped3A_203 : memref<!tpu.dma_semaphore, #tpu.memory_space<semaphore_mem>>)
        %dma_wait3A_208 = arith.constant 0 : i32
        %dma_wait3A_209 = tpu.memref_slice %arg7[%mul3A_12, %dma_wait3A_208] : memref<10240x128xf32, #tpu.memory_space<hbm>> -> memref<632x128xf32, #tpu.memory_space<hbm>>
        %dma_wait3A_210 = arith.constant 0 : i32
        %dma_wait3A_211 = tpu.memref_slice %arg11[%mul3A_12, %dma_wait3A_210] : memref<10112x128xf32, #tpu.memory_space<vmem_shared>> -> memref<632x128xf32, #tpu.memory_space<vmem_shared>>
        tpu.wait_dma2 semaphore(%run_scoped3A_203 : memref<!tpu.dma_semaphore, #tpu.memory_space<semaphore_mem>>) src(%dma_wait3A_211 : memref<632x128xf32, #tpu.memory_space<vmem_shared>>) dst(%dma_wait3A_209 : memref<632x128xf32, #tpu.memory_space<hbm>>)
        tpu.yield
      }) : () -> ()
    } else {
    }
    return
  }
}

module attributes {stable_mosaic.version = 14 : i64} {
  func.func @_stats_body(%arg0: i32, %arg1: memref<2048x256xf32, #tpu.memory_space<vmem>>, %arg2: memref<1x1x2048xi32, #tpu.memory_space<vmem>>, %arg3: memref<64x520xf32, #tpu.memory_space<vmem>>) attributes {dimension_semantics = [#tpu.dimension_semantics<arbitrary>], iteration_bounds = array<i64: 5>, scalar_prefetch = 0 : i64, scratch_operands = 0 : i64, tpu.core_type = #tpu.core_type<tc>, window_params = [{transform_indices = @transform_0, window_bounds = array<i64: 2048, 256>}, {transform_indices = @transform_1, window_bounds = array<i64: 1, 1, 2048>}, {pipeline_mode = #tpu.pipeline_mode<synchronous>, transform_indices = @transform_2, window_bounds = array<i64: 64, 520>}]} {
    %get3A = arith.constant 0 : index
    %get3A_0 = arith.constant 0 : index
    %get3A_1 = vector.load %arg1[%get3A, %get3A_0] : memref<2048x256xf32, #tpu.memory_space<vmem>>, vector<2048x256xf32>
    %get3A_2 = arith.constant 0 : index
    %get3A_3 = arith.constant 0 : index
    %get3A_4 = arith.constant 0 : index
    %get3A_5 = vector.load %arg2[%get3A_2, %get3A_3, %get3A_4] : memref<1x1x2048xi32, #tpu.memory_space<vmem>>, vector<1x1x2048xi32>
    %get3A_6 = vector.shape_cast %get3A_5 : vector<1x1x2048xi32> to vector<1x2048xi32>
    %iota3A = tpu.iota {dimensions = array<i32: 0>} : vector<64x2048xi32>
    %eq3A = vector.broadcast %get3A_6 : vector<1x2048xi32> to vector<64x2048xi32>
    %eq3A_7 = arith.cmpi eq, %iota3A, %eq3A : vector<64x2048xi32>
    %convert_element_type3A = arith.extui %eq3A_7 : vector<64x2048xi1> to vector<64x2048xi32>
    %convert_element_type3A_8 = arith.sitofp %convert_element_type3A : vector<64x2048xi32> to vector<64x2048xf32>
    %mul3A = arith.mulf %get3A_1, %get3A_1 : vector<2048x256xf32>
    %broadcast_in_dim3A = arith.constant 1.000000e+00 : f32
    %broadcast_in_dim3A_9 = vector.broadcast %broadcast_in_dim3A : f32 to vector<2048x8xf32>
    %concatenate3A = tpu.concatenate %get3A_1, %mul3A, %broadcast_in_dim3A_9 in 1 : vector<2048x256xf32>, vector<2048x256xf32>, vector<2048x8xf32> -> vector<2048x520xf32>
    %dot_general3A = arith.constant dense<0.000000e+00> : vector<64x520xf32>
    %dot_general3A_10 = tpu.matmul %convert_element_type3A_8, %concatenate3A, %dot_general3A {dimension_numbers = #tpu.dot_dimension_numbers<[1], [0], [0], [1], [0, 0, 1, 1], [], []>, transpose_lhs_hint = false} : vector<64x2048xf32>, vector<2048x520xf32>, vector<64x520xf32> -> vector<64x520xf32>
    %eq3A_11 = arith.constant 0 : i32
    %eq3A_12 = arith.cmpi eq, %arg0, %eq3A_11 : i32
    %convert_element_type3A_13 = arith.extui %eq3A_12 : i1 to i32
    %cond3A = arith.constant 0 : i32
    %cond3A_14 = arith.cmpi ne, %convert_element_type3A_13, %cond3A : i32
    scf.if %cond3A_14 {
      %swap3A = arith.constant 0 : index
      %swap3A_19 = arith.constant 0 : index
      %swap3A_20 = vector.load %arg3[%swap3A, %swap3A_19] : memref<64x520xf32, #tpu.memory_space<vmem>>, vector<64x520xf32>
      tpu.vector_store %arg3[%swap3A, %swap3A_19], %dot_general3A_10 {strides = array<i32>} : memref<64x520xf32, #tpu.memory_space<vmem>>, vector<64x520xf32>,
    } else {
    }
    %gt3A = arith.constant 0 : i32
    %gt3A_15 = arith.cmpi sgt, %arg0, %gt3A : i32
    %convert_element_type3A_16 = arith.extui %gt3A_15 : i1 to i32
    %cond3A_17 = arith.constant 0 : i32
    %cond3A_18 = arith.cmpi ne, %convert_element_type3A_16, %cond3A_17 : i32
    scf.if %cond3A_18 {
      %get3A_19 = arith.constant 0 : index
      %get3A_20 = arith.constant 0 : index
      %get3A_21 = vector.load %arg3[%get3A_19, %get3A_20] : memref<64x520xf32, #tpu.memory_space<vmem>>, vector<64x520xf32>
      %add3A = arith.addf %get3A_21, %dot_general3A_10 : vector<64x520xf32>
      %swap3A = arith.constant 0 : index
      %swap3A_22 = arith.constant 0 : index
      %swap3A_23 = vector.load %arg3[%swap3A, %swap3A_22] : memref<64x520xf32, #tpu.memory_space<vmem>>, vector<64x520xf32>
      tpu.vector_store %arg3[%swap3A, %swap3A_22], %add3A {strides = array<i32>} : memref<64x520xf32, #tpu.memory_space<vmem>>, vector<64x520xf32>,
    } else {
    }
    return
  }
  func.func @transform_0(%arg0: i32) -> (i32, i32) {
    %c0_i32 = arith.constant 0 : i32
    %c0_i32_0 = arith.constant 0 : i32
    return %arg0, %c0_i32 : i32, i32
  }
  func.func @transform_1(%arg0: i32) -> (i32, i32, i32) {
    %c0_i32 = arith.constant 0 : i32
    %c0_i32_0 = arith.constant 0 : i32
    %c0_i32_1 = arith.constant 0 : i32
    return %arg0, %c0_i32, %c0_i32_0 : i32, i32, i32
  }
  func.func @transform_2(%arg0: i32) -> (i32, i32) {
    %c0_i32 = arith.constant 0 : i32
    %c0_i32_0 = arith.constant 0 : i32
    %c0_i32_1 = arith.constant 0 : i32
    return %c0_i32, %c0_i32_0 : i32, i32
  }
}

module attributes {stable_mosaic.version = 14 : i64} {
  func.func @_apply1_body(%arg0: i32, %arg1: memref<2048x256xf32, #tpu.memory_space<vmem>>, %arg2: memref<1x1x2048xi32, #tpu.memory_space<vmem>>, %arg3: memref<64x520xf32, #tpu.memory_space<vmem>>, %arg4: memref<1x256xf32, #tpu.memory_space<vmem>>, %arg5: memref<1x256xf32, #tpu.memory_space<vmem>>, %arg6: memref<1x256xf32, #tpu.memory_space<vmem>>, %arg7: memref<256x256xf32, #tpu.memory_space<vmem>>, %arg8: memref<2048x128xf32, #tpu.memory_space<vmem>>, %arg9: memref<2048x128xf32, #tpu.memory_space<vmem>>, %arg10: memref<2048x256xf32, #tpu.memory_space<vmem>>) attributes {dimension_semantics = [#tpu.dimension_semantics<arbitrary>], iteration_bounds = array<i64: 5>, scalar_prefetch = 0 : i64, scratch_operands = 0 : i64, tpu.core_type = #tpu.core_type<tc>, window_params = [{transform_indices = @transform_0, window_bounds = array<i64: 2048, 256>}, {transform_indices = @transform_1, window_bounds = array<i64: 1, 1, 2048>}, {pipeline_mode = #tpu.pipeline_mode<synchronous>, transform_indices = @transform_2, window_bounds = array<i64: 64, 520>}, {pipeline_mode = #tpu.pipeline_mode<synchronous>, transform_indices = @transform_3, window_bounds = array<i64: 1, 256>}, {pipeline_mode = #tpu.pipeline_mode<synchronous>, transform_indices = @transform_4, window_bounds = array<i64: 1, 256>}, {pipeline_mode = #tpu.pipeline_mode<synchronous>, transform_indices = @transform_5, window_bounds = array<i64: 1, 256>}, {pipeline_mode = #tpu.pipeline_mode<synchronous>, transform_indices = @transform_6, window_bounds = array<i64: 256, 256>}, {transform_indices = @transform_7, window_bounds = array<i64: 2048, 128>}, {transform_indices = @transform_8, window_bounds = array<i64: 2048, 128>}, {transform_indices = @transform_9, window_bounds = array<i64: 2048, 256>}]} {
    %get3A = arith.constant 0 : index
    %get3A_0 = arith.constant 0 : index
    %get3A_1 = vector.load %arg1[%get3A, %get3A_0] : memref<2048x256xf32, #tpu.memory_space<vmem>>, vector<2048x256xf32>
    %get3A_2 = arith.constant 0 : index
    %get3A_3 = arith.constant 0 : index
    %get3A_4 = arith.constant 0 : index
    %get3A_5 = vector.load %arg2[%get3A_2, %get3A_3, %get3A_4] : memref<1x1x2048xi32, #tpu.memory_space<vmem>>, vector<1x1x2048xi32>
    %get3A_6 = vector.shape_cast %get3A_5 : vector<1x1x2048xi32> to vector<1x2048xi32>
    %iota3A = tpu.iota {dimensions = array<i32: 0>} : vector<64x2048xi32>
    %eq3A = vector.broadcast %get3A_6 : vector<1x2048xi32> to vector<64x2048xi32>
    %eq3A_7 = arith.cmpi eq, %iota3A, %eq3A : vector<64x2048xi32>
    %convert_element_type3A = arith.extui %eq3A_7 : vector<64x2048xi1> to vector<64x2048xi32>
    %convert_element_type3A_8 = arith.sitofp %convert_element_type3A : vector<64x2048xi32> to vector<64x2048xf32>
    %get3A_9 = arith.constant 0 : index
    %get3A_10 = arith.constant 0 : index
    %get3A_11 = vector.load %arg3[%get3A_9, %get3A_10] : memref<64x520xf32, #tpu.memory_space<vmem>>, vector<64x520xf32>
    %get3A_12 = arith.constant 0 : index
    %get3A_13 = arith.constant 0 : index
    %get3A_14 = vector.load %arg4[%get3A_12, %get3A_13] : memref<1x256xf32, #tpu.memory_space<vmem>>, vector<1x256xf32>
    %get3A_15 = arith.constant 0 : index
    %get3A_16 = arith.constant 0 : index
    %get3A_17 = vector.load %arg5[%get3A_15, %get3A_16] : memref<1x256xf32, #tpu.memory_space<vmem>>, vector<1x256xf32>
    %slice3A = vector.extract_strided_slice %get3A_11 {offsets = [0, 0], sizes = [64, 256], strides = [1, 1]} : vector<64x520xf32> to vector<64x256xf32>
    %slice3A_18 = vector.extract_strided_slice %get3A_11 {offsets = [0, 256], sizes = [64, 256], strides = [1, 1]} : vector<64x520xf32> to vector<64x256xf32>
    %slice3A_19 = vector.extract_strided_slice %get3A_11 {offsets = [0, 512], sizes = [64, 1], strides = [1, 1]} : vector<64x520xf32> to vector<64x1xf32>
    %max3A = arith.constant 1.000000e+00 : f32
    %max3A_20 = vector.broadcast %max3A : f32 to vector<64x1xf32>
    %max3A_21 = arith.maximumf %slice3A_19, %max3A_20 : vector<64x1xf32>
    %div3A = vector.broadcast %max3A_21 : vector<64x1xf32> to vector<64x256xf32>
    %div3A_22 = arith.divf %slice3A, %div3A : vector<64x256xf32>
    %mul3A = vector.broadcast %get3A_14 : vector<1x256xf32> to vector<64x256xf32>
    %mul3A_23 = arith.mulf %div3A_22, %mul3A : vector<64x256xf32>
    %div3A_24 = vector.broadcast %max3A_21 : vector<64x1xf32> to vector<64x256xf32>
    %div3A_25 = arith.divf %slice3A_18, %div3A_24 : vector<64x256xf32>
    %mul3A_26 = arith.constant 2.000000e+00 : f32
    %mul3A_27 = vector.broadcast %mul3A_26 : f32 to vector<64x256xf32>
    %mul3A_28 = arith.mulf %mul3A_27, %mul3A_23 : vector<64x256xf32>
    %mul3A_29 = arith.mulf %mul3A_28, %div3A_22 : vector<64x256xf32>
    %sub3A = arith.subf %div3A_25, %mul3A_29 : vector<64x256xf32>
    %mul3A_30 = arith.mulf %mul3A_23, %mul3A_23 : vector<64x256xf32>
    %add3A = arith.addf %sub3A, %mul3A_30 : vector<64x256xf32>
    %add3A_31 = arith.constant 9.99999974E-6 : f32
    %add3A_32 = vector.broadcast %add3A_31 : f32 to vector<64x256xf32>
    %add3A_33 = arith.addf %add3A, %add3A_32 : vector<64x256xf32>
    %rsqrt3A = math.rsqrt %add3A_33 : vector<64x256xf32>
    %mul3A_34 = vector.broadcast %get3A_17 : vector<1x256xf32> to vector<64x256xf32>
    %mul3A_35 = arith.mulf %mul3A_34, %rsqrt3A : vector<64x256xf32>
    %dot_general3A = arith.constant dense<0.000000e+00> : vector<2048x256xf32>
    %dot_general3A_36 = tpu.matmul %convert_element_type3A_8, %mul3A_23, %dot_general3A {dimension_numbers = #tpu.dot_dimension_numbers<[0], [0], [1], [1], [0, 1, 1, 1], [], []>, transpose_lhs_hint = false} : vector<64x2048xf32>, vector<64x256xf32>, vector<2048x256xf32> -> vector<2048x256xf32>
    %sub3A_37 = arith.subf %get3A_1, %dot_general3A_36 : vector<2048x256xf32>
    %dot_general3A_38 = arith.constant dense<0.000000e+00> : vector<2048x256xf32>
    %dot_general3A_39 = tpu.matmul %convert_element_type3A_8, %mul3A_35, %dot_general3A_38 {dimension_numbers = #tpu.dot_dimension_numbers<[0], [0], [1], [1], [0, 1, 1, 1], [], []>, transpose_lhs_hint = false} : vector<64x2048xf32>, vector<64x256xf32>, vector<2048x256xf32> -> vector<2048x256xf32>
    %mul3A_40 = arith.mulf %sub3A_37, %dot_general3A_39 : vector<2048x256xf32>
    %get3A_41 = arith.constant 0 : index
    %get3A_42 = arith.constant 0 : index
    %get3A_43 = vector.load %arg6[%get3A_41, %get3A_42] : memref<1x256xf32, #tpu.memory_space<vmem>>, vector<1x256xf32>
    %add3A_44 = vector.broadcast %get3A_43 : vector<1x256xf32> to vector<2048x256xf32>
    %add3A_45 = arith.addf %mul3A_40, %add3A_44 : vector<2048x256xf32>
    %get3A_46 = arith.constant 0 : index
    %get3A_47 = arith.constant 0 : index
    %get3A_48 = vector.load %arg7[%get3A_46, %get3A_47] : memref<256x256xf32, #tpu.memory_space<vmem>>, vector<256x256xf32>
    %dot_general3A_49 = arith.constant dense<0.000000e+00> : vector<2048x256xf32>
    %dot_general3A_50 = tpu.matmul %add3A_45, %get3A_48, %dot_general3A_49 {dimension_numbers = #tpu.dot_dimension_numbers<[1], [1], [0], [0], [0, 0, 1, 0], [], []>, transpose_lhs_hint = false} : vector<2048x256xf32>, vector<256x256xf32>, vector<2048x256xf32> -> vector<2048x256xf32>
    %swap3A = arith.constant 0 : index
    %swap3A_51 = arith.constant 0 : index
    %swap3A_52 = vector.load %arg10[%swap3A, %swap3A_51] : memref<2048x256xf32, #tpu.memory_space<vmem>>, vector<2048x256xf32>
    tpu.vector_store %arg10[%swap3A, %swap3A_51], %dot_general3A_50 {strides = array<i32>} : memref<2048x256xf32, #tpu.memory_space<vmem>>, vector<2048x256xf32>,
    %slice3A_53 = vector.extract_strided_slice %add3A_45 {offsets = [0, 0], sizes = [2048, 128], strides = [1, 1]} : vector<2048x256xf32> to vector<2048x128xf32>
    %swap3A_54 = arith.constant 0 : index
    %swap3A_55 = arith.constant 0 : index
    %swap3A_56 = vector.load %arg8[%swap3A_54, %swap3A_55] : memref<2048x128xf32, #tpu.memory_space<vmem>>, vector<2048x128xf32>
    tpu.vector_store %arg8[%swap3A_54, %swap3A_55], %slice3A_53 {strides = array<i32>} : memref<2048x128xf32, #tpu.memory_space<vmem>>, vector<2048x128xf32>,
    %slice3A_57 = vector.extract_strided_slice %add3A_45 {offsets = [0, 128], sizes = [2048, 128], strides = [1, 1]} : vector<2048x256xf32> to vector<2048x128xf32>
    %swap3A_58 = arith.constant 0 : index
    %swap3A_59 = arith.constant 0 : index
    %swap3A_60 = vector.load %arg9[%swap3A_58, %swap3A_59] : memref<2048x128xf32, #tpu.memory_space<vmem>>, vector<2048x128xf32>
    tpu.vector_store %arg9[%swap3A_58, %swap3A_59], %slice3A_57 {strides = array<i32>} : memref<2048x128xf32, #tpu.memory_space<vmem>>, vector<2048x128xf32>,
    return
  }
  func.func @transform_0(%arg0: i32) -> (i32, i32) {
    %c0_i32 = arith.constant 0 : i32
    %c0_i32_0 = arith.constant 0 : i32
    return %arg0, %c0_i32 : i32, i32
  }
  func.func @transform_1(%arg0: i32) -> (i32, i32, i32) {
    %c0_i32 = arith.constant 0 : i32
    %c0_i32_0 = arith.constant 0 : i32
    %c0_i32_1 = arith.constant 0 : i32
    return %arg0, %c0_i32, %c0_i32_0 : i32, i32, i32
  }
  func.func @transform_2(%arg0: i32) -> (i32, i32) {
    %c0_i32 = arith.constant 0 : i32
    %c0_i32_0 = arith.constant 0 : i32
    %c0_i32_1 = arith.constant 0 : i32
    return %c0_i32, %c0_i32_0 : i32, i32
  }
  func.func @transform_3(%arg0: i32) -> (i32, i32) {
    %c0_i32 = arith.constant 0 : i32
    %c0_i32_0 = arith.constant 0 : i32
    %c0_i32_1 = arith.constant 0 : i32
    return %c0_i32, %c0_i32_0 : i32, i32
  }
  func.func @transform_4(%arg0: i32) -> (i32, i32) {
    %c0_i32 = arith.constant 0 : i32
    %c0_i32_0 = arith.constant 0 : i32
    %c0_i32_1 = arith.constant 0 : i32
    return %c0_i32, %c0_i32_0 : i32, i32
  }
  func.func @transform_5(%arg0: i32) -> (i32, i32) {
    %c0_i32 = arith.constant 0 : i32
    %c0_i32_0 = arith.constant 0 : i32
    %c0_i32_1 = arith.constant 0 : i32
    return %c0_i32, %c0_i32_0 : i32, i32
  }
  func.func @transform_6(%arg0: i32) -> (i32, i32) {
    %c0_i32 = arith.constant 0 : i32
    %c0_i32_0 = arith.constant 0 : i32
    %c0_i32_1 = arith.constant 0 : i32
    return %c0_i32, %c0_i32_0 : i32, i32
  }
  func.func @transform_7(%arg0: i32) -> (i32, i32) {
    %c0_i32 = arith.constant 0 : i32
    %c0_i32_0 = arith.constant 0 : i32
    return %arg0, %c0_i32 : i32, i32
  }
  func.func @transform_8(%arg0: i32) -> (i32, i32) {
    %c0_i32 = arith.constant 0 : i32
    %c0_i32_0 = arith.constant 0 : i32
    return %arg0, %c0_i32 : i32, i32
  }
  func.func @transform_9(%arg0: i32) -> (i32, i32) {
    %c0_i32 = arith.constant 0 : i32
    %c0_i32_0 = arith.constant 0 : i32
    return %arg0, %c0_i32 : i32, i32
  }
}

module attributes {stable_mosaic.version = 14 : i64} {
  func.func @_deg_body(%arg0: i32, %arg1: memref<1x4096x1xi32, #tpu.memory_space<vmem>>, %arg2: memref<80x128xf32, #tpu.memory_space<vmem>>) attributes {dimension_semantics = [#tpu.dimension_semantics<arbitrary>], iteration_bounds = array<i64: 40>, scalar_prefetch = 0 : i64, scratch_operands = 0 : i64, tpu.core_type = #tpu.core_type<tc>, window_params = [{transform_indices = @transform_0, window_bounds = array<i64: 1, 4096, 1>}, {pipeline_mode = #tpu.pipeline_mode<synchronous>, transform_indices = @transform_1, window_bounds = array<i64: 80, 128>}]} {
    %get3A = arith.constant 0 : index
    %get3A_0 = arith.constant 0 : index
    %get3A_1 = arith.constant 0 : index
    %get3A_2 = vector.load %arg1[%get3A, %get3A_0, %get3A_1] : memref<1x4096x1xi32, #tpu.memory_space<vmem>>, vector<1x4096x1xi32>
    %get3A_3 = vector.shape_cast %get3A_2 : vector<1x4096x1xi32> to vector<4096x1xi32>
    %jit3A = arith.constant 128 : i32
    %div3A = vector.broadcast %jit3A : i32 to vector<4096x1xi32>
    %div3A_4 = arith.divsi %get3A_3, %div3A : vector<4096x1xi32>
    %sign3A = arith.constant 0 : i32
    %sign3A_5 = vector.broadcast %sign3A : i32 to vector<4096x1xi32>
    %sign3A_6 = arith.cmpi sgt, %get3A_3, %sign3A_5 : vector<4096x1xi32>
    %sign3A_7 = arith.extui %sign3A_6 : vector<4096x1xi1> to vector<4096x1xi32>
    %sign3A_8 = arith.constant 0 : i32
    %sign3A_9 = vector.broadcast %sign3A_8 : i32 to vector<4096x1xi32>
    %sign3A_10 = arith.cmpi slt, %get3A_3, %sign3A_9 : vector<4096x1xi32>
    %sign3A_11 = arith.extui %sign3A_10 : vector<4096x1xi1> to vector<4096x1xi32>
    %sign3A_12 = arith.subi %sign3A_7, %sign3A_11 : vector<4096x1xi32>
    %sign3A_13 = arith.constant 0 : i32
    %sign3A_14 = arith.cmpi sgt, %jit3A, %sign3A_13 : i32
    %sign3A_15 = arith.extui %sign3A_14 : i1 to i32
    %sign3A_16 = arith.constant 0 : i32
    %sign3A_17 = arith.cmpi slt, %jit3A, %sign3A_16 : i32
    %sign3A_18 = arith.extui %sign3A_17 : i1 to i32
    %sign3A_19 = arith.subi %sign3A_15, %sign3A_18 : i32
    %ne3A = vector.broadcast %sign3A_19 : i32 to vector<4096x1xi32>
    %ne3A_20 = arith.cmpi ne, %sign3A_12, %ne3A : vector<4096x1xi32>
    %rem3A = vector.broadcast %jit3A : i32 to vector<4096x1xi32>
    %rem3A_21 = arith.remsi %get3A_3, %rem3A : vector<4096x1xi32>
    %ne3A_22 = arith.constant 0 : i32
    %ne3A_23 = vector.broadcast %ne3A_22 : i32 to vector<4096x1xi32>
    %ne3A_24 = arith.cmpi ne, %rem3A_21, %ne3A_23 : vector<4096x1xi32>
    %and3A = arith.andi %ne3A_20, %ne3A_24 : vector<4096x1xi1>
    %sub3A = arith.constant 1 : i32
    %sub3A_25 = vector.broadcast %sub3A : i32 to vector<4096x1xi32>
    %sub3A_26 = arith.subi %div3A_4, %sub3A_25 : vector<4096x1xi32>
    %select_n3A = arith.select %and3A, %sub3A_26, %div3A_4 : vector<4096x1xi1>, vector<4096x1xi32>
    %mul3A = arith.constant 128 : i32
    %mul3A_27 = vector.broadcast %mul3A : i32 to vector<4096x1xi32>
    %mul3A_28 = arith.muli %select_n3A, %mul3A_27 : vector<4096x1xi32>
    %sub3A_29 = arith.subi %get3A_3, %mul3A_28 : vector<4096x1xi32>
    %iota3A = tpu.iota {dimensions = array<i32: 1>} : vector<4096x80xi32>
    %eq3A = vector.broadcast %select_n3A : vector<4096x1xi32> to vector<4096x80xi32>
    %eq3A_30 = arith.cmpi eq, %iota3A, %eq3A : vector<4096x80xi32>
    %convert_element_type3A = arith.extui %eq3A_30 : vector<4096x80xi1> to vector<4096x80xi32>
    %convert_element_type3A_31 = arith.sitofp %convert_element_type3A : vector<4096x80xi32> to vector<4096x80xf32>
    %convert_element_type3A_32 = arith.truncf %convert_element_type3A_31 : vector<4096x80xf32> to vector<4096x80xbf16>
    %iota3A_33 = tpu.iota {dimensions = array<i32: 1>} : vector<4096x128xi32>
    %eq3A_34 = vector.broadcast %sub3A_29 : vector<4096x1xi32> to vector<4096x128xi32>
    %eq3A_35 = arith.cmpi eq, %iota3A_33, %eq3A_34 : vector<4096x128xi32>
    %convert_element_type3A_36 = arith.extui %eq3A_35 : vector<4096x128xi1> to vector<4096x128xi32>
    %convert_element_type3A_37 = arith.sitofp %convert_element_type3A_36 : vector<4096x128xi32> to vector<4096x128xf32>
    %convert_element_type3A_38 = arith.truncf %convert_element_type3A_37 : vector<4096x128xf32> to vector<4096x128xbf16>
    %dot_general3A = arith.constant dense<0.000000e+00> : vector<80x128xf32>
    %dot_general3A_39 = tpu.matmul %convert_element_type3A_32, %convert_element_type3A_38, %dot_general3A {dimension_numbers = #tpu.dot_dimension_numbers<[0], [0], [1], [1], [0, 1, 1, 1], [], []>, transpose_lhs_hint = false} : vector<4096x80xbf16>, vector<4096x128xbf16>, vector<80x128xf32> -> vector<80x128xf32>
    %eq3A_40 = arith.constant 0 : i32
    %eq3A_41 = arith.cmpi eq, %arg0, %eq3A_40 : i32
    %convert_element_type3A_42 = arith.extui %eq3A_41 : i1 to i32
    %cond3A = arith.constant 0 : i32
    %cond3A_43 = arith.cmpi ne, %convert_element_type3A_42, %cond3A : i32
    scf.if %cond3A_43 {
      %swap3A = arith.constant 0 : index
      %swap3A_48 = arith.constant 0 : index
      %swap3A_49 = vector.load %arg2[%swap3A, %swap3A_48] : memref<80x128xf32, #tpu.memory_space<vmem>>, vector<80x128xf32>
      tpu.vector_store %arg2[%swap3A, %swap3A_48], %dot_general3A_39 {strides = array<i32>} : memref<80x128xf32, #tpu.memory_space<vmem>>, vector<80x128xf32>,
    } else {
    }
    %gt3A = arith.constant 0 : i32
    %gt3A_44 = arith.cmpi sgt, %arg0, %gt3A : i32
    %convert_element_type3A_45 = arith.extui %gt3A_44 : i1 to i32
    %cond3A_46 = arith.constant 0 : i32
    %cond3A_47 = arith.cmpi ne, %convert_element_type3A_45, %cond3A_46 : i32
    scf.if %cond3A_47 {
      %get3A_48 = arith.constant 0 : index
      %get3A_49 = arith.constant 0 : index
      %get3A_50 = vector.load %arg2[%get3A_48, %get3A_49] : memref<80x128xf32, #tpu.memory_space<vmem>>, vector<80x128xf32>
      %add3A = arith.addf %get3A_50, %dot_general3A_39 : vector<80x128xf32>
      %swap3A = arith.constant 0 : index
      %swap3A_51 = arith.constant 0 : index
      %swap3A_52 = vector.load %arg2[%swap3A, %swap3A_51] : memref<80x128xf32, #tpu.memory_space<vmem>>, vector<80x128xf32>
      tpu.vector_store %arg2[%swap3A, %swap3A_51], %add3A {strides = array<i32>} : memref<80x128xf32, #tpu.memory_space<vmem>>, vector<80x128xf32>,
    } else {
    }
    return
  }
  func.func @transform_0(%arg0: i32) -> (i32, i32, i32) {
    %c0_i32 = arith.constant 0 : i32
    %c0_i32_0 = arith.constant 0 : i32
    %c0_i32_1 = arith.constant 0 : i32
    return %arg0, %c0_i32, %c0_i32_0 : i32, i32, i32
  }
  func.func @transform_1(%arg0: i32) -> (i32, i32) {
    %c0_i32 = arith.constant 0 : i32
    %c0_i32_0 = arith.constant 0 : i32
    %c0_i32_1 = arith.constant 0 : i32
    return %c0_i32, %c0_i32_0 : i32, i32
  }
}

module attributes {stable_mosaic.version = 14 : i64} {
  func.func @_combine_body(%arg0: i32, %arg1: memref<2048x256xf32, #tpu.memory_space<vmem>>, %arg2: memref<1x1x2048xi32, #tpu.memory_space<vmem>>, %arg3: memref<2048x128xf32, #tpu.memory_space<vmem>>, %arg4: memref<2048x128xf32, #tpu.memory_space<vmem>>, %arg5: memref<2048x1xf32, #tpu.memory_space<vmem>>, %arg6: memref<2048x256xf32, #tpu.memory_space<vmem>>, %arg7: memref<256x256xf32, #tpu.memory_space<vmem>>, %arg8: memref<1x256xf32, #tpu.memory_space<vmem>>, %arg9: memref<2048x256xf32, #tpu.memory_space<vmem>>, %arg10: memref<64x520xf32, #tpu.memory_space<vmem>>) attributes {dimension_semantics = [#tpu.dimension_semantics<arbitrary>], iteration_bounds = array<i64: 5>, scalar_prefetch = 0 : i64, scratch_operands = 0 : i64, tpu.core_type = #tpu.core_type<tc>, window_params = [{transform_indices = @transform_0, window_bounds = array<i64: 2048, 256>}, {transform_indices = @transform_1, window_bounds = array<i64: 1, 1, 2048>}, {transform_indices = @transform_2, window_bounds = array<i64: 2048, 128>}, {transform_indices = @transform_3, window_bounds = array<i64: 2048, 128>}, {transform_indices = @transform_4, window_bounds = array<i64: 2048, 1>}, {transform_indices = @transform_5, window_bounds = array<i64: 2048, 256>}, {pipeline_mode = #tpu.pipeline_mode<synchronous>, transform_indices = @transform_6, window_bounds = array<i64: 256, 256>}, {pipeline_mode = #tpu.pipeline_mode<synchronous>, transform_indices = @transform_7, window_bounds = array<i64: 1, 256>}, {transform_indices = @transform_8, window_bounds = array<i64: 2048, 256>}, {pipeline_mode = #tpu.pipeline_mode<synchronous>, transform_indices = @transform_9, window_bounds = array<i64: 64, 520>}]} {
    %get3A = arith.constant 0 : index
    %get3A_0 = arith.constant 0 : index
    %get3A_1 = vector.load %arg3[%get3A, %get3A_0] : memref<2048x128xf32, #tpu.memory_space<vmem>>, vector<2048x128xf32>
    %get3A_2 = arith.constant 0 : index
    %get3A_3 = arith.constant 0 : index
    %get3A_4 = vector.load %arg4[%get3A_2, %get3A_3] : memref<2048x128xf32, #tpu.memory_space<vmem>>, vector<2048x128xf32>
    %concatenate3A = tpu.concatenate %get3A_1, %get3A_4 in 1 : vector<2048x128xf32>, vector<2048x128xf32> -> vector<2048x256xf32>
    %get3A_5 = arith.constant 0 : index
    %get3A_6 = arith.constant 0 : index
    %get3A_7 = vector.load %arg5[%get3A_5, %get3A_6] : memref<2048x1xf32, #tpu.memory_space<vmem>>, vector<2048x1xf32>
    %max3A = arith.constant 1.000000e+00 : f32
    %max3A_8 = vector.broadcast %max3A : f32 to vector<2048x1xf32>
    %max3A_9 = arith.maximumf %get3A_7, %max3A_8 : vector<2048x1xf32>
    %div3A = vector.broadcast %max3A_9 : vector<2048x1xf32> to vector<2048x256xf32>
    %div3A_10 = arith.divf %concatenate3A, %div3A : vector<2048x256xf32>
    %get3A_11 = arith.constant 0 : index
    %get3A_12 = arith.constant 0 : index
    %get3A_13 = vector.load %arg7[%get3A_11, %get3A_12] : memref<256x256xf32, #tpu.memory_space<vmem>>, vector<256x256xf32>
    %dot_general3A = arith.constant dense<0.000000e+00> : vector<2048x256xf32>
    %dot_general3A_14 = tpu.matmul %div3A_10, %get3A_13, %dot_general3A {dimension_numbers = #tpu.dot_dimension_numbers<[1], [1], [0], [0], [0, 0, 1, 0], [], []>, transpose_lhs_hint = false} : vector<2048x256xf32>, vector<256x256xf32>, vector<2048x256xf32> -> vector<2048x256xf32>
    %get3A_15 = arith.constant 0 : index
    %get3A_16 = arith.constant 0 : index
    %get3A_17 = vector.load %arg1[%get3A_15, %get3A_16] : memref<2048x256xf32, #tpu.memory_space<vmem>>, vector<2048x256xf32>
    %add3A = arith.addf %get3A_17, %dot_general3A_14 : vector<2048x256xf32>
    %get3A_18 = arith.constant 0 : index
    %get3A_19 = arith.constant 0 : index
    %get3A_20 = vector.load %arg8[%get3A_18, %get3A_19] : memref<1x256xf32, #tpu.memory_space<vmem>>, vector<1x256xf32>
    %add3A_21 = vector.broadcast %get3A_20 : vector<1x256xf32> to vector<2048x256xf32>
    %add3A_22 = arith.addf %add3A, %add3A_21 : vector<2048x256xf32>
    %get3A_23 = arith.constant 0 : index
    %get3A_24 = arith.constant 0 : index
    %get3A_25 = vector.load %arg6[%get3A_23, %get3A_24] : memref<2048x256xf32, #tpu.memory_space<vmem>>, vector<2048x256xf32>
    %add3A_26 = arith.addf %add3A_22, %get3A_25 : vector<2048x256xf32>
    %max3A_27 = arith.constant 0.000000e+00 : f32
    %max3A_28 = vector.broadcast %max3A_27 : f32 to vector<2048x256xf32>
    %max3A_29 = arith.maximumf %add3A_26, %max3A_28 : vector<2048x256xf32>
    %swap3A = arith.constant 0 : index
    %swap3A_30 = arith.constant 0 : index
    %swap3A_31 = vector.load %arg9[%swap3A, %swap3A_30] : memref<2048x256xf32, #tpu.memory_space<vmem>>, vector<2048x256xf32>
    tpu.vector_store %arg9[%swap3A, %swap3A_30], %max3A_29 {strides = array<i32>} : memref<2048x256xf32, #tpu.memory_space<vmem>>, vector<2048x256xf32>,
    %get3A_32 = arith.constant 0 : index
    %get3A_33 = arith.constant 0 : index
    %get3A_34 = arith.constant 0 : index
    %get3A_35 = vector.load %arg2[%get3A_32, %get3A_33, %get3A_34] : memref<1x1x2048xi32, #tpu.memory_space<vmem>>, vector<1x1x2048xi32>
    %get3A_36 = vector.shape_cast %get3A_35 : vector<1x1x2048xi32> to vector<1x2048xi32>
    %iota3A = tpu.iota {dimensions = array<i32: 0>} : vector<64x2048xi32>
    %eq3A = vector.broadcast %get3A_36 : vector<1x2048xi32> to vector<64x2048xi32>
    %eq3A_37 = arith.cmpi eq, %iota3A, %eq3A : vector<64x2048xi32>
    %convert_element_type3A = arith.extui %eq3A_37 : vector<64x2048xi1> to vector<64x2048xi32>
    %convert_element_type3A_38 = arith.sitofp %convert_element_type3A : vector<64x2048xi32> to vector<64x2048xf32>
    %mul3A = arith.mulf %max3A_29, %max3A_29 : vector<2048x256xf32>
    %broadcast_in_dim3A = arith.constant 1.000000e+00 : f32
    %broadcast_in_dim3A_39 = vector.broadcast %broadcast_in_dim3A : f32 to vector<2048x8xf32>
    %concatenate3A_40 = tpu.concatenate %max3A_29, %mul3A, %broadcast_in_dim3A_39 in 1 : vector<2048x256xf32>, vector<2048x256xf32>, vector<2048x8xf32> -> vector<2048x520xf32>
    %dot_general3A_41 = arith.constant dense<0.000000e+00> : vector<64x520xf32>
    %dot_general3A_42 = tpu.matmul %convert_element_type3A_38, %concatenate3A_40, %dot_general3A_41 {dimension_numbers = #tpu.dot_dimension_numbers<[1], [0], [0], [1], [0, 0, 1, 1], [], []>, transpose_lhs_hint = false} : vector<64x2048xf32>, vector<2048x520xf32>, vector<64x520xf32> -> vector<64x520xf32>
    %eq3A_43 = arith.constant 0 : i32
    %eq3A_44 = arith.cmpi eq, %arg0, %eq3A_43 : i32
    %convert_element_type3A_45 = arith.extui %eq3A_44 : i1 to i32
    %cond3A = arith.constant 0 : i32
    %cond3A_46 = arith.cmpi ne, %convert_element_type3A_45, %cond3A : i32
    scf.if %cond3A_46 {
      %swap3A_51 = arith.constant 0 : index
      %swap3A_52 = arith.constant 0 : index
      %swap3A_53 = vector.load %arg10[%swap3A_51, %swap3A_52] : memref<64x520xf32, #tpu.memory_space<vmem>>, vector<64x520xf32>
      tpu.vector_store %arg10[%swap3A_51, %swap3A_52], %dot_general3A_42 {strides = array<i32>} : memref<64x520xf32, #tpu.memory_space<vmem>>, vector<64x520xf32>,
    } else {
    }
    %gt3A = arith.constant 0 : i32
    %gt3A_47 = arith.cmpi sgt, %arg0, %gt3A : i32
    %convert_element_type3A_48 = arith.extui %gt3A_47 : i1 to i32
    %cond3A_49 = arith.constant 0 : i32
    %cond3A_50 = arith.cmpi ne, %convert_element_type3A_48, %cond3A_49 : i32
    scf.if %cond3A_50 {
      %get3A_51 = arith.constant 0 : index
      %get3A_52 = arith.constant 0 : index
      %get3A_53 = vector.load %arg10[%get3A_51, %get3A_52] : memref<64x520xf32, #tpu.memory_space<vmem>>, vector<64x520xf32>
      %add3A_54 = arith.addf %get3A_53, %dot_general3A_42 : vector<64x520xf32>
      %swap3A_55 = arith.constant 0 : index
      %swap3A_56 = arith.constant 0 : index
      %swap3A_57 = vector.load %arg10[%swap3A_55, %swap3A_56] : memref<64x520xf32, #tpu.memory_space<vmem>>, vector<64x520xf32>
      tpu.vector_store %arg10[%swap3A_55, %swap3A_56], %add3A_54 {strides = array<i32>} : memref<64x520xf32, #tpu.memory_space<vmem>>, vector<64x520xf32>,
    } else {
    }
    return
  }
  func.func @transform_0(%arg0: i32) -> (i32, i32) {
    %c0_i32 = arith.constant 0 : i32
    %c0_i32_0 = arith.constant 0 : i32
    return %arg0, %c0_i32 : i32, i32
  }
  func.func @transform_1(%arg0: i32) -> (i32, i32, i32) {
    %c0_i32 = arith.constant 0 : i32
    %c0_i32_0 = arith.constant 0 : i32
    %c0_i32_1 = arith.constant 0 : i32
    return %arg0, %c0_i32, %c0_i32_0 : i32, i32, i32
  }
  func.func @transform_2(%arg0: i32) -> (i32, i32) {
    %c0_i32 = arith.constant 0 : i32
    %c0_i32_0 = arith.constant 0 : i32
    return %arg0, %c0_i32 : i32, i32
  }
  func.func @transform_3(%arg0: i32) -> (i32, i32) {
    %c0_i32 = arith.constant 0 : i32
    %c0_i32_0 = arith.constant 0 : i32
    return %arg0, %c0_i32 : i32, i32
  }
  func.func @transform_4(%arg0: i32) -> (i32, i32) {
    %c0_i32 = arith.constant 0 : i32
    %c0_i32_0 = arith.constant 0 : i32
    return %arg0, %c0_i32 : i32, i32
  }
  func.func @transform_5(%arg0: i32) -> (i32, i32) {
    %c0_i32 = arith.constant 0 : i32
    %c0_i32_0 = arith.constant 0 : i32
    return %arg0, %c0_i32 : i32, i32
  }
  func.func @transform_6(%arg0: i32) -> (i32, i32) {
    %c0_i32 = arith.constant 0 : i32
    %c0_i32_0 = arith.constant 0 : i32
    %c0_i32_1 = arith.constant 0 : i32
    return %c0_i32, %c0_i32_0 : i32, i32
  }
  func.func @transform_7(%arg0: i32) -> (i32, i32) {
    %c0_i32 = arith.constant 0 : i32
    %c0_i32_0 = arith.constant 0 : i32
    %c0_i32_1 = arith.constant 0 : i32
    return %c0_i32, %c0_i32_0 : i32, i32
  }
  func.func @transform_8(%arg0: i32) -> (i32, i32) {
    %c0_i32 = arith.constant 0 : i32
    %c0_i32_0 = arith.constant 0 : i32
    return %arg0, %c0_i32 : i32, i32
  }
  func.func @transform_9(%arg0: i32) -> (i32, i32) {
    %c0_i32 = arith.constant 0 : i32
    %c0_i32_0 = arith.constant 0 : i32
    %c0_i32_1 = arith.constant 0 : i32
    return %c0_i32, %c0_i32_0 : i32, i32
  }
}

module attributes {stable_mosaic.version = 14 : i64} {
  func.func @_apply2_body(%arg0: i32, %arg1: memref<2048x256xf32, #tpu.memory_space<vmem>>, %arg2: memref<1x1x2048xi32, #tpu.memory_space<vmem>>, %arg3: memref<64x520xf32, #tpu.memory_space<vmem>>, %arg4: memref<1x256xf32, #tpu.memory_space<vmem>>, %arg5: memref<1x256xf32, #tpu.memory_space<vmem>>, %arg6: memref<1x256xf32, #tpu.memory_space<vmem>>, %arg7: memref<2048x256xf32, #tpu.memory_space<vmem>>) attributes {dimension_semantics = [#tpu.dimension_semantics<arbitrary>], iteration_bounds = array<i64: 5>, scalar_prefetch = 0 : i64, scratch_operands = 0 : i64, tpu.core_type = #tpu.core_type<tc>, window_params = [{transform_indices = @transform_0, window_bounds = array<i64: 2048, 256>}, {transform_indices = @transform_1, window_bounds = array<i64: 1, 1, 2048>}, {pipeline_mode = #tpu.pipeline_mode<synchronous>, transform_indices = @transform_2, window_bounds = array<i64: 64, 520>}, {pipeline_mode = #tpu.pipeline_mode<synchronous>, transform_indices = @transform_3, window_bounds = array<i64: 1, 256>}, {pipeline_mode = #tpu.pipeline_mode<synchronous>, transform_indices = @transform_4, window_bounds = array<i64: 1, 256>}, {pipeline_mode = #tpu.pipeline_mode<synchronous>, transform_indices = @transform_5, window_bounds = array<i64: 1, 256>}, {transform_indices = @transform_6, window_bounds = array<i64: 2048, 256>}]} {
    %get3A = arith.constant 0 : index
    %get3A_0 = arith.constant 0 : index
    %get3A_1 = vector.load %arg1[%get3A, %get3A_0] : memref<2048x256xf32, #tpu.memory_space<vmem>>, vector<2048x256xf32>
    %get3A_2 = arith.constant 0 : index
    %get3A_3 = arith.constant 0 : index
    %get3A_4 = arith.constant 0 : index
    %get3A_5 = vector.load %arg2[%get3A_2, %get3A_3, %get3A_4] : memref<1x1x2048xi32, #tpu.memory_space<vmem>>, vector<1x1x2048xi32>
    %get3A_6 = vector.shape_cast %get3A_5 : vector<1x1x2048xi32> to vector<1x2048xi32>
    %iota3A = tpu.iota {dimensions = array<i32: 0>} : vector<64x2048xi32>
    %eq3A = vector.broadcast %get3A_6 : vector<1x2048xi32> to vector<64x2048xi32>
    %eq3A_7 = arith.cmpi eq, %iota3A, %eq3A : vector<64x2048xi32>
    %convert_element_type3A = arith.extui %eq3A_7 : vector<64x2048xi1> to vector<64x2048xi32>
    %convert_element_type3A_8 = arith.sitofp %convert_element_type3A : vector<64x2048xi32> to vector<64x2048xf32>
    %get3A_9 = arith.constant 0 : index
    %get3A_10 = arith.constant 0 : index
    %get3A_11 = vector.load %arg3[%get3A_9, %get3A_10] : memref<64x520xf32, #tpu.memory_space<vmem>>, vector<64x520xf32>
    %get3A_12 = arith.constant 0 : index
    %get3A_13 = arith.constant 0 : index
    %get3A_14 = vector.load %arg4[%get3A_12, %get3A_13] : memref<1x256xf32, #tpu.memory_space<vmem>>, vector<1x256xf32>
    %get3A_15 = arith.constant 0 : index
    %get3A_16 = arith.constant 0 : index
    %get3A_17 = vector.load %arg5[%get3A_15, %get3A_16] : memref<1x256xf32, #tpu.memory_space<vmem>>, vector<1x256xf32>
    %slice3A = vector.extract_strided_slice %get3A_11 {offsets = [0, 0], sizes = [64, 256], strides = [1, 1]} : vector<64x520xf32> to vector<64x256xf32>
    %slice3A_18 = vector.extract_strided_slice %get3A_11 {offsets = [0, 256], sizes = [64, 256], strides = [1, 1]} : vector<64x520xf32> to vector<64x256xf32>
    %slice3A_19 = vector.extract_strided_slice %get3A_11 {offsets = [0, 512], sizes = [64, 1], strides = [1, 1]} : vector<64x520xf32> to vector<64x1xf32>
    %max3A = arith.constant 1.000000e+00 : f32
    %max3A_20 = vector.broadcast %max3A : f32 to vector<64x1xf32>
    %max3A_21 = arith.maximumf %slice3A_19, %max3A_20 : vector<64x1xf32>
    %div3A = vector.broadcast %max3A_21 : vector<64x1xf32> to vector<64x256xf32>
    %div3A_22 = arith.divf %slice3A, %div3A : vector<64x256xf32>
    %mul3A = vector.broadcast %get3A_14 : vector<1x256xf32> to vector<64x256xf32>
    %mul3A_23 = arith.mulf %div3A_22, %mul3A : vector<64x256xf32>
    %div3A_24 = vector.broadcast %max3A_21 : vector<64x1xf32> to vector<64x256xf32>
    %div3A_25 = arith.divf %slice3A_18, %div3A_24 : vector<64x256xf32>
    %mul3A_26 = arith.constant 2.000000e+00 : f32
    %mul3A_27 = vector.broadcast %mul3A_26 : f32 to vector<64x256xf32>
    %mul3A_28 = arith.mulf %mul3A_27, %mul3A_23 : vector<64x256xf32>
    %mul3A_29 = arith.mulf %mul3A_28, %div3A_22 : vector<64x256xf32>
    %sub3A = arith.subf %div3A_25, %mul3A_29 : vector<64x256xf32>
    %mul3A_30 = arith.mulf %mul3A_23, %mul3A_23 : vector<64x256xf32>
    %add3A = arith.addf %sub3A, %mul3A_30 : vector<64x256xf32>
    %add3A_31 = arith.constant 9.99999974E-6 : f32
    %add3A_32 = vector.broadcast %add3A_31 : f32 to vector<64x256xf32>
    %add3A_33 = arith.addf %add3A, %add3A_32 : vector<64x256xf32>
    %rsqrt3A = math.rsqrt %add3A_33 : vector<64x256xf32>
    %mul3A_34 = vector.broadcast %get3A_17 : vector<1x256xf32> to vector<64x256xf32>
    %mul3A_35 = arith.mulf %mul3A_34, %rsqrt3A : vector<64x256xf32>
    %dot_general3A = arith.constant dense<0.000000e+00> : vector<2048x256xf32>
    %dot_general3A_36 = tpu.matmul %convert_element_type3A_8, %mul3A_23, %dot_general3A {dimension_numbers = #tpu.dot_dimension_numbers<[0], [0], [1], [1], [0, 1, 1, 1], [], []>, transpose_lhs_hint = false} : vector<64x2048xf32>, vector<64x256xf32>, vector<2048x256xf32> -> vector<2048x256xf32>
    %sub3A_37 = arith.subf %get3A_1, %dot_general3A_36 : vector<2048x256xf32>
    %dot_general3A_38 = arith.constant dense<0.000000e+00> : vector<2048x256xf32>
    %dot_general3A_39 = tpu.matmul %convert_element_type3A_8, %mul3A_35, %dot_general3A_38 {dimension_numbers = #tpu.dot_dimension_numbers<[0], [0], [1], [1], [0, 1, 1, 1], [], []>, transpose_lhs_hint = false} : vector<64x2048xf32>, vector<64x256xf32>, vector<2048x256xf32> -> vector<2048x256xf32>
    %mul3A_40 = arith.mulf %sub3A_37, %dot_general3A_39 : vector<2048x256xf32>
    %get3A_41 = arith.constant 0 : index
    %get3A_42 = arith.constant 0 : index
    %get3A_43 = vector.load %arg6[%get3A_41, %get3A_42] : memref<1x256xf32, #tpu.memory_space<vmem>>, vector<1x256xf32>
    %add3A_44 = vector.broadcast %get3A_43 : vector<1x256xf32> to vector<2048x256xf32>
    %add3A_45 = arith.addf %mul3A_40, %add3A_44 : vector<2048x256xf32>
    %swap3A = arith.constant 0 : index
    %swap3A_46 = arith.constant 0 : index
    %swap3A_47 = vector.load %arg7[%swap3A, %swap3A_46] : memref<2048x256xf32, #tpu.memory_space<vmem>>, vector<2048x256xf32>
    tpu.vector_store %arg7[%swap3A, %swap3A_46], %add3A_45 {strides = array<i32>} : memref<2048x256xf32, #tpu.memory_space<vmem>>, vector<2048x256xf32>,
    return
  }
  func.func @transform_0(%arg0: i32) -> (i32, i32) {
    %c0_i32 = arith.constant 0 : i32
    %c0_i32_0 = arith.constant 0 : i32
    return %arg0, %c0_i32 : i32, i32
  }
  func.func @transform_1(%arg0: i32) -> (i32, i32, i32) {
    %c0_i32 = arith.constant 0 : i32
    %c0_i32_0 = arith.constant 0 : i32
    %c0_i32_1 = arith.constant 0 : i32
    return %arg0, %c0_i32, %c0_i32_0 : i32, i32, i32
  }
  func.func @transform_2(%arg0: i32) -> (i32, i32) {
    %c0_i32 = arith.constant 0 : i32
    %c0_i32_0 = arith.constant 0 : i32
    %c0_i32_1 = arith.constant 0 : i32
    return %c0_i32, %c0_i32_0 : i32, i32
  }
  func.func @transform_3(%arg0: i32) -> (i32, i32) {
    %c0_i32 = arith.constant 0 : i32
    %c0_i32_0 = arith.constant 0 : i32
    %c0_i32_1 = arith.constant 0 : i32
    return %c0_i32, %c0_i32_0 : i32, i32
  }
  func.func @transform_4(%arg0: i32) -> (i32, i32) {
    %c0_i32 = arith.constant 0 : i32
    %c0_i32_0 = arith.constant 0 : i32
    %c0_i32_1 = arith.constant 0 : i32
    return %c0_i32, %c0_i32_0 : i32, i32
  }
  func.func @transform_5(%arg0: i32) -> (i32, i32) {
    %c0_i32 = arith.constant 0 : i32
    %c0_i32_0 = arith.constant 0 : i32
    %c0_i32_1 = arith.constant 0 : i32
    return %c0_i32, %c0_i32_0 : i32, i32
  }
  func.func @transform_6(%arg0: i32) -> (i32, i32) {
    %c0_i32 = arith.constant 0 : i32
    %c0_i32_0 = arith.constant 0 : i32
    return %arg0, %c0_i32 : i32, i32
  }
}

</mosaic_0001>

<sc_bundles>
// kernel: kernel.8.cloned.1.call-start
scs
__scs_entry_jumppad:
0x0: {  	(pc) =	sbr.rel $0x88, $3  }
0x1: {  	(tag) =	ssettag $0x0;
	lr =	simm.s32 $0x1  }
0x2: {  	[smem:$0x3F95] =	sst lr;
	_ =	strace $0xD0000000  }
0x3: {  	_ = 	snop  }
0x4: {  	_ = 	snop  }
0x5: {  	_ = 	snop  }
0x6: {  	_ = 	snop  }
0x7: {  	_ = 	snop  }
__scs_overlays_trampoline_lowered:
0x8: {  	[smem:$0x3FA4] =	sst s0  }
0x9: {  	[smem:$0x3FA5] =	sst s1  }
0xa: {  	[smem:$0x3FA6] =	sst s2  }
0xb: {  	[smem:$0x3FA7] =	sst s3  }
0xc: {  	[smem:$0x3FA8] =	sst s4  }
0xd: {  	[smem:$0x3FA9] =	sst s5  }
0xe: {  	[smem:$0x3FAA] =	sst s6  }
0xf: {  	[smem:$0x3FAB] =	sst s7  }
0x10: {  	[smem:$0x3FAC] =	sst s8  }
0x11: {  	[smem:$0x3FAD] =	sst s9;
	s0 =	simm.s32 @!p0 $0x0  }
0x12: {  	s1 =	sld [smem:$0x3F93];
	s0 =	simm.s32 @p0 $0x1  }
0x13: {  	[smem:$0x3FAE] =	sst s0;
	s0 =	simm.s32 @!p1 $0x0  }
0x14: {  	s2 =	sld [smem:$0x3F92];
	s0 =	simm.s32 @p1 $0x1  }
0x15: {  	[smem:$0x3FAF] =	sst s0;
	s0 =	simm.s32 @!p2 $0x0  }
0x16: {  	s3 =	sld [smem:$0x3FDB];
	s0 =	simm.s32 @p2 $0x1  }
0x17: {  	s4 =	simm.s32 $0x1BF5;
	[smem:$0x3FB1] =	sst s0  }
0x18: {  	s0 =	sld [smem:$0x3F94];
	_ =	swait.ge [sflag:s4], $0x0  }
0x19: {  	s7 =	sld [smem:$0x3F95]  }
0x1a: {  	s8 =	sadd.s32 $0xFFFFE003, lr  }
0x1b: {  	s9 =	sadd.s32 $0xFFFFFEF7, lr;
	s5 =	simm.s32 $0xFFFFFFFF;
	p2 =	slt.u32 s8, $0xFFFFF086  }
0x1c: {  	p1 =	slt.u32 s9, $0xF7A;
	s5 =	simm.s32 @!p2 $0x0  }
0x1d: {  	s5 =	simm.s32 @p1 $0x1;
	p0 =	seq.s32 s7, s2  }
0x1e: {  	s7 =	smul.u32 @!p0 $0xF7A, s2;
	p2 =	seq.s32 @!p0 s5, $0x0  }
0x1f: {  	s9 =	smul.u32 $0xF7A, s1;
	s8 =	simm.s32 @!p0 $0x1BF5;
	p2 =	por !p2, p0  }
0x20: {  	[sflag:s8] =	ssyncset.s32 @!p0 $0xFFFFF086;
	s6 =	sadd.s32 @!p0 s3, s7;
	s7 =	simm.s32 @!p0 $0x108  }
0x21: {  	s3 =	sadd.s32 s3, s9;
	s6 =	sadd.s32 @!p0 $0x88, s6;
	s7 =	simm.s32 @p2 $0x1082  }
0x22: {  	[simem:s7], [sflag:s8] =	dma.local @!p0 [hbm:s6], $0xF7A  }
0x23: {  	s9 =	sor.u32 $0xD0000000, s2;
	s6 =	simm.s32 $0x108;
	_ =	swait.ge @!p0 [sflag:s8], $0x0  }
0x24: {  	s3 =	sadd.s32 $0x88, s3;
	s6 =	simm.s32 @!p1 $0x1082;
	[sflag:s4] =	ssyncset.s32 $0xFFFFF086  }
0x25: {  	[simem:s6], [sflag:s4] =	dma.local [hbm:s3], $0xF7A  }
0x26: {  	[smem:$0x3F95] =	sst s1;
	(tag) =	ssettag s2;
	_ =	strace s9  }
0x27: {  	s1 =	sld [smem:$0x3FA5]  }
0x28: {  	s2 =	sld [smem:$0x3FA6]  }
0x29: {  	s4 =	sld [smem:$0x3FA8]  }
0x2a: {  	p0 =	seq.s32 s5, $0x0;
	s5 =	sld [smem:$0x3FA9]  }
0x2b: {  	s6 =	sld [smem:$0x3FAA]  }
0x2c: {  	s7 =	sld [smem:$0x3FAB]  }
0x2d: {  	s3 =	simm.s32 $0x108;
	s8 =	sld [smem:$0x3FAC]  }
0x2e: {  	s3 =	simm.s32 @!p0 $0x1082;
	s9 =	sld [smem:$0x3FAD]  }
0x2f: {  	lr =	sadd.s32 s0, s3;
	s0 =	sld [smem:$0x3FA4]  }
0x30: {  	s3 =	sld [smem:$0x3FA7]  }
0x31: {  	[smem:$0x3FB0] =	sst s10  }
0x32: {  	s10 =	sld [smem:$0x3FAE];
	_ =	sdelay $0x3  }
0x33: {  	p0 =	seq.s32 s10, $0x1;
	s10 =	sld [smem:$0x3FB0];
	_ =	sdelay $0x3  }
0x34: {  	[smem:$0x3FB0] =	sst s10  }
0x35: {  	s10 =	sld [smem:$0x3FAF];
	_ =	sdelay $0x3  }
0x36: {  	p1 =	seq.s32 s10, $0x1;
	s10 =	sld [smem:$0x3FB0];
	_ =	sdelay $0x3  }
0x37: {  	[smem:$0x3FB0] =	sst s10  }
0x38: {  	s10 =	sld [smem:$0x3FB1]  }
0x39: {  	_ = 	snop;
	(pc) =	sbr.ind lr, $3  }
0x3a: {  	_ = 	snop  }
0x3b: {  	_ = 	snop  }
0x3c: {  	p2 =	seq.s32 s10, $0x1;
	s10 =	sld [smem:$0x3FB0]  }
0x3d: {  	_ =	shalt  }
0x3e: {  	_ =	shalt  }
0x3f: {  	_ =	shalt  }
0x40: {  	_ =	shalt  }
0x41: {  	_ =	shalt  }
0x42: {  	_ =	shalt  }
0x43: {  	_ =	shalt  }
0x44: {  	_ =	shalt  }
0x45: {  	_ =	shalt  }
0x46: {  	_ =	shalt  }
0x47: {  	_ =	shalt  }
0x48: {  	_ =	shalt  }
0x49: {  	_ =	shalt  }
0x4a: {  	_ =	shalt  }
0x4b: {  	_ =	shalt  }
0x4c: {  	_ =	shalt  }
0x4d: {  	_ =	shalt  }
0x4e: {  	_ =	shalt  }
0x4f: {  	_ =	shalt  }
0x50: {  	_ =	shalt  }
0x51: {  	_ =	shalt  }
0x52: {  	_ =	shalt  }
0x53: {  	_ =	shalt  }
0x54: {  	_ =	shalt  }
0x55: {  	_ =	shalt  }
0x56: {  	_ =	shalt  }
0x57: {  	_ =	shalt  }
0x58: {  	_ =	shalt  }
0x59: {  	_ =	shalt  }
0x5a: {  	_ =	shalt  }
0x5b: {  	_ =	shalt  }
0x5c: {  	_ =	shalt  }
0x5d: {  	_ =	shalt  }
0x5e: {  	_ =	shalt  }
0x5f: {  	_ =	shalt  }
0x60: {  	_ =	shalt  }
0x61: {  	_ =	shalt  }
0x62: {  	_ =	shalt  }
0x63: {  	_ =	shalt  }
0x64: {  	_ =	shalt  }
0x65: {  	_ =	shalt  }
0x66: {  	_ =	shalt  }
0x67: {  	_ =	shalt  }
0x68: {  	_ =	shalt  }
0x69: {  	_ =	shalt  }
0x6a: {  	_ =	shalt  }
0x6b: {  	_ =	shalt  }
0x6c: {  	_ =	shalt  }
0x6d: {  	_ =	shalt  }
0x6e: {  	_ =	shalt  }
0x6f: {  	_ =	shalt  }
0x70: {  	_ =	shalt  }
0x71: {  	_ =	shalt  }
0x72: {  	_ =	shalt  }
0x73: {  	_ =	shalt  }
0x74: {  	_ =	shalt  }
0x75: {  	_ =	shalt  }
0x76: {  	_ =	shalt  }
0x77: {  	_ =	shalt  }
0x78: {  	_ =	shalt  }
0x79: {  	_ =	shalt  }
0x7a: {  	_ =	shalt  }
0x7b: {  	_ =	shalt  }
0x7c: {  	_ =	shalt  }
0x7d: {  	_ =	shalt  }
0x7e: {  	_ =	shalt  }
0x7f: {  	_ =	shalt  }
0x80: {  	_ =	shalt  }
0x81: {  	_ =	shalt  }
0x82: {  	_ =	shalt  }
0x83: {  	_ =	shalt  }
0x84: {  	_ =	shalt  }
0x85: {  	_ =	shalt  }
0x86: {  	_ =	shalt  }
0x87: {  	_ =	shalt  }
.Lfunc_end0:
.L_simem_size_0:
called_computation_lowered:
.L_overlay_start_0:
0x88: {  	s2 =	sld [smem:$0x3FD9]  }
0x89: {  	s3 =	sld [smem:$0x3FFE];
	_ =	sdelay $0x1  }
0x8a: {  	s1 =	srdreg.scid  }
0x8b: {  	s0 =	sand.u32 $0x1, s1  }
0x8c: {  	s17 =	sshll.u32 s0, $0xA;
	s2 =	sadd.s32 s3, s2  }
0x8d: {  	s2 =	sadd.s32 s2, s17  }
0x8e: {  	[smem:$0x3FBC] =	sst s2  }
0x8f: {  	_ = 	snop  }
0x90: {  	s2 =	sld [smem:$0x3FD0];
	(tm) =	ssettm $0x1  }
0x91: {  	s18 =	sld [smem:$0x3FFB];
	_ =	sdelay $0x3  }
0x92: {  	_ =	strace s18  }
0x93: {  	s3 =	sld [smem:$0x3FFC];
	_ =	sdelay $0x3  }
0x94: {  	_ =	strace s3  }
0x95: {  	s3 =	sld [smem:$0x3FFD];
	_ =	sdelay $0x3  }
0x96: {  	_ =	strace s3  }
0x97: {  	_ =	strace $0x8FFFFFFF  }
0x98: {  	s19 =	sld [smem:$0x3FDB];
	_ =	sdelay $0x1  }
0x99: {  	s4 =	simm.s32 $_scs_section_size  }
0x9a: {  	s5 =	simm.s32 $_size__tile_overlayer_lowered;
	s6 =	simm.s32 $_tile_overlayer_lowered  }
0x9b: {  	s22 =	simm.s32 $0x1BFF;
	s21 =	sshll.u32 s6, $0x1;
	s3 =	sadd.s32 s4, s19  }
0x9c: {  	s7 =	simm.s32 $0x0;
	s20 =	sshll.u32 s5, $0x1;
	s5 =	sadd.s32 s21, s3  }
0x9d: {  	[timem:s7], [sflag:s22] =	dma.local [hbm:s5], s20  }
0x9e: {  	_ =	swait.ge [sflag:s22], s20  }
0x9f: {  	s4 =	ssub.s32 $0x0, s20;
	[sflag:s22] =	ssyncset.done $0x0  }
0xa0: {  	[sflag:s22] =	ssyncadd.s32 s4;
	_ =	sdelay $0x1  }
0xa1: {  	s23 =	simm.s32 $0x1B8B  }
0xa2: {  	_ =	swait.ge [sflag:s23], $0x1  }
0xa3: {  	[sflag:s23] =	ssyncset.done $0x0  }
0xa4: {  	s25 =	simm.s32 $0x1B8E;
	s24 =	sld [smem:$0x3FFE];
	[sflag:s23] =	ssyncadd.s32 $0xFFFFFFFF  }
0xa5: {  	s26 =	simm.s32 $execute0_lowered;
	[smem:$0x3FD2] =	sst s25  }
0xa6: {  	s5 =	sshll.u32 s26, $0x1;
	_ =	strace $0x80000046;
	[dreg:$0x1] =	wrdreg $0xFFFFFFFF  }
0xa7: {  	s28 =	simm.s32 $_size_execute0_lowered;
	s3 =	sadd.s32 s3, s5;
	[dreg:$0x0] =	wrdreg $0x0  }
0xa8: {  	s5 =	sshll.u32 s28, $0x1;
	[dreg:$0x2] =	wrdreg s3  }
0xa9: {  	[dreg:$0x3] =	wrdreg s5  }
0xaa: {  	[dreg:$0x4] =	wrdreg $0xC0  }
0xab: {  	_ =	task [dreg:s7], $0x5FFFF  }
0xac: {  	[dreg:$0x1] =	wrdreg $0xFFFFFFFF  }
0xad: {  	[dreg:$0x0] =	wrdreg $0x60  }
0xae: {  	[dreg:$0x2] =	wrdreg s2  }
0xaf: {  	[dreg:$0x3] =	wrdreg s24  }
0xb0: {  	[dreg:$0x4] =	wrdreg $0xB9800  }
0xb1: {  	[dreg:$0x5] =	wrdreg $0x9  }
0xb2: {  	_ =	task.clear_ibuf [dreg:s7], $0x6FFFF;
	_ =	strace $0x90000046  }
0xb3: {  	s29 =	simm.s32 $0x9;
	_ =	strace $0x80000048  }
0xb4: {  	_ =	swait.ge [sflag:s29], $0x1  }
0xb5: {  	[sflag:s29] =	ssyncadd.s32 $0xFFFFFFFF  }
0xb6: {  	_ =	strace $0x90000048  }
0xb7: {  	_ =	sfence  }
0xb8: {  	s30 =	sld [smem:$0x0];
	_ =	sdelay $0x2  }
0xb9: {  	s31 =	sshll.u32 s1, $0xD;
	s1 =	sshrl.u32 s1, $0x2  }
0xba: {  	s3 =	sand.u32 $0x4000, s31;
	s1 =	sadd.s32 s1, s30  }
0xbb: {  	s0 =	sor.u32 s3, s0;
	s1 =	sshll.u32 s1, $0x11  }
0xbc: {  	s0 =	sor.u32 s1, s0  }
0xbd: {  	s0 =	sadd.s32 $0x8F2B, s0  }
0xbe: {  	[sflag:s0] =	ssyncadd.remote.s32 $0x1  }
0xbf: {  	_ =	sfence.sel $0xFFFF  }
0xc0: {  	[dreg:$0x0] =	wrdreg $0xFFFFFFFF;
	(pc) =	sbr.abs _section_cstart, $3  }
0xc1: {  	[dreg:$0x1] =	wrdreg $0xFFFFFFFF  }
0xc2: {  	_ =	task.clear_ibuf [dreg:s7], $0x2FFFF;
	_ =	strace $0x9FFFFFFF  }
0xc3: {  	(tm) =	ssettm $0x7FFFFFFF  }
tec
execute0_lowered:
.L_overlay_start_1:
0x0: {  	(tag) =	ssettag $0x1  }
0x1: {  	s1 =	rddreg [dreg:$0x0]  }
0x2: {  	s0 =	rddreg [dreg:$0x1]  }
0x3: {  	s2 =	rddreg [dreg:$0x2];
	s3 =	simm.s32 $0x0;
	s12 =	stileid.u32  }
0x4: {  	s6 =	srdreg.scid;
	s30 =	simm.s32 $0x2980;
	s31 =	simm.s32 $0xD  }
0x5: {  	[smem:$0x7FF] =	sst s3;
	s4 =	smul.u32 $0x4EC, s12;
	s5 =	sadd.s32 $0x60400, s0  }
0x6: {  	s7 =	smul.u32 $0x4F000, s12;
	s9 =	sadd.s32 $0x7800, s0;
	s6 =	sand.u32 $0x1, s6  }
0x7: {  	s8 =	sadd.s32 $0xD8400, s0;
	s23 =	sadd.s32 $0x100400, s0;
	s29 =	smul.u32 $0x4600, s12  }
0x8: {  	s14 =	sshll.u32 s12, $0x9;
	_ =	strace $0x80000047;
	[dreg:$0x4] =	wrdreg s8  }
0x9: {  	s18 =	sadd.s32 $0xFFC00, s0;
	s19 =	smul.u32 $0x8C0, s12;
	[dreg:$0x5] =	wrdreg s23  }
0xa: {  	s20 =	sadd.s32 $0x100080, s0;
	p1 =	sne.s32 s12, $0x0;
	[dreg:$0xe] =	wrdreg s18  }
0xb: {  	s10 =	ssub.s32 $0x2, s6;
	p0 =	seq.s32 s6, $0x1;
	[dreg:$0xf] =	wrdreg s20  }
0xc: {  	s23 =	sadd.s32 $0x127C00, s0;
	s18 =	simm.s32 $0x2880;
	s4 =	sadd.s32 s4, s0  }
0xd: {  	s7 =	sshrl.u32 s7, $0x2;
	s11 =	sshrl.u32 s10, $0x1;
	s6 =	sand.u32 $0x7FC00, s29  }
0xe: {  	s22 =	sadd.s32 s19, s9;
	[dreg:$0x13] =	wrdreg s23;
	s0 =	sadd.s32 $0x128080, s0  }
0xf: {  	s29 =	smul.u32 $0x2780, s12;
	s4 =	sadd.s32 $0x2800, s4;
	[dreg:$0x14] =	wrdreg s0  }
0x10: {  	s23 =	simm.s32 $0x9;
	s8 =	sadd.s32 s7, s2;
	[dreg:$0x10] =	wrdreg s4  }
0x11: {  	s12 =	simm.s32 $0xC;
	s25 =	sadd.s32 $0x2400, s8;
	[dreg:$0x19] =	wrdreg s29  }
0x12: {  	s19 =	simm.s32 $0x0;
	s26 =	sadd.s32 $0x4800, s8;
	[dreg:$0x6] =	wrdreg s25  }
0x13: {  	s24 =	ssub.s32 s10, s11;
	s28 =	sadd.s32 $0x6C00, s8;
	[dreg:$0x7] =	wrdreg s26  }
0x14: {  	s10 =	sand.u32 $0x200, s14;
	s11 =	sadd.s32 $0x9000, s8;
	[dreg:$0x8] =	wrdreg s28  }
0x15: {  	s0 =	simm.s32 $0x2780;
	s13 =	sadd.s32 $0xB400, s8;
	[dreg:$0x9] =	wrdreg s11  }
0x16: {  	s7 =	simm.s32 $0x9580;
	s15 =	sadd.s32 $0xD800, s8;
	[dreg:$0xa] =	wrdreg s13  }
0x17: {  	s14 =	simm.s32 $0x8;
	s16 =	sadd.s32 $0xFC00, s8;
	[dreg:$0xb] =	wrdreg s15  }
0x18: {  	s17 =	sadd.s32 $0x12000, s8;
	s6 =	sor.u32 s10, s6;
	[dreg:$0xc] =	wrdreg s16  }
0x19: {  	s24 =	smax.u32 s24, $0x1;
	s4 =	simm.s32 $0x1;
	[dreg:$0xd] =	wrdreg s17  }
0x1a: {  	s10 =	simm.s32 $0x3;
	s6 =	sshrl.u32 s6, $0x3;
	[dreg:$0x15] =	wrdreg s24  }
0x1b: {  	s25 =	sadd.s32 $0x40, s22;
	s17 =	simm.s32 $0x7180;
	s22 =	simm.s32 $0x2900  }
.Ltmp0:
0x1c: {  	s6 =	sadd.s32 s9, s6;
	[dreg:$0x16] =	wrdreg s25;
	(pc) =	sbr.rel .LBB2_1-.Ltmp0, $4  }
0x1d: {  	s11 =	simm.s32 $0x7;
	s21 =	sadd.s32 $0x10, s6;
	[dreg:$0x11] =	wrdreg s6  }
0x1e: {  	s13 =	simm.s32 $0x4;
	s26 =	sadd.s32 $0x20, s6;
	[dreg:$0x12] =	wrdreg s21  }
0x1f: {  	s16 =	simm.s32 $0x6;
	s28 =	sadd.s32 $0x30, s6;
	[dreg:$0x17] =	wrdreg s26  }
0x20: {  	v0 =	vimm.f32 $0.0e+00;
	s9 =	simm.s32 $0xB;
	s6 =	simm.s32 $0x48;
	[dreg:$0x18] =	wrdreg s28  }
.LBB2_10:
0x21: {  	s21 =	rddreg [dreg:$0x5]  }
.LBB2_11:
0x22: {  	_ =	swait.ge [sflag:s12], $0x80  }
0x23: {  	[sflag:s12] =	ssyncset.done $0x0  }
0x24: {  	[sflag:s12] =	ssyncadd.s32 $0xFFFFFF80  }
0x25: {  	_ =	swait.ge [sflag:s13], $0x2400  }
0x26: {  	[sflag:s13] =	ssyncset.done $0x0  }
0x27: {  	s15 =	simm.s32 $0x5;
	[sflag:s13] =	ssyncadd.s32 $0xFFFFDC00  }
0x28: {  	[spmem:s2] =	stream.indirect.scatter.add.f32 [tilespmem:s7], [sflag:$0x8], $0x80, s22, s6, $0xb8;
	[tilespmem:$0x1F580] =	vst v63  }
0x29: {  	_ =	swait.ge [sflag:s15], $0x2400  }
0x2a: {  	[sflag:s15] =	ssyncset.done $0x0  }
0x2b: {  	[sflag:s15] =	ssyncadd.s32 $0xFFFFDC00  }
0x2c: {  	_ =	swait.ge [sflag:s16], $0x2400  }
0x2d: {  	[sflag:s16] =	ssyncset.done $0x0  }
0x2e: {  	[sflag:s16] =	ssyncadd.s32 $0xFFFFDC00  }
0x2f: {  	_ =	swait.ge [sflag:s11], $0x2400  }
0x30: {  	[sflag:s11] =	ssyncset.done $0x0  }
0x31: {  	[sflag:s11] =	ssyncadd.s32 $0xFFFFDC00  }
0x32: {  	_ =	swait.ge [sflag:s14], $0x2400  }
0x33: {  	s20 =	stileid.u32;
	s28 =	sshrl.u32 s8, $0x3;
	[sflag:s14] =	ssyncset.done $0x0  }
0x34: {  	s20 =	sshll.u32 s20, $0x6;
	s26 =	rddreg [dreg:$0x19];
	[sflag:s14] =	ssyncadd.s32 $0xFFFFDC00  }
0x35: {  	s20 =	sor.u32 $0x1C0D, s20;
	s15 =	sadd.s32 s21, s26;
	[bflag:$0x0] =	sbarrier.arrive $0xFFFF  }
0x36: {  	[hbm:s15], [sflag:s20] =	dma.local [spmem:s28], $0x2780  }
0x37: {  	_ =	swait.ge [sflag:s31], $0x2780  }
0x38: {  	s19 =	sadd.s32 $0x1, s19;
	s29 =	rddreg [dreg:$0x15]  }
0x39: {  	p2 =	sne.s32 s19, s29  }
.Ltmp1:
0x3a: {  	_ = 	snop;
	(pc) =	sbr.rel @!p2 .LBB2_12-.Ltmp1, $3  }
0x3b: {  	_ =	sdelay $0x1  }
0x3c: {  	[sflag:s31] =	ssyncset.done $0x0  }
0x3d: {  	[sflag:s31] =	ssyncadd.s32 $0xFFFFD880  }
.LBB2_1:
.Ltmp2:
0x3e: {  	(pc) =	sbr.rel @!p0 .LBB2_2-.Ltmp2, $2  }
0x3f: {  	_ =	sdelay $0x2  }
0x40: {  	s21 =	sshra.s32 s3, $0x2;
	s25 =	sadd.s32 $0x200, s3  }
.LBB2_7:
0x41: {  	p2 =	sne.s32 s25, $0x8E00;
	[tilespmem:s21+$0x29F0] =	vst v0  }
0x42: {  	[tilespmem:s21+$0x2980] =	vst v0  }
0x43: {  	[tilespmem:s21+$0x2990] =	vst v0  }
.Ltmp3:
0x44: {  	[tilespmem:s21+$0x29A0] =	vst v0;
	(pc) =	sbr.rel @p2 .LBB2_7-.Ltmp3, $4  }
0x45: {  	[tilespmem:s21+$0x29B0] =	vst v0  }
0x46: {  	[tilespmem:s21+$0x29C0] =	vst v0  }
0x47: {  	[tilespmem:s21+$0x29D0] =	vst v0  }
0x48: {  	[tilespmem:s21+$0x29E0] =	vst v0;
	s21 =	sshra.s32 s25, $0x2;
	s25 =	sadd.s32 $0x200, s25  }
0x49: {  	[tilespmem:s21+$0x29F0] =	vst v0  }
0x4a: {  	[tilespmem:s21+$0x2980] =	vst v0  }
0x4b: {  	[tilespmem:s21+$0x2990] =	vst v0  }
0x4c: {  	[tilespmem:s21+$0x29A0] =	vst v0  }
0x4d: {  	[tilespmem:s21+$0x29B0] =	vst v0  }
0x4e: {  	[tilespmem:s21+$0x29C0] =	vst v0  }
0x4f: {  	[tilespmem:s21+$0x29D0] =	vst v0  }
0x50: {  	[tilespmem:s21+$0x29E0] =	vst v0  }
0x51: {  	[spmem:s8] =	stream.linear.scatter [tilespmem:s30], [sflag:$0xD], $0x2400, $0x38;
	[tilespmem:$0x1F580] =	vst v63  }
0x52: {  	_ =	swait.ge [sflag:s31], $0x2400  }
0x53: {  	[sflag:s31] =	ssyncset.done $0x0  }
0x54: {  	s15 =	rddreg [dreg:$0x6];
	[sflag:s31] =	ssyncadd.s32 $0xFFFFDC00  }
0x55: {  	[spmem:s15] =	stream.linear.scatter [tilespmem:s30], [sflag:$0xD], $0x2400, $0x38;
	[tilespmem:$0x1F580] =	vst v63  }
0x56: {  	_ =	swait.ge [sflag:s31], $0x2400  }
0x57: {  	[sflag:s31] =	ssyncset.done $0x0  }
0x58: {  	s25 =	rddreg [dreg:$0x7];
	[sflag:s31] =	ssyncadd.s32 $0xFFFFDC00  }
0x59: {  	[spmem:s25] =	stream.linear.scatter [tilespmem:s30], [sflag:$0xD], $0x2400, $0x38;
	[tilespmem:$0x1F580] =	vst v63  }
0x5a: {  	_ =	swait.ge [sflag:s31], $0x2400  }
0x5b: {  	[sflag:s31] =	ssyncset.done $0x0  }
0x5c: {  	s26 =	rddreg [dreg:$0x8];
	[sflag:s31] =	ssyncadd.s32 $0xFFFFDC00  }
0x5d: {  	[spmem:s26] =	stream.linear.scatter [tilespmem:s30], [sflag:$0xD], $0x2400, $0x38;
	[tilespmem:$0x1F580] =	vst v63  }
0x5e: {  	_ =	swait.ge [sflag:s31], $0x2400  }
0x5f: {  	[sflag:s31] =	ssyncset.done $0x0  }
0x60: {  	s28 =	rddreg [dreg:$0x9];
	[sflag:s31] =	ssyncadd.s32 $0xFFFFDC00  }
0x61: {  	[spmem:s28] =	stream.linear.scatter [tilespmem:s30], [sflag:$0xD], $0x2400, $0x38;
	[tilespmem:$0x1F580] =	vst v63  }
0x62: {  	_ =	swait.ge [sflag:s31], $0x2400  }
0x63: {  	[sflag:s31] =	ssyncset.done $0x0  }
0x64: {  	s29 =	rddreg [dreg:$0xa];
	[sflag:s31] =	ssyncadd.s32 $0xFFFFDC00  }
0x65: {  	[spmem:s29] =	stream.linear.scatter [tilespmem:s30], [sflag:$0xD], $0x2400, $0x38;
	[tilespmem:$0x1F580] =	vst v63  }
0x66: {  	_ =	swait.ge [sflag:s31], $0x2400  }
0x67: {  	[sflag:s31] =	ssyncset.done $0x0  }
0x68: {  	s20 =	rddreg [dreg:$0xb];
	[sflag:s31] =	ssyncadd.s32 $0xFFFFDC00  }
0x69: {  	[spmem:s20] =	stream.linear.scatter [tilespmem:s30], [sflag:$0xD], $0x2400, $0x38;
	[tilespmem:$0x1F580] =	vst v63  }
0x6a: {  	_ =	swait.ge [sflag:s31], $0x2400  }
0x6b: {  	[sflag:s31] =	ssyncset.done $0x0  }
0x6c: {  	s21 =	rddreg [dreg:$0xc];
	[sflag:s31] =	ssyncadd.s32 $0xFFFFDC00  }
0x6d: {  	[spmem:s21] =	stream.linear.scatter [tilespmem:s30], [sflag:$0xD], $0x2400, $0x38;
	[tilespmem:$0x1F580] =	vst v63  }
0x6e: {  	_ =	swait.ge [sflag:s31], $0x2400  }
0x6f: {  	[sflag:s31] =	ssyncset.done $0x0  }
0x70: {  	s24 =	rddreg [dreg:$0xd];
	[sflag:s31] =	ssyncadd.s32 $0xFFFFDC00  }
0x71: {  	[spmem:s24] =	stream.linear.scatter [tilespmem:s30], [sflag:$0xD], $0x1C00, $0x38;
	[tilespmem:$0x1F580] =	vst v63  }
0x72: {  	_ =	swait.ge [sflag:s31], $0x1C00  }
0x73: {  	s15 =	simm.s32 @!p1 $0x0;
	[sflag:s31] =	ssyncset.done $0x0  }
0x74: {  	s20 =	simm.s32 @!p1 $0x2980;
	s21 =	rddreg [dreg:$0x13];
	[sflag:s31] =	ssyncadd.s32 $0xFFFFE400  }
0x75: {  	[hbm4b:s21+s15] =	stream.linear.scatter @!p1 [tilespmem:s20], [sflag:$0xD], $0x2400, $0x38;
	[tilespmem:$0x1F580] =	vst v63  }
0x76: {  	s21 =	simm.s32 @!p1 $0xD  }
0x77: {  	_ =	swait.ge @!p1 [sflag:s21], $0x2400  }
0x78: {  	[sflag:s21] =	ssyncset.done @!p1 $0x0  }
0x79: {  	s24 =	rddreg [dreg:$0x14];
	[sflag:s21] =	ssyncadd.s32 @!p1 $0xFFFFDC00  }
0x7a: {  	[hbm4b:s24+s15] =	stream.linear.scatter @!p1 [tilespmem:s20], [sflag:$0xD], $0x1C00, $0x38;
	[tilespmem:$0x1F580] =	vst v63  }
0x7b: {  	_ =	swait.ge @!p1 [sflag:s21], $0x1C00  }
0x7c: {  	[sflag:s21] =	ssyncset.done @!p1 $0x0  }
0x7d: {  	[sflag:s21] =	ssyncadd.s32 @!p1 $0xFFFFE400  }
0x7e: {  	[bflag:$0x0] =	sbarrier.arrive $0xFFFF  }
0x7f: {  	s21 =	simm.s32 $0x0;
	s25 =	rddreg [dreg:$0x10]  }
0x80: {  	[tilespmem:s21], [sflag:$0xD] =	stream.linear.gather [hbm4b:s25+s21], $0x2760, $0x38;
	[tilespmem:$0x1F580] =	vst v63  }
0x81: {  	_ =	swait.ge [sflag:s31], $0x2760  }
0x82: {  	[sflag:s31] =	ssyncset.done $0x0  }
0x83: {  	s26 =	rddreg [dreg:$0x11];
	[sflag:s31] =	ssyncadd.s32 $0xFFFFD8A0  }
0x84: {  	[tilespmem:s0], [sflag:$0x9] =	stream.linear.gather [hbm4b:s26+s21], $0x80, $0x38;
	[tilespmem:$0x1F580] =	vst v63  }
0x85: {  	_ = 	snop  }
0x86: {  	[tilespmem:s30], [sflag:$0x1] =	stream.indirect.gather [hbm4b:s5+s6], $0x80, s21, s6, $0xb8;
	[tilespmem:$0x1F580] =	vst v63  }
0x87: {  	s29 =	simm.s32 $0x2800;
	s28 =	rddreg [dreg:$0x12]  }
0x88: {  	[tilespmem:s29], [sflag:$0xA] =	stream.linear.gather [hbm4b:s28+s21], $0x80, $0x38;
	[tilespmem:$0x1F580] =	vst v63  }
0x89: {  	s24 =	simm.s32 $0x4D80  }
0x8a: {  	[tilespmem:s24], [sflag:$0x2] =	stream.indirect.gather [hbm4b:s5+s6], $0x80, s6, s6, $0xb8;
	[tilespmem:$0x1F580] =	vst v63  }
0x8b: {  	s25 =	rddreg [dreg:$0x17]  }
0x8c: {  	[tilespmem:s18], [sflag:$0xB] =	stream.linear.gather [hbm4b:s25+s21], $0x80, $0x38;
	[tilespmem:$0x1F580] =	vst v63  }
0x8d: {  	s26 =	simm.s32 $0x90  }
0x8e: {  	[tilespmem:s17], [sflag:$0x3] =	stream.indirect.gather [hbm4b:s5+s6], $0x80, s26, s6, $0xb8;
	[tilespmem:$0x1F580] =	vst v63  }
0x8f: {  	s28 =	rddreg [dreg:$0x18]  }
0x90: {  	[tilespmem:s22], [sflag:$0xC] =	stream.linear.gather [hbm4b:s28+s21], $0x80, $0x38;
	[tilespmem:$0x1F580] =	vst v63  }
0x91: {  	s29 =	simm.s32 $0xD8;
	s25 =	rddreg [dreg:$0x16]  }
0x92: {  	[tilespmem:s7], [sflag:$0x4] =	stream.indirect.gather [hbm4b:s5+s6], $0x80, s29, s6, $0xb8;
	[tilespmem:$0x1F580] =	vst v63  }
.LBB2_9:
0x93: {  	_ =	swait.ge [sflag:s23], $0x80  }
0x94: {  	[sflag:s23] =	ssyncset.done $0x0  }
0x95: {  	[sflag:s23] =	ssyncadd.s32 $0xFFFFFF80  }
0x96: {  	_ =	swait.ge [sflag:s4], $0x2400  }
0x97: {  	p2 =	seq.s32 s21, $0x9900;
	[sflag:s4] =	ssyncset.done $0x0  }
0x98: {  	s15 =	simm.s32 @p2 $0xA;
	[sflag:s4] =	ssyncadd.s32 $0xFFFFDC00  }
0x99: {  	[spmem:s2] =	stream.indirect.scatter.add.f32 [tilespmem:s30], [sflag:$0x5], $0x80, s0, s6, $0xb8;
	[tilespmem:$0x1F580] =	vst v63  }
0x9a: {  	_ =	swait.ge @p2 [sflag:s15], $0x80  }
0x9b: {  	[sflag:s15] =	ssyncset.done @p2 $0x0  }
0x9c: {  	[sflag:s15] =	ssyncadd.s32 @p2 $0xFFFFFF80;
	s15 =	simm.s32 @p2 $0x2  }
0x9d: {  	_ =	swait.ge @p2 [sflag:s15], $0x2400  }
0x9e: {  	s20 =	simm.s32 @p2 $0x2800;
	[sflag:s15] =	ssyncset.done @p2 $0x0  }
0x9f: {  	s24 =	simm.s32 @p2 $0x4D80;
	[sflag:s15] =	ssyncadd.s32 @p2 $0xFFFFDC00;
	s15 =	simm.s32 @p2 $0x48  }
0xa0: {  	[spmem:s2] =	stream.indirect.scatter.add.f32 @p2 [tilespmem:s24], [sflag:$0x6], $0x80, s20, s15, $0xb8;
	[tilespmem:$0x1F580] =	vst v63  }
0xa1: {  	s15 =	simm.s32 @!p2 $0x5  }
0xa2: {  	_ =	swait.ge @!p2 [sflag:s15], $0x2400  }
0xa3: {  	[sflag:s15] =	ssyncset.done @!p2 $0x0  }
0xa4: {  	s20 =	simm.s32 @!p2 $0x2780;
	[sflag:s15] =	ssyncadd.s32 @!p2 $0xFFFFDC00;
	s15 =	simm.s32 @!p2 $0x0  }
0xa5: {  	[tilespmem:s20], [sflag:$0x9] =	stream.linear.gather @!p2 [hbm4b:s25+s15], $0x80, $0x38;
	[tilespmem:$0x1F580] =	vst v63  }
0xa6: {  	s20 =	sshra.s32 @!p2 s21, $0x2  }
0xa7: {  	s26 =	simm.s32 @!p2 $0x48;
	s28 =	simm.s32 @!p2 $0x2980;
	s24 =	sadd.s32 @!p2 $0x120, s20  }
0xa8: {  	[tilespmem:s28], [sflag:$0x1] =	stream.indirect.gather @!p2 [hbm4b:s5+s26], $0x80, s24, s26, $0xb8;
	[tilespmem:$0x1F580] =	vst v63  }
0xa9: {  	s24 =	simm.s32 @!p2 $0xA  }
0xaa: {  	_ =	swait.ge @!p2 [sflag:s24], $0x80  }
0xab: {  	[sflag:s24] =	ssyncset.done @!p2 $0x0  }
0xac: {  	[sflag:s24] =	ssyncadd.s32 @!p2 $0xFFFFFF80;
	s24 =	simm.s32 @!p2 $0x2  }
0xad: {  	_ =	swait.ge @!p2 [sflag:s24], $0x2400  }
0xae: {  	s29 =	simm.s32 @!p2 $0x6;
	[sflag:s24] =	ssyncset.done @!p2 $0x0  }
0xaf: {  	s28 =	simm.s32 @!p2 $0x4D80;
	[sflag:s24] =	ssyncadd.s32 @!p2 $0xFFFFDC00;
	s24 =	simm.s32 @!p2 $0x2800  }
0xb0: {  	[spmem:s2] =	stream.indirect.scatter.add.f32 @!p2 [tilespmem:s28], [sflag:$0x6], $0x80, s24, s26, $0xb8;
	[tilespmem:$0x1F580] =	vst v63  }
0xb1: {  	_ =	swait.ge @!p2 [sflag:s29], $0x2400  }
0xb2: {  	[sflag:s29] =	ssyncset.done @!p2 $0x0  }
0xb3: {  	[sflag:s29] =	ssyncadd.s32 @!p2 $0xFFFFDC00;
	s29 =	sadd.s32 @!p2 $0x10, s25  }
0xb4: {  	[tilespmem:s24], [sflag:$0xA] =	stream.linear.gather @!p2 [hbm4b:s29+s15], $0x80, $0x38;
	[tilespmem:$0x1F580] =	vst v63  }
0xb5: {  	s15 =	sadd.s32 @!p2 $0x168, s20  }
0xb6: {  	[tilespmem:s28], [sflag:$0x2] =	stream.indirect.gather @!p2 [hbm4b:s5+s26], $0x80, s15, s26, $0xb8;
	[tilespmem:$0x1F580] =	vst v63  }
0xb7: {  	_ =	swait.ge [sflag:s9], $0x80  }
0xb8: {  	[sflag:s9] =	ssyncset.done $0x0  }
.Ltmp4:
0xb9: {  	[sflag:s9] =	ssyncadd.s32 $0xFFFFFF80;
	(pc) =	sbr.rel @p2 .LBB2_10-.Ltmp4, $4  }
0xba: {  	_ =	swait.ge [sflag:s10], $0x2400  }
0xbb: {  	[sflag:s10] =	ssyncset.done $0x0  }
0xbc: {  	[sflag:s10] =	ssyncadd.s32 $0xFFFFDC00  }
0xbd: {  	[spmem:s2] =	stream.indirect.scatter.add.f32 [tilespmem:s17], [sflag:$0x7], $0x80, s18, s6, $0xb8;
	[tilespmem:$0x1F580] =	vst v63  }
0xbe: {  	_ =	swait.ge [sflag:s11], $0x2400  }
0xbf: {  	[sflag:s11] =	ssyncset.done $0x0  }
0xc0: {  	s15 =	sadd.s32 $0x20, s25;
	s28 =	sshra.s32 s21, $0x2;
	[sflag:s11] =	ssyncadd.s32 $0xFFFFDC00  }
0xc1: {  	[tilespmem:s18], [sflag:$0xB] =	stream.linear.gather [hbm4b:s15+s3], $0x80, $0x38;
	[tilespmem:$0x1F580] =	vst v63  }
0xc2: {  	s20 =	sadd.s32 $0x1B0, s28  }
0xc3: {  	[tilespmem:s17], [sflag:$0x3] =	stream.indirect.gather [hbm4b:s5+s6], $0x80, s20, s6, $0xb8;
	[tilespmem:$0x1F580] =	vst v63  }
0xc4: {  	_ =	swait.ge [sflag:s12], $0x80  }
0xc5: {  	[sflag:s12] =	ssyncset.done $0x0  }
0xc6: {  	[sflag:s12] =	ssyncadd.s32 $0xFFFFFF80  }
0xc7: {  	_ =	swait.ge [sflag:s13], $0x2400  }
0xc8: {  	[sflag:s13] =	ssyncset.done $0x0  }
0xc9: {  	[sflag:s13] =	ssyncadd.s32 $0xFFFFDC00  }
0xca: {  	[spmem:s2] =	stream.indirect.scatter.add.f32 [tilespmem:s7], [sflag:$0x8], $0x80, s22, s6, $0xb8;
	[tilespmem:$0x1F580] =	vst v63  }
0xcb: {  	_ =	swait.ge [sflag:s14], $0x2400  }
.Ltmp5:
0xcc: {  	[sflag:s14] =	ssyncset.done $0x0;
	(pc) =	sbr.rel .LBB2_9-.Ltmp5, $4  }
0xcd: {  	s29 =	sadd.s32 $0x30, s25;
	[sflag:s14] =	ssyncadd.s32 $0xFFFFDC00  }
0xce: {  	[tilespmem:s22], [sflag:$0xC] =	stream.linear.gather [hbm4b:s29+s3], $0x80, $0x38;
	[tilespmem:$0x1F580] =	vst v63  }
0xcf: {  	s21 =	sadd.s32 $0x480, s21;
	s25 =	sadd.s32 $0x40, s25;
	s15 =	sadd.s32 $0x1F8, s28  }
0xd0: {  	[tilespmem:s7], [sflag:$0x4] =	stream.indirect.gather [hbm4b:s5+s6], $0x80, s15, s6, $0xb8;
	[tilespmem:$0x1F580] =	vst v63  }
.LBB2_2:
0xd1: {  	p2 =	sne.s32 s25, $0x8E00;
	[tilespmem:s21+$0x29F0] =	vst v0  }
0xd2: {  	[tilespmem:s21+$0x2980] =	vst v0  }
0xd3: {  	[tilespmem:s21+$0x2990] =	vst v0  }
.Ltmp6:
0xd4: {  	[tilespmem:s21+$0x29A0] =	vst v0;
	(pc) =	sbr.rel @p2 .LBB2_2-.Ltmp6, $4  }
0xd5: {  	[tilespmem:s21+$0x29B0] =	vst v0  }
0xd6: {  	[tilespmem:s21+$0x29C0] =	vst v0  }
0xd7: {  	[tilespmem:s21+$0x29D0] =	vst v0  }
0xd8: {  	[tilespmem:s21+$0x29E0] =	vst v0;
	s21 =	sshra.s32 s25, $0x2;
	s25 =	sadd.s32 $0x200, s25  }
0xd9: {  	[tilespmem:s21+$0x29F0] =	vst v0  }
0xda: {  	[tilespmem:s21+$0x2980] =	vst v0  }
0xdb: {  	[tilespmem:s21+$0x2990] =	vst v0  }
0xdc: {  	[tilespmem:s21+$0x29A0] =	vst v0  }
0xdd: {  	[tilespmem:s21+$0x29B0] =	vst v0  }
0xde: {  	[tilespmem:s21+$0x29C0] =	vst v0  }
0xdf: {  	[tilespmem:s21+$0x29D0] =	vst v0  }
0xe0: {  	[tilespmem:s21+$0x29E0] =	vst v0  }
0xe1: {  	[spmem:s8] =	stream.linear.scatter [tilespmem:s30], [sflag:$0xD], $0x2400, $0x38;
	[tilespmem:$0x1F580] =	vst v63  }
0xe2: {  	_ =	swait.ge [sflag:s31], $0x2400  }
0xe3: {  	[sflag:s31] =	ssyncset.done $0x0  }
0xe4: {  	s15 =	rddreg [dreg:$0x6];
	[sflag:s31] =	ssyncadd.s32 $0xFFFFDC00  }
0xe5: {  	[spmem:s15] =	stream.linear.scatter [tilespmem:s30], [sflag:$0xD], $0x2400, $0x38;
	[tilespmem:$0x1F580] =	vst v63  }
0xe6: {  	_ =	swait.ge [sflag:s31], $0x2400  }
0xe7: {  	[sflag:s31] =	ssyncset.done $0x0  }
0xe8: {  	s26 =	rddreg [dreg:$0x7];
	[sflag:s31] =	ssyncadd.s32 $0xFFFFDC00  }
0xe9: {  	[spmem:s26] =	stream.linear.scatter [tilespmem:s30], [sflag:$0xD], $0x2400, $0x38;
	[tilespmem:$0x1F580] =	vst v63  }
0xea: {  	_ =	swait.ge [sflag:s31], $0x2400  }
0xeb: {  	[sflag:s31] =	ssyncset.done $0x0  }
0xec: {  	s28 =	rddreg [dreg:$0x8];
	[sflag:s31] =	ssyncadd.s32 $0xFFFFDC00  }
0xed: {  	[spmem:s28] =	stream.linear.scatter [tilespmem:s30], [sflag:$0xD], $0x2400, $0x38;
	[tilespmem:$0x1F580] =	vst v63  }
0xee: {  	_ =	swait.ge [sflag:s31], $0x2400  }
0xef: {  	[sflag:s31] =	ssyncset.done $0x0  }
0xf0: {  	s29 =	rddreg [dreg:$0x9];
	[sflag:s31] =	ssyncadd.s32 $0xFFFFDC00  }
0xf1: {  	[spmem:s29] =	stream.linear.scatter [tilespmem:s30], [sflag:$0xD], $0x2400, $0x38;
	[tilespmem:$0x1F580] =	vst v63  }
0xf2: {  	_ =	swait.ge [sflag:s31], $0x2400  }
0xf3: {  	[sflag:s31] =	ssyncset.done $0x0  }
0xf4: {  	s20 =	rddreg [dreg:$0xa];
	[sflag:s31] =	ssyncadd.s32 $0xFFFFDC00  }
0xf5: {  	[spmem:s20] =	stream.linear.scatter [tilespmem:s30], [sflag:$0xD], $0x2400, $0x38;
	[tilespmem:$0x1F580] =	vst v63  }
0xf6: {  	_ =	swait.ge [sflag:s31], $0x2400  }
0xf7: {  	[sflag:s31] =	ssyncset.done $0x0  }
0xf8: {  	s21 =	rddreg [dreg:$0xb];
	[sflag:s31] =	ssyncadd.s32 $0xFFFFDC00  }
0xf9: {  	[spmem:s21] =	stream.linear.scatter [tilespmem:s30], [sflag:$0xD], $0x2400, $0x38;
	[tilespmem:$0x1F580] =	vst v63  }
0xfa: {  	_ =	swait.ge [sflag:s31], $0x2400  }
0xfb: {  	[sflag:s31] =	ssyncset.done $0x0  }
0xfc: {  	s24 =	rddreg [dreg:$0xc];
	[sflag:s31] =	ssyncadd.s32 $0xFFFFDC00  }
0xfd: {  	[spmem:s24] =	stream.linear.scatter [tilespmem:s30], [sflag:$0xD], $0x2400, $0x38;
	[tilespmem:$0x1F580] =	vst v63  }
0xfe: {  	_ =	swait.ge [sflag:s31], $0x2400  }
0xff: {  	[sflag:s31] =	ssyncset.done $0x0  }
0x100: {  	s25 =	rddreg [dreg:$0xd];
	[sflag:s31] =	ssyncadd.s32 $0xFFFFDC00  }
0x101: {  	[spmem:s25] =	stream.linear.scatter [tilespmem:s30], [sflag:$0xD], $0x1C00, $0x38;
	[tilespmem:$0x1F580] =	vst v63  }
0x102: {  	_ =	swait.ge [sflag:s31], $0x1C00  }
0x103: {  	s26 =	simm.s32 @!p1 $0xD;
	s21 =	simm.s32 @!p1 $0x0;
	[sflag:s31] =	ssyncset.done $0x0  }
0x104: {  	s25 =	simm.s32 @!p1 $0x2980;
	s15 =	rddreg [dreg:$0xe];
	[sflag:s31] =	ssyncadd.s32 $0xFFFFE400  }
0x105: {  	[hbm4b:s15+s21] =	stream.linear.scatter @!p1 [tilespmem:s25], [sflag:$0xD], $0x2400, $0x38;
	[tilespmem:$0x1F580] =	vst v63  }
0x106: {  	_ =	swait.ge @!p1 [sflag:s26], $0x2400  }
0x107: {  	[sflag:s26] =	ssyncset.done @!p1 $0x0  }
0x108: {  	s15 =	rddreg [dreg:$0xf];
	[sflag:s26] =	ssyncadd.s32 @!p1 $0xFFFFDC00  }
0x109: {  	[hbm4b:s15+s21] =	stream.linear.scatter @!p1 [tilespmem:s25], [sflag:$0xD], $0x1C00, $0x38;
	[tilespmem:$0x1F580] =	vst v63  }
0x10a: {  	_ =	swait.ge @!p1 [sflag:s26], $0x1C00  }
0x10b: {  	[sflag:s26] =	ssyncset.done @!p1 $0x0  }
0x10c: {  	[sflag:s26] =	ssyncadd.s32 @!p1 $0xFFFFE400  }
0x10d: {  	[bflag:$0x0] =	sbarrier.arrive $0xFFFF  }
0x10e: {  	s21 =	simm.s32 $0x0;
	s26 =	rddreg [dreg:$0x10]  }
0x10f: {  	[tilespmem:s21], [sflag:$0xD] =	stream.linear.gather [hbm4b:s26+s21], $0x2760, $0x38;
	[tilespmem:$0x1F580] =	vst v63  }
0x110: {  	_ =	swait.ge [sflag:s31], $0x2760  }
0x111: {  	[sflag:s31] =	ssyncset.done $0x0  }
0x112: {  	s28 =	rddreg [dreg:$0x11];
	[sflag:s31] =	ssyncadd.s32 $0xFFFFD8A0  }
0x113: {  	[tilespmem:s0], [sflag:$0x9] =	stream.linear.gather [hbm4b:s28+s21], $0x80, $0x38;
	[tilespmem:$0x1F580] =	vst v63  }
0x114: {  	_ = 	snop  }
0x115: {  	[tilespmem:s30], [sflag:$0x1] =	stream.indirect.gather [hbm4b:s1+s6], $0x80, s21, s6, $0xb8;
	[tilespmem:$0x1F580] =	vst v63  }
0x116: {  	s20 =	simm.s32 $0x2800;
	s29 =	rddreg [dreg:$0x12]  }
0x117: {  	[tilespmem:s20], [sflag:$0xA] =	stream.linear.gather [hbm4b:s29+s21], $0x80, $0x38;
	[tilespmem:$0x1F580] =	vst v63  }
0x118: {  	s24 =	simm.s32 $0x4D80  }
0x119: {  	[tilespmem:s24], [sflag:$0x2] =	stream.indirect.gather [hbm4b:s1+s6], $0x80, s6, s6, $0xb8;
	[tilespmem:$0x1F580] =	vst v63  }
0x11a: {  	s25 =	rddreg [dreg:$0x17]  }
0x11b: {  	[tilespmem:s18], [sflag:$0xB] =	stream.linear.gather [hbm4b:s25+s21], $0x80, $0x38;
	[tilespmem:$0x1F580] =	vst v63  }
0x11c: {  	s26 =	simm.s32 $0x90  }
0x11d: {  	[tilespmem:s17], [sflag:$0x3] =	stream.indirect.gather [hbm4b:s1+s6], $0x80, s26, s6, $0xb8;
	[tilespmem:$0x1F580] =	vst v63  }
0x11e: {  	s28 =	rddreg [dreg:$0x18]  }
0x11f: {  	[tilespmem:s22], [sflag:$0xC] =	stream.linear.gather [hbm4b:s28+s21], $0x80, $0x38;
	[tilespmem:$0x1F580] =	vst v63  }
0x120: {  	s29 =	simm.s32 $0xD8;
	s25 =	rddreg [dreg:$0x16]  }
0x121: {  	[tilespmem:s7], [sflag:$0x4] =	stream.indirect.gather [hbm4b:s1+s6], $0x80, s29, s6, $0xb8;
	[tilespmem:$0x1F580] =	vst v63  }
.LBB2_4:
0x122: {  	_ =	swait.ge [sflag:s23], $0x80  }
0x123: {  	[sflag:s23] =	ssyncset.done $0x0  }
0x124: {  	[sflag:s23] =	ssyncadd.s32 $0xFFFFFF80  }
0x125: {  	_ =	swait.ge [sflag:s4], $0x2400  }
0x126: {  	p2 =	seq.s32 s21, $0x9900;
	[sflag:s4] =	ssyncset.done $0x0  }
0x127: {  	s26 =	simm.s32 @p2 $0xA;
	[sflag:s4] =	ssyncadd.s32 $0xFFFFDC00  }
0x128: {  	[spmem:s2] =	stream.indirect.scatter.add.f32 [tilespmem:s30], [sflag:$0x5], $0x80, s0, s6, $0xb8;
	[tilespmem:$0x1F580] =	vst v63  }
0x129: {  	_ =	swait.ge @p2 [sflag:s26], $0x80  }
0x12a: {  	[sflag:s26] =	ssyncset.done @p2 $0x0  }
0x12b: {  	[sflag:s26] =	ssyncadd.s32 @p2 $0xFFFFFF80;
	s26 =	simm.s32 @p2 $0x2  }
0x12c: {  	_ =	swait.ge @p2 [sflag:s26], $0x2400  }
0x12d: {  	s28 =	simm.s32 @p2 $0x2800;
	[sflag:s26] =	ssyncset.done @p2 $0x0  }
0x12e: {  	s29 =	simm.s32 @p2 $0x4D80;
	[sflag:s26] =	ssyncadd.s32 @p2 $0xFFFFDC00;
	s26 =	simm.s32 @p2 $0x48  }
0x12f: {  	[spmem:s2] =	stream.indirect.scatter.add.f32 @p2 [tilespmem:s29], [sflag:$0x6], $0x80, s28, s26, $0xb8;
	[tilespmem:$0x1F580] =	vst v63  }
0x130: {  	s26 =	simm.s32 @!p2 $0x5  }
0x131: {  	_ =	swait.ge @!p2 [sflag:s26], $0x2400  }
0x132: {  	[sflag:s26] =	ssyncset.done @!p2 $0x0  }
0x133: {  	s28 =	simm.s32 @!p2 $0x2780;
	[sflag:s26] =	ssyncadd.s32 @!p2 $0xFFFFDC00;
	s26 =	simm.s32 @!p2 $0x0  }
0x134: {  	[tilespmem:s28], [sflag:$0x9] =	stream.linear.gather @!p2 [hbm4b:s25+s26], $0x80, $0x38;
	[tilespmem:$0x1F580] =	vst v63  }
0x135: {  	s28 =	sshra.s32 @!p2 s21, $0x2  }
0x136: {  	s24 =	simm.s32 @!p2 $0x48;
	s20 =	simm.s32 @!p2 $0x2980;
	s29 =	sadd.s32 @!p2 $0x120, s28  }
0x137: {  	[tilespmem:s20], [sflag:$0x1] =	stream.indirect.gather @!p2 [hbm4b:s1+s24], $0x80, s29, s24, $0xb8;
	[tilespmem:$0x1F580] =	vst v63  }
0x138: {  	s20 =	simm.s32 @!p2 $0xA  }
0x139: {  	_ =	swait.ge @!p2 [sflag:s20], $0x80  }
0x13a: {  	[sflag:s20] =	ssyncset.done @!p2 $0x0  }
0x13b: {  	[sflag:s20] =	ssyncadd.s32 @!p2 $0xFFFFFF80;
	s20 =	simm.s32 @!p2 $0x2  }
0x13c: {  	_ =	swait.ge @!p2 [sflag:s20], $0x2400  }
0x13d: {  	s15 =	simm.s32 @!p2 $0x6;
	[sflag:s20] =	ssyncset.done @!p2 $0x0  }
0x13e: {  	s29 =	simm.s32 @!p2 $0x4D80;
	[sflag:s20] =	ssyncadd.s32 @!p2 $0xFFFFDC00;
	s20 =	simm.s32 @!p2 $0x2800  }
0x13f: {  	[spmem:s2] =	stream.indirect.scatter.add.f32 @!p2 [tilespmem:s29], [sflag:$0x6], $0x80, s20, s24, $0xb8;
	[tilespmem:$0x1F580] =	vst v63  }
0x140: {  	_ =	swait.ge @!p2 [sflag:s15], $0x2400  }
0x141: {  	[sflag:s15] =	ssyncset.done @!p2 $0x0  }
0x142: {  	[sflag:s15] =	ssyncadd.s32 @!p2 $0xFFFFDC00;
	s15 =	sadd.s32 @!p2 $0x10, s25  }
0x143: {  	[tilespmem:s20], [sflag:$0xA] =	stream.linear.gather @!p2 [hbm4b:s15+s26], $0x80, $0x38;
	[tilespmem:$0x1F580] =	vst v63  }
0x144: {  	s15 =	sadd.s32 @!p2 $0x168, s28  }
0x145: {  	[tilespmem:s29], [sflag:$0x2] =	stream.indirect.gather @!p2 [hbm4b:s1+s24], $0x80, s15, s24, $0xb8;
	[tilespmem:$0x1F580] =	vst v63  }
0x146: {  	_ =	swait.ge [sflag:s9], $0x80  }
0x147: {  	[sflag:s9] =	ssyncset.done $0x0  }
.Ltmp7:
0x148: {  	[sflag:s9] =	ssyncadd.s32 $0xFFFFFF80;
	(pc) =	sbr.rel @p2 .LBB2_5-.Ltmp7, $4  }
0x149: {  	_ =	swait.ge [sflag:s10], $0x2400  }
0x14a: {  	[sflag:s10] =	ssyncset.done $0x0  }
0x14b: {  	[sflag:s10] =	ssyncadd.s32 $0xFFFFDC00  }
0x14c: {  	[spmem:s2] =	stream.indirect.scatter.add.f32 [tilespmem:s17], [sflag:$0x7], $0x80, s18, s6, $0xb8;
	[tilespmem:$0x1F580] =	vst v63  }
0x14d: {  	_ =	swait.ge [sflag:s11], $0x2400  }
0x14e: {  	[sflag:s11] =	ssyncset.done $0x0  }
0x14f: {  	s15 =	sadd.s32 $0x20, s25;
	s28 =	sshra.s32 s21, $0x2;
	[sflag:s11] =	ssyncadd.s32 $0xFFFFDC00  }
0x150: {  	[tilespmem:s18], [sflag:$0xB] =	stream.linear.gather [hbm4b:s15+s3], $0x80, $0x38;
	[tilespmem:$0x1F580] =	vst v63  }
0x151: {  	s20 =	sadd.s32 $0x1B0, s28  }
0x152: {  	[tilespmem:s17], [sflag:$0x3] =	stream.indirect.gather [hbm4b:s1+s6], $0x80, s20, s6, $0xb8;
	[tilespmem:$0x1F580] =	vst v63  }
0x153: {  	_ =	swait.ge [sflag:s12], $0x80  }
0x154: {  	[sflag:s12] =	ssyncset.done $0x0  }
0x155: {  	[sflag:s12] =	ssyncadd.s32 $0xFFFFFF80  }
0x156: {  	_ =	swait.ge [sflag:s13], $0x2400  }
0x157: {  	[sflag:s13] =	ssyncset.done $0x0  }
0x158: {  	[sflag:s13] =	ssyncadd.s32 $0xFFFFDC00  }
0x159: {  	[spmem:s2] =	stream.indirect.scatter.add.f32 [tilespmem:s7], [sflag:$0x8], $0x80, s22, s6, $0xb8;
	[tilespmem:$0x1F580] =	vst v63  }
0x15a: {  	_ =	swait.ge [sflag:s14], $0x2400  }
.Ltmp8:
0x15b: {  	[sflag:s14] =	ssyncset.done $0x0;
	(pc) =	sbr.rel .LBB2_4-.Ltmp8, $4  }
0x15c: {  	s29 =	sadd.s32 $0x30, s25;
	[sflag:s14] =	ssyncadd.s32 $0xFFFFDC00  }
0x15d: {  	[tilespmem:s22], [sflag:$0xC] =	stream.linear.gather [hbm4b:s29+s3], $0x80, $0x38;
	[tilespmem:$0x1F580] =	vst v63  }
0x15e: {  	s21 =	sadd.s32 $0x480, s21;
	s25 =	sadd.s32 $0x40, s25;
	s15 =	sadd.s32 $0x1F8, s28  }
0x15f: {  	[tilespmem:s7], [sflag:$0x4] =	stream.indirect.gather [hbm4b:s1+s6], $0x80, s15, s6, $0xb8;
	[tilespmem:$0x1F580] =	vst v63  }
.LBB2_5:
.Ltmp9:
0x160: {  	(pc) =	sbr.rel .LBB2_11-.Ltmp9, $2  }
0x161: {  	_ =	sdelay $0x2  }
0x162: {  	s21 =	rddreg [dreg:$0x4]  }
.LBB2_12:
0x163: {  	_ =	sfence.sel $0x180000  }
0x164: {  	[bflag:$0x0] =	sbarrier.arrive $0xFFFF  }
0x165: {  	_ =	strace $0x90000047  }
0x166: {  	[bflag:$0x2] =	sbarrier.arrive $0xFFFF  }
0x167: {  	s0 =	rddreg [dreg:$0x3]  }
0x168: {  	s0 =	sadd.s32 @!p1 $0x100000, s0  }
0x169: {  	[sflag:s0] =	ssyncadd.tile.s32 @!p1 $0x1;
	_ =	shalt  }
.Lfunc_end2:
_tile_overlayer_lowered:
.L_overlay_start_2:
0x16a: {  	(tag) =	ssettag $0x2  }
0x16b: {  	s0 =	rddreg [dreg:$0x0];
	s2 =	stileid.u32  }
0x16c: {  	s1 =	rddreg [dreg:$0x1];
	p0 =	sne.s32 s2, $0x0  }
0x16d: {  	s3 =	rddreg [dreg:$0x2];
	[bflag:$0x3] =	sbarrier.arrive $0xFFFF;
	s2 =	simm.s32 @!p0 $0x1C0D  }
0x16e: {  	[timem:s3], [sflag:s2] =	dma.local @!p0 [hbm:s0], s1  }
0x16f: {  	s0 =	simm.s32 @!p0 $0xD  }
0x170: {  	_ =	swait.ge @!p0 [sflag:s0], s1  }
0x171: {  	s1 =	ssub.s32 @!p0 $0x0, s1;
	[sflag:s0] =	ssyncset.done @!p0 $0x0  }
0x172: {  	[sflag:s0] =	ssyncadd.s32 @!p0 s1  }
0x173: {  	[bflag:$0x3] =	sbarrier.arrive $0xFFFF  }
0x174: {  	_ =	shalt  }

</sc_bundles>
